<compile_context>
chip_gen: v7x
topology: tpu7x:2x2x1
jax: 0.10.2.dev20260603
libtpu: 0.0.44.dev20260713+nightly
codegen_flags: <defaults>
</compile_context>

<pallas_src>
import functools

import jax
import jax.numpy as jnp
from jax import lax
from jax.experimental import pallas as pl
from jax.experimental.pallas import tpu as pltpu
from jax.experimental.pallas import tpu_sc as plsc

_FIELDS = 26
_FIELD_SIZE = 100000
_BATCH = 4096
_NC = 2
_NS = 16
_NW = _NC * _NS
_BPW = _BATCH // _NW
_CHUNK = _BPW // 16
_PER_TILE = _BPW * _FIELDS

_mesh = plsc.VectorSubcoreMesh(core_axis_name="c", subcore_axis_name="s")


@functools.partial(
    pl.kernel,
    out_type=jax.ShapeDtypeStruct((_BATCH,), jnp.float32),
    mesh=_mesh,
    scratch_types=[
        pltpu.VMEM((_FIELDS, _BPW), jnp.int32),
        pltpu.VMEM((_PER_TILE,), jnp.int32),
        pltpu.VMEM((_PER_TILE,), jnp.float32),
        pltpu.VMEM((_BPW,), jnp.float32),
        pltpu.VMEM((16,), jnp.float32),
        pltpu.SemaphoreType.DMA,
        pltpu.SemaphoreType.DMA,
        pltpu.SemaphoreType.DMA,
        pltpu.SemaphoreType.DMA,
        pltpu.SemaphoreType.DMA,
    ],
    compiler_params=pltpu.CompilerParams(needs_layout_passes=False),
)
def _sc_features_linear(xt_hbm, fc_hbm, bias_hbm, out_hbm,
                        xtv, idxv, vals, outv, bias_v,
                        semx1, semx2, sem0, sem1, sem2):
    wid = lax.axis_index("s") * _NC + lax.axis_index("c")
    base = wid * _BPW
    splits = [(0, 8), (8, 16), (16, 26)]
    sems = [sem0, sem1, sem2]

    f0 = splits[0][1]
    xcp1 = pltpu.async_copy(xt_hbm.at[pl.ds(0, f0), pl.ds(base, _BPW)],
                            xtv.at[pl.ds(0, f0)], semx1)
    xcp2 = pltpu.async_copy(xt_hbm.at[pl.ds(f0, _FIELDS - f0), pl.ds(base, _BPW)],
                            xtv.at[pl.ds(f0, _FIELDS - f0)], semx2)
    pltpu.sync_copy(bias_hbm, bias_v.at[pl.ds(0, 1)])
    bvec = jnp.broadcast_to(bias_v[...][0], (16,))

    copies = []
    for s, ((flo, fhi), sem) in enumerate(zip(splits, sems)):
        if s == 0:
            xcp1.wait()
        elif s == 1:
            xcp2.wait()
        for f in range(flo, fhi):
            for c in range(_CHUNK):
                idxv[pl.ds(f * _BPW + c * 16, 16)] = (
                    xtv[f, pl.ds(c * 16, 16)] + (f * _FIELD_SIZE)
                )
        lo, n = flo * _BPW, (fhi - flo) * _BPW
        copies.append(
            pltpu.async_copy(fc_hbm.at[0].at[idxv.at[pl.ds(lo, n)]],
                             vals.at[pl.ds(lo, n)], sem)
        )

    for s, ((flo, fhi), cp) in enumerate(zip(splits, copies)):
        cp.wait()
        for c in range(_CHUNK):
            acc = bvec if s == 0 else outv[pl.ds(c * 16, 16)]
            for f in range(flo, fhi):
                acc = acc + vals[pl.ds(f * _BPW + c * 16, 16)]
            outv[pl.ds(c * 16, 16)] = acc

    pltpu.sync_copy(outv, out_hbm.at[pl.ds(base, _BPW)])


def kernel(x, fc, bias):
    xt = x.astype(jnp.int32).T
    fct = fc.astype(jnp.float32).T
    out = _sc_features_linear(xt, fct, bias.astype(jnp.float32))
    return out.reshape(_BATCH, 1)

# --- scband reference (transcript-rebuilt; emitter-appended) ---
"""Pipeline reference for scband-features-linear-26654567039192 (READ-ONLY COPY).

The authoritative reference and input builder live on the scoring server;
editing this copy changes nothing except your own understanding.
"""

import jax, jax.numpy as jnp
import numpy as np

FIELD_DIMS = [100000] * 26
NUM_EMB = sum(FIELD_DIMS)
OUTPUT_DIM = 1
BATCH = 4096


def setup_inputs(seed: int = 0) -> dict:
    key = jax.random.key(seed)
    k1, k2 = jax.random.split(key)
    x = jax.random.randint(k1, (BATCH, len(FIELD_DIMS)), 0, 100000, dtype=jnp.int64) if jax.config.jax_enable_x64 else jax.random.randint(k1, (BATCH, len(FIELD_DIMS)), 0, 100000, dtype=jnp.int32)
    fc = jax.random.normal(k2, (NUM_EMB, OUTPUT_DIM), dtype=jnp.float32) * 0.01
    bias = jnp.zeros((OUTPUT_DIM,), dtype=jnp.float32)
    return {"x": x, "fc": fc, "bias": bias}


def reference(x, fc, bias):
    offsets = jnp.asarray(np.array((0, *np.cumsum(FIELD_DIMS)[:-1]), dtype=np.int64), dtype=x.dtype)
    idx = x + offsets[None, :]
    emb = jnp.take(fc, idx, axis=0)  # [B, F, output_dim]
    return jnp.sum(emb, axis=1) + bias

if __name__ == "__main__":
    import jax
    _d = setup_inputs()
    print(jax.jit(kernel)(*tuple(_d.values())))

</pallas_src>

<mosaic_0001>
#map = affine_map<(d0, d1) -> (0, 0)>
#map1 = affine_map<(d0, d1) -> (0)>
module attributes {stable_mosaic.version = 14 : i64} {
  func.func @_sc_features_linear(%arg0: i32, %arg1: i32, %arg2: memref<26x4096xi32, #tpu.memory_space<hbm>>, %arg3: memref<1x2600000xf32, #tpu.memory_space<hbm>>, %arg4: memref<1xf32, #tpu.memory_space<hbm>>, %arg5: memref<4096xf32, #tpu.memory_space<hbm>>, %arg6: memref<26x128xi32, #tpu.memory_space<vmem>>, %arg7: memref<3328xi32, #tpu.memory_space<vmem>>, %arg8: memref<3328xf32, #tpu.memory_space<vmem>>, %arg9: memref<128xf32, #tpu.memory_space<vmem>>, %arg10: memref<16xf32, #tpu.memory_space<vmem>>, %arg11: memref<!tpu.dma_semaphore, #tpu.memory_space<semaphore_mem>>, %arg12: memref<!tpu.dma_semaphore, #tpu.memory_space<semaphore_mem>>, %arg13: memref<!tpu.dma_semaphore, #tpu.memory_space<semaphore_mem>>, %arg14: memref<!tpu.dma_semaphore, #tpu.memory_space<semaphore_mem>>, %arg15: memref<!tpu.dma_semaphore, #tpu.memory_space<semaphore_mem>>) attributes {dimension_semantics = [#tpu.dimension_semantics<core_parallel>, #tpu.dimension_semantics<subcore_parallel>], iteration_bounds = array<i64: 2, 16>, scalar_prefetch = 0 : i64, scratch_operands = 10 : i64, tpu.core_type = #tpu.core_type<sc_vector_subcore>, window_params = [{transform_indices = #map}, {transform_indices = #map}, {transform_indices = #map1}, {transform_indices = #map1}]} {
    %mul3A = arith.constant 2 : i32
    %mul3A_0 = arith.muli %arg1, %mul3A : i32
    %add3A = arith.addi %mul3A_0, %arg0 : i32
    %mul3A_1 = arith.constant 128 : i32
    %mul3A_2 = arith.muli %add3A, %mul3A_1 : i32
    %dma_start3A = arith.constant 0 : i32
    %dma_start3A_3 = arith.constant 0 : i32
    %dma_start3A_4 = tpu.memref_slice %arg6[%dma_start3A, %dma_start3A_3] : memref<26x128xi32, #tpu.memory_space<vmem>> -> memref<8x128xi32, #tpu.memory_space<vmem>>
    %dma_start3A_5 = arith.constant 0 : i32
    %dma_start3A_6 = tpu.memref_slice %arg2[%dma_start3A_5, %mul3A_2] : memref<26x4096xi32, #tpu.memory_space<hbm>> -> memref<8x128xi32, #tpu.memory_space<hbm>>
    %dma_start3A_7 = arith.constant 0 : i32
    %dma_start3A_8 = arith.constant 0 : i32
    %dma_start3A_9 = tpu.memref_slice %arg6[%dma_start3A_7, %dma_start3A_8] : memref<26x128xi32, #tpu.memory_space<vmem>> -> memref<8x128xi32, #tpu.memory_space<vmem>>
    %dma_start3A_10 = arith.constant 0 : i32
    %dma_start3A_11 = tpu.memref_slice %arg2[%dma_start3A_10, %mul3A_2] : memref<26x4096xi32, #tpu.memory_space<hbm>> -> memref<8x128xi32, #tpu.memory_space<hbm>>
    tpu.enqueue_dma source(%dma_start3A_11 : memref<8x128xi32, #tpu.memory_space<hbm>>) target(%dma_start3A_9 : memref<8x128xi32, #tpu.memory_space<vmem>>) target_semaphore(%arg11 : memref<!tpu.dma_semaphore, #tpu.memory_space<semaphore_mem>>)
    %dma_start3A_12 = arith.constant 8 : i32
    %dma_start3A_13 = arith.constant 0 : i32
    %dma_start3A_14 = tpu.memref_slice %arg6[%dma_start3A_12, %dma_start3A_13] : memref<26x128xi32, #tpu.memory_space<vmem>> -> memref<18x128xi32, #tpu.memory_space<vmem>>
    %dma_start3A_15 = arith.constant 8 : i32
    %dma_start3A_16 = tpu.memref_slice %arg2[%dma_start3A_15, %mul3A_2] : memref<26x4096xi32, #tpu.memory_space<hbm>> -> memref<18x128xi32, #tpu.memory_space<hbm>>
    %dma_start3A_17 = arith.constant 8 : i32
    %dma_start3A_18 = arith.constant 0 : i32
    %dma_start3A_19 = tpu.memref_slice %arg6[%dma_start3A_17, %dma_start3A_18] : memref<26x128xi32, #tpu.memory_space<vmem>> -> memref<18x128xi32, #tpu.memory_space<vmem>>
    %dma_start3A_20 = arith.constant 8 : i32
    %dma_start3A_21 = tpu.memref_slice %arg2[%dma_start3A_20, %mul3A_2] : memref<26x4096xi32, #tpu.memory_space<hbm>> -> memref<18x128xi32, #tpu.memory_space<hbm>>
    tpu.enqueue_dma source(%dma_start3A_21 : memref<18x128xi32, #tpu.memory_space<hbm>>) target(%dma_start3A_19 : memref<18x128xi32, #tpu.memory_space<vmem>>) target_semaphore(%arg12 : memref<!tpu.dma_semaphore, #tpu.memory_space<semaphore_mem>>)
    "tpu.region"() ({
      %run_scoped3A = tpu.sem_alloc : memref<!tpu.dma_semaphore, #tpu.memory_space<semaphore_mem>>
      %dma_start3A_2677 = arith.constant 0 : i32
      %dma_start3A_2678 = tpu.memref_slice %arg10[%dma_start3A_2677] : memref<16xf32, #tpu.memory_space<vmem>> -> memref<1xf32, #tpu.memory_space<vmem>>
      %dma_start3A_2679 = arith.constant 0 : i32
      %dma_start3A_2680 = tpu.memref_slice %arg10[%dma_start3A_2679] : memref<16xf32, #tpu.memory_space<vmem>> -> memref<1xf32, #tpu.memory_space<vmem>>
      tpu.enqueue_dma source(%arg4 : memref<1xf32, #tpu.memory_space<hbm>>) target(%dma_start3A_2680 : memref<1xf32, #tpu.memory_space<vmem>>) target_semaphore(%run_scoped3A : memref<!tpu.dma_semaphore, #tpu.memory_space<semaphore_mem>>)
      %dma_wait3A_2681 = arith.constant 0 : i32
      %dma_wait3A_2682 = tpu.memref_slice %arg10[%dma_wait3A_2681] : memref<16xf32, #tpu.memory_space<vmem>> -> memref<1xf32, #tpu.memory_space<vmem>>
      %dma_wait3A_2683 = arith.constant 0 : i32
      %dma_wait3A_2684 = tpu.memref_slice %arg10[%dma_wait3A_2683] : memref<16xf32, #tpu.memory_space<vmem>> -> memref<1xf32, #tpu.memory_space<vmem>>
      tpu.wait_dma2 semaphore(%run_scoped3A : memref<!tpu.dma_semaphore, #tpu.memory_space<semaphore_mem>>) src(%arg4 : memref<1xf32, #tpu.memory_space<hbm>>) dst(%dma_wait3A_2684 : memref<1xf32, #tpu.memory_space<vmem>>)
      tpu.yield
    }) : () -> ()
    %get3A = arith.constant 0 : index
    %get3A_22 = tpu.vector_load %arg10[%get3A] {strides = array<i32>} : memref<16xf32, #tpu.memory_space<vmem>>, vector<16xf32>,
    %slice3A = vector.extract_strided_slice %get3A_22 {offsets = [0], sizes = [1], strides = [1]} : vector<16xf32> to vector<1xf32>
    %squeeze3A = vector.extract %slice3A[0] : f32 from vector<1xf32>
    %broadcast_in_dim3A = vector.broadcast %squeeze3A : f32 to vector<16xf32>
    %dma_wait3A = arith.constant 0 : i32
    %dma_wait3A_23 = arith.constant 0 : i32
    %dma_wait3A_24 = tpu.memref_slice %arg6[%dma_wait3A, %dma_wait3A_23] : memref<26x128xi32, #tpu.memory_space<vmem>> -> memref<8x128xi32, #tpu.memory_space<vmem>>
    %dma_wait3A_25 = arith.constant 0 : i32
    %dma_wait3A_26 = tpu.memref_slice %arg2[%dma_wait3A_25, %mul3A_2] : memref<26x4096xi32, #tpu.memory_space<hbm>> -> memref<8x128xi32, #tpu.memory_space<hbm>>
    %dma_wait3A_27 = arith.constant 0 : i32
    %dma_wait3A_28 = arith.constant 0 : i32
    %dma_wait3A_29 = tpu.memref_slice %arg6[%dma_wait3A_27, %dma_wait3A_28] : memref<26x128xi32, #tpu.memory_space<vmem>> -> memref<8x128xi32, #tpu.memory_space<vmem>>
    %dma_wait3A_30 = arith.constant 0 : i32
    %dma_wait3A_31 = tpu.memref_slice %arg2[%dma_wait3A_30, %mul3A_2] : memref<26x4096xi32, #tpu.memory_space<hbm>> -> memref<8x128xi32, #tpu.memory_space<hbm>>
    tpu.wait_dma2 semaphore(%arg11 : memref<!tpu.dma_semaphore, #tpu.memory_space<semaphore_mem>>) src(%dma_wait3A_31 : memref<8x128xi32, #tpu.memory_space<hbm>>) dst(%dma_wait3A_29 : memref<8x128xi32, #tpu.memory_space<vmem>>)
    %get3A_32 = arith.constant 0 : i32
    %get3A_33 = arith.index_cast %get3A_32 : i32 to index
    %get3A_34 = arith.constant 0 : index
    %get3A_35 = tpu.vector_load %arg6[%get3A_33, %get3A_34] {strides = array<i32>} : memref<26x128xi32, #tpu.memory_space<vmem>>, vector<16xi32>,
    %add3A_36 = arith.constant 0 : i32
    %add3A_37 = vector.broadcast %add3A_36 : i32 to vector<16xi32>
    %add3A_38 = arith.addi %get3A_35, %add3A_37 : vector<16xi32>
    %swap3A = arith.constant 0 : index
    %swap3A_39 = tpu.vector_load %arg7[%swap3A] {strides = array<i32>} : memref<3328xi32, #tpu.memory_space<vmem>>, vector<16xi32>,
    tpu.vector_store %arg7[%swap3A], %add3A_38 {strides = array<i32>} : memref<3328xi32, #tpu.memory_space<vmem>>, vector<16xi32>,
    %get3A_40 = arith.constant 0 : i32
    %get3A_41 = arith.index_cast %get3A_40 : i32 to index
    %get3A_42 = arith.constant 16 : index
    %get3A_43 = tpu.vector_load %arg6[%get3A_41, %get3A_42] {strides = array<i32>} : memref<26x128xi32, #tpu.memory_space<vmem>>, vector<16xi32>,
    %add3A_44 = arith.constant 0 : i32
    %add3A_45 = vector.broadcast %add3A_44 : i32 to vector<16xi32>
    %add3A_46 = arith.addi %get3A_43, %add3A_45 : vector<16xi32>
    %swap3A_47 = arith.constant 16 : index
    %swap3A_48 = tpu.vector_load %arg7[%swap3A_47] {strides = array<i32>} : memref<3328xi32, #tpu.memory_space<vmem>>, vector<16xi32>,
    tpu.vector_store %arg7[%swap3A_47], %add3A_46 {strides = array<i32>} : memref<3328xi32, #tpu.memory_space<vmem>>, vector<16xi32>,
    %get3A_49 = arith.constant 0 : i32
    %get3A_50 = arith.index_cast %get3A_49 : i32 to index
    %get3A_51 = arith.constant 32 : index
    %get3A_52 = tpu.vector_load %arg6[%get3A_50, %get3A_51] {strides = array<i32>} : memref<26x128xi32, #tpu.memory_space<vmem>>, vector<16xi32>,
    %add3A_53 = arith.constant 0 : i32
    %add3A_54 = vector.broadcast %add3A_53 : i32 to vector<16xi32>
    %add3A_55 = arith.addi %get3A_52, %add3A_54 : vector<16xi32>
    %swap3A_56 = arith.constant 32 : index
    %swap3A_57 = tpu.vector_load %arg7[%swap3A_56] {strides = array<i32>} : memref<3328xi32, #tpu.memory_space<vmem>>, vector<16xi32>,
    tpu.vector_store %arg7[%swap3A_56], %add3A_55 {strides = array<i32>} : memref<3328xi32, #tpu.memory_space<vmem>>, vector<16xi32>,
    %get3A_58 = arith.constant 0 : i32
    %get3A_59 = arith.index_cast %get3A_58 : i32 to index
    %get3A_60 = arith.constant 48 : index
    %get3A_61 = tpu.vector_load %arg6[%get3A_59, %get3A_60] {strides = array<i32>} : memref<26x128xi32, #tpu.memory_space<vmem>>, vector<16xi32>,
    %add3A_62 = arith.constant 0 : i32
    %add3A_63 = vector.broadcast %add3A_62 : i32 to vector<16xi32>
    %add3A_64 = arith.addi %get3A_61, %add3A_63 : vector<16xi32>
    %swap3A_65 = arith.constant 48 : index
    %swap3A_66 = tpu.vector_load %arg7[%swap3A_65] {strides = array<i32>} : memref<3328xi32, #tpu.memory_space<vmem>>, vector<16xi32>,
    tpu.vector_store %arg7[%swap3A_65], %add3A_64 {strides = array<i32>} : memref<3328xi32, #tpu.memory_space<vmem>>, vector<16xi32>,
    %get3A_67 = arith.constant 0 : i32
    %get3A_68 = arith.index_cast %get3A_67 : i32 to index
    %get3A_69 = arith.constant 64 : index
    %get3A_70 = tpu.vector_load %arg6[%get3A_68, %get3A_69] {strides = array<i32>} : memref<26x128xi32, #tpu.memory_space<vmem>>, vector<16xi32>,
    %add3A_71 = arith.constant 0 : i32
    %add3A_72 = vector.broadcast %add3A_71 : i32 to vector<16xi32>
    %add3A_73 = arith.addi %get3A_70, %add3A_72 : vector<16xi32>
    %swap3A_74 = arith.constant 64 : index
    %swap3A_75 = tpu.vector_load %arg7[%swap3A_74] {strides = array<i32>} : memref<3328xi32, #tpu.memory_space<vmem>>, vector<16xi32>,
    tpu.vector_store %arg7[%swap3A_74], %add3A_73 {strides = array<i32>} : memref<3328xi32, #tpu.memory_space<vmem>>, vector<16xi32>,
    %get3A_76 = arith.constant 0 : i32
    %get3A_77 = arith.index_cast %get3A_76 : i32 to index
    %get3A_78 = arith.constant 80 : index
    %get3A_79 = tpu.vector_load %arg6[%get3A_77, %get3A_78] {strides = array<i32>} : memref<26x128xi32, #tpu.memory_space<vmem>>, vector<16xi32>,
    %add3A_80 = arith.constant 0 : i32
    %add3A_81 = vector.broadcast %add3A_80 : i32 to vector<16xi32>
    %add3A_82 = arith.addi %get3A_79, %add3A_81 : vector<16xi32>
    %swap3A_83 = arith.constant 80 : index
    %swap3A_84 = tpu.vector_load %arg7[%swap3A_83] {strides = array<i32>} : memref<3328xi32, #tpu.memory_space<vmem>>, vector<16xi32>,
    tpu.vector_store %arg7[%swap3A_83], %add3A_82 {strides = array<i32>} : memref<3328xi32, #tpu.memory_space<vmem>>, vector<16xi32>,
    %get3A_85 = arith.constant 0 : i32
    %get3A_86 = arith.index_cast %get3A_85 : i32 to index
    %get3A_87 = arith.constant 96 : index
    %get3A_88 = tpu.vector_load %arg6[%get3A_86, %get3A_87] {strides = array<i32>} : memref<26x128xi32, #tpu.memory_space<vmem>>, vector<16xi32>,
    %add3A_89 = arith.constant 0 : i32
    %add3A_90 = vector.broadcast %add3A_89 : i32 to vector<16xi32>
    %add3A_91 = arith.addi %get3A_88, %add3A_90 : vector<16xi32>
    %swap3A_92 = arith.constant 96 : index
    %swap3A_93 = tpu.vector_load %arg7[%swap3A_92] {strides = array<i32>} : memref<3328xi32, #tpu.memory_space<vmem>>, vector<16xi32>,
    tpu.vector_store %arg7[%swap3A_92], %add3A_91 {strides = array<i32>} : memref<3328xi32, #tpu.memory_space<vmem>>, vector<16xi32>,
    %get3A_94 = arith.constant 0 : i32
    %get3A_95 = arith.index_cast %get3A_94 : i32 to index
    %get3A_96 = arith.constant 112 : index
    %get3A_97 = tpu.vector_load %arg6[%get3A_95, %get3A_96] {strides = array<i32>} : memref<26x128xi32, #tpu.memory_space<vmem>>, vector<16xi32>,
    %add3A_98 = arith.constant 0 : i32
    %add3A_99 = vector.broadcast %add3A_98 : i32 to vector<16xi32>
    %add3A_100 = arith.addi %get3A_97, %add3A_99 : vector<16xi32>
    %swap3A_101 = arith.constant 112 : index
    %swap3A_102 = tpu.vector_load %arg7[%swap3A_101] {strides = array<i32>} : memref<3328xi32, #tpu.memory_space<vmem>>, vector<16xi32>,
    tpu.vector_store %arg7[%swap3A_101], %add3A_100 {strides = array<i32>} : memref<3328xi32, #tpu.memory_space<vmem>>, vector<16xi32>,
    %get3A_103 = arith.constant 1 : i32
    %get3A_104 = arith.index_cast %get3A_103 : i32 to index
    %get3A_105 = arith.constant 0 : index
    %get3A_106 = tpu.vector_load %arg6[%get3A_104, %get3A_105] {strides = array<i32>} : memref<26x128xi32, #tpu.memory_space<vmem>>, vector<16xi32>,
    %add3A_107 = arith.constant 100000 : i32
    %add3A_108 = vector.broadcast %add3A_107 : i32 to vector<16xi32>
    %add3A_109 = arith.addi %get3A_106, %add3A_108 : vector<16xi32>
    %swap3A_110 = arith.constant 128 : index
    %swap3A_111 = tpu.vector_load %arg7[%swap3A_110] {strides = array<i32>} : memref<3328xi32, #tpu.memory_space<vmem>>, vector<16xi32>,
    tpu.vector_store %arg7[%swap3A_110], %add3A_109 {strides = array<i32>} : memref<3328xi32, #tpu.memory_space<vmem>>, vector<16xi32>,
    %get3A_112 = arith.constant 1 : i32
    %get3A_113 = arith.index_cast %get3A_112 : i32 to index
    %get3A_114 = arith.constant 16 : index
    %get3A_115 = tpu.vector_load %arg6[%get3A_113, %get3A_114] {strides = array<i32>} : memref<26x128xi32, #tpu.memory_space<vmem>>, vector<16xi32>,
    %add3A_116 = arith.constant 100000 : i32
    %add3A_117 = vector.broadcast %add3A_116 : i32 to vector<16xi32>
    %add3A_118 = arith.addi %get3A_115, %add3A_117 : vector<16xi32>
    %swap3A_119 = arith.constant 144 : index
    %swap3A_120 = tpu.vector_load %arg7[%swap3A_119] {strides = array<i32>} : memref<3328xi32, #tpu.memory_space<vmem>>, vector<16xi32>,
    tpu.vector_store %arg7[%swap3A_119], %add3A_118 {strides = array<i32>} : memref<3328xi32, #tpu.memory_space<vmem>>, vector<16xi32>,
    %get3A_121 = arith.constant 1 : i32
    %get3A_122 = arith.index_cast %get3A_121 : i32 to index
    %get3A_123 = arith.constant 32 : index
    %get3A_124 = tpu.vector_load %arg6[%get3A_122, %get3A_123] {strides = array<i32>} : memref<26x128xi32, #tpu.memory_space<vmem>>, vector<16xi32>,
    %add3A_125 = arith.constant 100000 : i32
    %add3A_126 = vector.broadcast %add3A_125 : i32 to vector<16xi32>
    %add3A_127 = arith.addi %get3A_124, %add3A_126 : vector<16xi32>
    %swap3A_128 = arith.constant 160 : index
    %swap3A_129 = tpu.vector_load %arg7[%swap3A_128] {strides = array<i32>} : memref<3328xi32, #tpu.memory_space<vmem>>, vector<16xi32>,
    tpu.vector_store %arg7[%swap3A_128], %add3A_127 {strides = array<i32>} : memref<3328xi32, #tpu.memory_space<vmem>>, vector<16xi32>,
    %get3A_130 = arith.constant 1 : i32
    %get3A_131 = arith.index_cast %get3A_130 : i32 to index
    %get3A_132 = arith.constant 48 : index
    %get3A_133 = tpu.vector_load %arg6[%get3A_131, %get3A_132] {strides = array<i32>} : memref<26x128xi32, #tpu.memory_space<vmem>>, vector<16xi32>,
    %add3A_134 = arith.constant 100000 : i32
    %add3A_135 = vector.broadcast %add3A_134 : i32 to vector<16xi32>
    %add3A_136 = arith.addi %get3A_133, %add3A_135 : vector<16xi32>
    %swap3A_137 = arith.constant 176 : index
    %swap3A_138 = tpu.vector_load %arg7[%swap3A_137] {strides = array<i32>} : memref<3328xi32, #tpu.memory_space<vmem>>, vector<16xi32>,
    tpu.vector_store %arg7[%swap3A_137], %add3A_136 {strides = array<i32>} : memref<3328xi32, #tpu.memory_space<vmem>>, vector<16xi32>,
    %get3A_139 = arith.constant 1 : i32
    %get3A_140 = arith.index_cast %get3A_139 : i32 to index
    %get3A_141 = arith.constant 64 : index
    %get3A_142 = tpu.vector_load %arg6[%get3A_140, %get3A_141] {strides = array<i32>} : memref<26x128xi32, #tpu.memory_space<vmem>>, vector<16xi32>,
    %add3A_143 = arith.constant 100000 : i32
    %add3A_144 = vector.broadcast %add3A_143 : i32 to vector<16xi32>
    %add3A_145 = arith.addi %get3A_142, %add3A_144 : vector<16xi32>
    %swap3A_146 = arith.constant 192 : index
    %swap3A_147 = tpu.vector_load %arg7[%swap3A_146] {strides = array<i32>} : memref<3328xi32, #tpu.memory_space<vmem>>, vector<16xi32>,
    tpu.vector_store %arg7[%swap3A_146], %add3A_145 {strides = array<i32>} : memref<3328xi32, #tpu.memory_space<vmem>>, vector<16xi32>,
    %get3A_148 = arith.constant 1 : i32
    %get3A_149 = arith.index_cast %get3A_148 : i32 to index
    %get3A_150 = arith.constant 80 : index
    %get3A_151 = tpu.vector_load %arg6[%get3A_149, %get3A_150] {strides = array<i32>} : memref<26x128xi32, #tpu.memory_space<vmem>>, vector<16xi32>,
    %add3A_152 = arith.constant 100000 : i32
    %add3A_153 = vector.broadcast %add3A_152 : i32 to vector<16xi32>
    %add3A_154 = arith.addi %get3A_151, %add3A_153 : vector<16xi32>
    %swap3A_155 = arith.constant 208 : index
    %swap3A_156 = tpu.vector_load %arg7[%swap3A_155] {strides = array<i32>} : memref<3328xi32, #tpu.memory_space<vmem>>, vector<16xi32>,
    tpu.vector_store %arg7[%swap3A_155], %add3A_154 {strides = array<i32>} : memref<3328xi32, #tpu.memory_space<vmem>>, vector<16xi32>,
    %get3A_157 = arith.constant 1 : i32
    %get3A_158 = arith.index_cast %get3A_157 : i32 to index
    %get3A_159 = arith.constant 96 : index
    %get3A_160 = tpu.vector_load %arg6[%get3A_158, %get3A_159] {strides = array<i32>} : memref<26x128xi32, #tpu.memory_space<vmem>>, vector<16xi32>,
    %add3A_161 = arith.constant 100000 : i32
    %add3A_162 = vector.broadcast %add3A_161 : i32 to vector<16xi32>
    %add3A_163 = arith.addi %get3A_160, %add3A_162 : vector<16xi32>
    %swap3A_164 = arith.constant 224 : index
    %swap3A_165 = tpu.vector_load %arg7[%swap3A_164] {strides = array<i32>} : memref<3328xi32, #tpu.memory_space<vmem>>, vector<16xi32>,
    tpu.vector_store %arg7[%swap3A_164], %add3A_163 {strides = array<i32>} : memref<3328xi32, #tpu.memory_space<vmem>>, vector<16xi32>,
    %get3A_166 = arith.constant 1 : i32
    %get3A_167 = arith.index_cast %get3A_166 : i32 to index
    %get3A_168 = arith.constant 112 : index
    %get3A_169 = tpu.vector_load %arg6[%get3A_167, %get3A_168] {strides = array<i32>} : memref<26x128xi32, #tpu.memory_space<vmem>>, vector<16xi32>,
    %add3A_170 = arith.constant 100000 : i32
    %add3A_171 = vector.broadcast %add3A_170 : i32 to vector<16xi32>
    %add3A_172 = arith.addi %get3A_169, %add3A_171 : vector<16xi32>
    %swap3A_173 = arith.constant 240 : index
    %swap3A_174 = tpu.vector_load %arg7[%swap3A_173] {strides = array<i32>} : memref<3328xi32, #tpu.memory_space<vmem>>, vector<16xi32>,
    tpu.vector_store %arg7[%swap3A_173], %add3A_172 {strides = array<i32>} : memref<3328xi32, #tpu.memory_space<vmem>>, vector<16xi32>,
    %get3A_175 = arith.constant 2 : i32
    %get3A_176 = arith.index_cast %get3A_175 : i32 to index
    %get3A_177 = arith.constant 0 : index
    %get3A_178 = tpu.vector_load %arg6[%get3A_176, %get3A_177] {strides = array<i32>} : memref<26x128xi32, #tpu.memory_space<vmem>>, vector<16xi32>,
    %add3A_179 = arith.constant 200000 : i32
    %add3A_180 = vector.broadcast %add3A_179 : i32 to vector<16xi32>
    %add3A_181 = arith.addi %get3A_178, %add3A_180 : vector<16xi32>
    %swap3A_182 = arith.constant 256 : index
    %swap3A_183 = tpu.vector_load %arg7[%swap3A_182] {strides = array<i32>} : memref<3328xi32, #tpu.memory_space<vmem>>, vector<16xi32>,
    tpu.vector_store %arg7[%swap3A_182], %add3A_181 {strides = array<i32>} : memref<3328xi32, #tpu.memory_space<vmem>>, vector<16xi32>,
    %get3A_184 = arith.constant 2 : i32
    %get3A_185 = arith.index_cast %get3A_184 : i32 to index
    %get3A_186 = arith.constant 16 : index
    %get3A_187 = tpu.vector_load %arg6[%get3A_185, %get3A_186] {strides = array<i32>} : memref<26x128xi32, #tpu.memory_space<vmem>>, vector<16xi32>,
    %add3A_188 = arith.constant 200000 : i32
    %add3A_189 = vector.broadcast %add3A_188 : i32 to vector<16xi32>
    %add3A_190 = arith.addi %get3A_187, %add3A_189 : vector<16xi32>
    %swap3A_191 = arith.constant 272 : index
    %swap3A_192 = tpu.vector_load %arg7[%swap3A_191] {strides = array<i32>} : memref<3328xi32, #tpu.memory_space<vmem>>, vector<16xi32>,
    tpu.vector_store %arg7[%swap3A_191], %add3A_190 {strides = array<i32>} : memref<3328xi32, #tpu.memory_space<vmem>>, vector<16xi32>,
    %get3A_193 = arith.constant 2 : i32
    %get3A_194 = arith.index_cast %get3A_193 : i32 to index
    %get3A_195 = arith.constant 32 : index
    %get3A_196 = tpu.vector_load %arg6[%get3A_194, %get3A_195] {strides = array<i32>} : memref<26x128xi32, #tpu.memory_space<vmem>>, vector<16xi32>,
    %add3A_197 = arith.constant 200000 : i32
    %add3A_198 = vector.broadcast %add3A_197 : i32 to vector<16xi32>
    %add3A_199 = arith.addi %get3A_196, %add3A_198 : vector<16xi32>
    %swap3A_200 = arith.constant 288 : index
    %swap3A_201 = tpu.vector_load %arg7[%swap3A_200] {strides = array<i32>} : memref<3328xi32, #tpu.memory_space<vmem>>, vector<16xi32>,
    tpu.vector_store %arg7[%swap3A_200], %add3A_199 {strides = array<i32>} : memref<3328xi32, #tpu.memory_space<vmem>>, vector<16xi32>,
    %get3A_202 = arith.constant 2 : i32
    %get3A_203 = arith.index_cast %get3A_202 : i32 to index
    %get3A_204 = arith.constant 48 : index
    %get3A_205 = tpu.vector_load %arg6[%get3A_203, %get3A_204] {strides = array<i32>} : memref<26x128xi32, #tpu.memory_space<vmem>>, vector<16xi32>,
    %add3A_206 = arith.constant 200000 : i32
    %add3A_207 = vector.broadcast %add3A_206 : i32 to vector<16xi32>
    %add3A_208 = arith.addi %get3A_205, %add3A_207 : vector<16xi32>
    %swap3A_209 = arith.constant 304 : index
    %swap3A_210 = tpu.vector_load %arg7[%swap3A_209] {strides = array<i32>} : memref<3328xi32, #tpu.memory_space<vmem>>, vector<16xi32>,
    tpu.vector_store %arg7[%swap3A_209], %add3A_208 {strides = array<i32>} : memref<3328xi32, #tpu.memory_space<vmem>>, vector<16xi32>,
    %get3A_211 = arith.constant 2 : i32
    %get3A_212 = arith.index_cast %get3A_211 : i32 to index
    %get3A_213 = arith.constant 64 : index
    %get3A_214 = tpu.vector_load %arg6[%get3A_212, %get3A_213] {strides = array<i32>} : memref<26x128xi32, #tpu.memory_space<vmem>>, vector<16xi32>,
    %add3A_215 = arith.constant 200000 : i32
    %add3A_216 = vector.broadcast %add3A_215 : i32 to vector<16xi32>
    %add3A_217 = arith.addi %get3A_214, %add3A_216 : vector<16xi32>
    %swap3A_218 = arith.constant 320 : index
    %swap3A_219 = tpu.vector_load %arg7[%swap3A_218] {strides = array<i32>} : memref<3328xi32, #tpu.memory_space<vmem>>, vector<16xi32>,
    tpu.vector_store %arg7[%swap3A_218], %add3A_217 {strides = array<i32>} : memref<3328xi32, #tpu.memory_space<vmem>>, vector<16xi32>,
    %get3A_220 = arith.constant 2 : i32
    %get3A_221 = arith.index_cast %get3A_220 : i32 to index
    %get3A_222 = arith.constant 80 : index
    %get3A_223 = tpu.vector_load %arg6[%get3A_221, %get3A_222] {strides = array<i32>} : memref<26x128xi32, #tpu.memory_space<vmem>>, vector<16xi32>,
    %add3A_224 = arith.constant 200000 : i32
    %add3A_225 = vector.broadcast %add3A_224 : i32 to vector<16xi32>
    %add3A_226 = arith.addi %get3A_223, %add3A_225 : vector<16xi32>
    %swap3A_227 = arith.constant 336 : index
    %swap3A_228 = tpu.vector_load %arg7[%swap3A_227] {strides = array<i32>} : memref<3328xi32, #tpu.memory_space<vmem>>, vector<16xi32>,
    tpu.vector_store %arg7[%swap3A_227], %add3A_226 {strides = array<i32>} : memref<3328xi32, #tpu.memory_space<vmem>>, vector<16xi32>,
    %get3A_229 = arith.constant 2 : i32
    %get3A_230 = arith.index_cast %get3A_229 : i32 to index
    %get3A_231 = arith.constant 96 : index
    %get3A_232 = tpu.vector_load %arg6[%get3A_230, %get3A_231] {strides = array<i32>} : memref<26x128xi32, #tpu.memory_space<vmem>>, vector<16xi32>,
    %add3A_233 = arith.constant 200000 : i32
    %add3A_234 = vector.broadcast %add3A_233 : i32 to vector<16xi32>
    %add3A_235 = arith.addi %get3A_232, %add3A_234 : vector<16xi32>
    %swap3A_236 = arith.constant 352 : index
    %swap3A_237 = tpu.vector_load %arg7[%swap3A_236] {strides = array<i32>} : memref<3328xi32, #tpu.memory_space<vmem>>, vector<16xi32>,
    tpu.vector_store %arg7[%swap3A_236], %add3A_235 {strides = array<i32>} : memref<3328xi32, #tpu.memory_space<vmem>>, vector<16xi32>,
    %get3A_238 = arith.constant 2 : i32
    %get3A_239 = arith.index_cast %get3A_238 : i32 to index
    %get3A_240 = arith.constant 112 : index
    %get3A_241 = tpu.vector_load %arg6[%get3A_239, %get3A_240] {strides = array<i32>} : memref<26x128xi32, #tpu.memory_space<vmem>>, vector<16xi32>,
    %add3A_242 = arith.constant 200000 : i32
    %add3A_243 = vector.broadcast %add3A_242 : i32 to vector<16xi32>
    %add3A_244 = arith.addi %get3A_241, %add3A_243 : vector<16xi32>
    %swap3A_245 = arith.constant 368 : index
    %swap3A_246 = tpu.vector_load %arg7[%swap3A_245] {strides = array<i32>} : memref<3328xi32, #tpu.memory_space<vmem>>, vector<16xi32>,
    tpu.vector_store %arg7[%swap3A_245], %add3A_244 {strides = array<i32>} : memref<3328xi32, #tpu.memory_space<vmem>>, vector<16xi32>,
    %get3A_247 = arith.constant 3 : i32
    %get3A_248 = arith.index_cast %get3A_247 : i32 to index
    %get3A_249 = arith.constant 0 : index
    %get3A_250 = tpu.vector_load %arg6[%get3A_248, %get3A_249] {strides = array<i32>} : memref<26x128xi32, #tpu.memory_space<vmem>>, vector<16xi32>,
    %add3A_251 = arith.constant 300000 : i32
    %add3A_252 = vector.broadcast %add3A_251 : i32 to vector<16xi32>
    %add3A_253 = arith.addi %get3A_250, %add3A_252 : vector<16xi32>
    %swap3A_254 = arith.constant 384 : index
    %swap3A_255 = tpu.vector_load %arg7[%swap3A_254] {strides = array<i32>} : memref<3328xi32, #tpu.memory_space<vmem>>, vector<16xi32>,
    tpu.vector_store %arg7[%swap3A_254], %add3A_253 {strides = array<i32>} : memref<3328xi32, #tpu.memory_space<vmem>>, vector<16xi32>,
    %get3A_256 = arith.constant 3 : i32
    %get3A_257 = arith.index_cast %get3A_256 : i32 to index
    %get3A_258 = arith.constant 16 : index
    %get3A_259 = tpu.vector_load %arg6[%get3A_257, %get3A_258] {strides = array<i32>} : memref<26x128xi32, #tpu.memory_space<vmem>>, vector<16xi32>,
    %add3A_260 = arith.constant 300000 : i32
    %add3A_261 = vector.broadcast %add3A_260 : i32 to vector<16xi32>
    %add3A_262 = arith.addi %get3A_259, %add3A_261 : vector<16xi32>
    %swap3A_263 = arith.constant 400 : index
    %swap3A_264 = tpu.vector_load %arg7[%swap3A_263] {strides = array<i32>} : memref<3328xi32, #tpu.memory_space<vmem>>, vector<16xi32>,
    tpu.vector_store %arg7[%swap3A_263], %add3A_262 {strides = array<i32>} : memref<3328xi32, #tpu.memory_space<vmem>>, vector<16xi32>,
    %get3A_265 = arith.constant 3 : i32
    %get3A_266 = arith.index_cast %get3A_265 : i32 to index
    %get3A_267 = arith.constant 32 : index
    %get3A_268 = tpu.vector_load %arg6[%get3A_266, %get3A_267] {strides = array<i32>} : memref<26x128xi32, #tpu.memory_space<vmem>>, vector<16xi32>,
    %add3A_269 = arith.constant 300000 : i32
    %add3A_270 = vector.broadcast %add3A_269 : i32 to vector<16xi32>
    %add3A_271 = arith.addi %get3A_268, %add3A_270 : vector<16xi32>
    %swap3A_272 = arith.constant 416 : index
    %swap3A_273 = tpu.vector_load %arg7[%swap3A_272] {strides = array<i32>} : memref<3328xi32, #tpu.memory_space<vmem>>, vector<16xi32>,
    tpu.vector_store %arg7[%swap3A_272], %add3A_271 {strides = array<i32>} : memref<3328xi32, #tpu.memory_space<vmem>>, vector<16xi32>,
    %get3A_274 = arith.constant 3 : i32
    %get3A_275 = arith.index_cast %get3A_274 : i32 to index
    %get3A_276 = arith.constant 48 : index
    %get3A_277 = tpu.vector_load %arg6[%get3A_275, %get3A_276] {strides = array<i32>} : memref<26x128xi32, #tpu.memory_space<vmem>>, vector<16xi32>,
    %add3A_278 = arith.constant 300000 : i32
    %add3A_279 = vector.broadcast %add3A_278 : i32 to vector<16xi32>
    %add3A_280 = arith.addi %get3A_277, %add3A_279 : vector<16xi32>
    %swap3A_281 = arith.constant 432 : index
    %swap3A_282 = tpu.vector_load %arg7[%swap3A_281] {strides = array<i32>} : memref<3328xi32, #tpu.memory_space<vmem>>, vector<16xi32>,
    tpu.vector_store %arg7[%swap3A_281], %add3A_280 {strides = array<i32>} : memref<3328xi32, #tpu.memory_space<vmem>>, vector<16xi32>,
    %get3A_283 = arith.constant 3 : i32
    %get3A_284 = arith.index_cast %get3A_283 : i32 to index
    %get3A_285 = arith.constant 64 : index
    %get3A_286 = tpu.vector_load %arg6[%get3A_284, %get3A_285] {strides = array<i32>} : memref<26x128xi32, #tpu.memory_space<vmem>>, vector<16xi32>,
    %add3A_287 = arith.constant 300000 : i32
    %add3A_288 = vector.broadcast %add3A_287 : i32 to vector<16xi32>
    %add3A_289 = arith.addi %get3A_286, %add3A_288 : vector<16xi32>
    %swap3A_290 = arith.constant 448 : index
    %swap3A_291 = tpu.vector_load %arg7[%swap3A_290] {strides = array<i32>} : memref<3328xi32, #tpu.memory_space<vmem>>, vector<16xi32>,
    tpu.vector_store %arg7[%swap3A_290], %add3A_289 {strides = array<i32>} : memref<3328xi32, #tpu.memory_space<vmem>>, vector<16xi32>,
    %get3A_292 = arith.constant 3 : i32
    %get3A_293 = arith.index_cast %get3A_292 : i32 to index
    %get3A_294 = arith.constant 80 : index
    %get3A_295 = tpu.vector_load %arg6[%get3A_293, %get3A_294] {strides = array<i32>} : memref<26x128xi32, #tpu.memory_space<vmem>>, vector<16xi32>,
    %add3A_296 = arith.constant 300000 : i32
    %add3A_297 = vector.broadcast %add3A_296 : i32 to vector<16xi32>
    %add3A_298 = arith.addi %get3A_295, %add3A_297 : vector<16xi32>
    %swap3A_299 = arith.constant 464 : index
    %swap3A_300 = tpu.vector_load %arg7[%swap3A_299] {strides = array<i32>} : memref<3328xi32, #tpu.memory_space<vmem>>, vector<16xi32>,
    tpu.vector_store %arg7[%swap3A_299], %add3A_298 {strides = array<i32>} : memref<3328xi32, #tpu.memory_space<vmem>>, vector<16xi32>,
    %get3A_301 = arith.constant 3 : i32
    %get3A_302 = arith.index_cast %get3A_301 : i32 to index
    %get3A_303 = arith.constant 96 : index
    %get3A_304 = tpu.vector_load %arg6[%get3A_302, %get3A_303] {strides = array<i32>} : memref<26x128xi32, #tpu.memory_space<vmem>>, vector<16xi32>,
    %add3A_305 = arith.constant 300000 : i32
    %add3A_306 = vector.broadcast %add3A_305 : i32 to vector<16xi32>
    %add3A_307 = arith.addi %get3A_304, %add3A_306 : vector<16xi32>
    %swap3A_308 = arith.constant 480 : index
    %swap3A_309 = tpu.vector_load %arg7[%swap3A_308] {strides = array<i32>} : memref<3328xi32, #tpu.memory_space<vmem>>, vector<16xi32>,
    tpu.vector_store %arg7[%swap3A_308], %add3A_307 {strides = array<i32>} : memref<3328xi32, #tpu.memory_space<vmem>>, vector<16xi32>,
    %get3A_310 = arith.constant 3 : i32
    %get3A_311 = arith.index_cast %get3A_310 : i32 to index
    %get3A_312 = arith.constant 112 : index
    %get3A_313 = tpu.vector_load %arg6[%get3A_311, %get3A_312] {strides = array<i32>} : memref<26x128xi32, #tpu.memory_space<vmem>>, vector<16xi32>,
    %add3A_314 = arith.constant 300000 : i32
    %add3A_315 = vector.broadcast %add3A_314 : i32 to vector<16xi32>
    %add3A_316 = arith.addi %get3A_313, %add3A_315 : vector<16xi32>
    %swap3A_317 = arith.constant 496 : index
    %swap3A_318 = tpu.vector_load %arg7[%swap3A_317] {strides = array<i32>} : memref<3328xi32, #tpu.memory_space<vmem>>, vector<16xi32>,
    tpu.vector_store %arg7[%swap3A_317], %add3A_316 {strides = array<i32>} : memref<3328xi32, #tpu.memory_space<vmem>>, vector<16xi32>,
    %get3A_319 = arith.constant 4 : i32
    %get3A_320 = arith.index_cast %get3A_319 : i32 to index
    %get3A_321 = arith.constant 0 : index
    %get3A_322 = tpu.vector_load %arg6[%get3A_320, %get3A_321] {strides = array<i32>} : memref<26x128xi32, #tpu.memory_space<vmem>>, vector<16xi32>,
    %add3A_323 = arith.constant 400000 : i32
    %add3A_324 = vector.broadcast %add3A_323 : i32 to vector<16xi32>
    %add3A_325 = arith.addi %get3A_322, %add3A_324 : vector<16xi32>
    %swap3A_326 = arith.constant 512 : index
    %swap3A_327 = tpu.vector_load %arg7[%swap3A_326] {strides = array<i32>} : memref<3328xi32, #tpu.memory_space<vmem>>, vector<16xi32>,
    tpu.vector_store %arg7[%swap3A_326], %add3A_325 {strides = array<i32>} : memref<3328xi32, #tpu.memory_space<vmem>>, vector<16xi32>,
    %get3A_328 = arith.constant 4 : i32
    %get3A_329 = arith.index_cast %get3A_328 : i32 to index
    %get3A_330 = arith.constant 16 : index
    %get3A_331 = tpu.vector_load %arg6[%get3A_329, %get3A_330] {strides = array<i32>} : memref<26x128xi32, #tpu.memory_space<vmem>>, vector<16xi32>,
    %add3A_332 = arith.constant 400000 : i32
    %add3A_333 = vector.broadcast %add3A_332 : i32 to vector<16xi32>
    %add3A_334 = arith.addi %get3A_331, %add3A_333 : vector<16xi32>
    %swap3A_335 = arith.constant 528 : index
    %swap3A_336 = tpu.vector_load %arg7[%swap3A_335] {strides = array<i32>} : memref<3328xi32, #tpu.memory_space<vmem>>, vector<16xi32>,
    tpu.vector_store %arg7[%swap3A_335], %add3A_334 {strides = array<i32>} : memref<3328xi32, #tpu.memory_space<vmem>>, vector<16xi32>,
    %get3A_337 = arith.constant 4 : i32
    %get3A_338 = arith.index_cast %get3A_337 : i32 to index
    %get3A_339 = arith.constant 32 : index
    %get3A_340 = tpu.vector_load %arg6[%get3A_338, %get3A_339] {strides = array<i32>} : memref<26x128xi32, #tpu.memory_space<vmem>>, vector<16xi32>,
    %add3A_341 = arith.constant 400000 : i32
    %add3A_342 = vector.broadcast %add3A_341 : i32 to vector<16xi32>
    %add3A_343 = arith.addi %get3A_340, %add3A_342 : vector<16xi32>
    %swap3A_344 = arith.constant 544 : index
    %swap3A_345 = tpu.vector_load %arg7[%swap3A_344] {strides = array<i32>} : memref<3328xi32, #tpu.memory_space<vmem>>, vector<16xi32>,
    tpu.vector_store %arg7[%swap3A_344], %add3A_343 {strides = array<i32>} : memref<3328xi32, #tpu.memory_space<vmem>>, vector<16xi32>,
    %get3A_346 = arith.constant 4 : i32
    %get3A_347 = arith.index_cast %get3A_346 : i32 to index
    %get3A_348 = arith.constant 48 : index
    %get3A_349 = tpu.vector_load %arg6[%get3A_347, %get3A_348] {strides = array<i32>} : memref<26x128xi32, #tpu.memory_space<vmem>>, vector<16xi32>,
    %add3A_350 = arith.constant 400000 : i32
    %add3A_351 = vector.broadcast %add3A_350 : i32 to vector<16xi32>
    %add3A_352 = arith.addi %get3A_349, %add3A_351 : vector<16xi32>
    %swap3A_353 = arith.constant 560 : index
    %swap3A_354 = tpu.vector_load %arg7[%swap3A_353] {strides = array<i32>} : memref<3328xi32, #tpu.memory_space<vmem>>, vector<16xi32>,
    tpu.vector_store %arg7[%swap3A_353], %add3A_352 {strides = array<i32>} : memref<3328xi32, #tpu.memory_space<vmem>>, vector<16xi32>,
    %get3A_355 = arith.constant 4 : i32
    %get3A_356 = arith.index_cast %get3A_355 : i32 to index
    %get3A_357 = arith.constant 64 : index
    %get3A_358 = tpu.vector_load %arg6[%get3A_356, %get3A_357] {strides = array<i32>} : memref<26x128xi32, #tpu.memory_space<vmem>>, vector<16xi32>,
    %add3A_359 = arith.constant 400000 : i32
    %add3A_360 = vector.broadcast %add3A_359 : i32 to vector<16xi32>
    %add3A_361 = arith.addi %get3A_358, %add3A_360 : vector<16xi32>
    %swap3A_362 = arith.constant 576 : index
    %swap3A_363 = tpu.vector_load %arg7[%swap3A_362] {strides = array<i32>} : memref<3328xi32, #tpu.memory_space<vmem>>, vector<16xi32>,
    tpu.vector_store %arg7[%swap3A_362], %add3A_361 {strides = array<i32>} : memref<3328xi32, #tpu.memory_space<vmem>>, vector<16xi32>,
    %get3A_364 = arith.constant 4 : i32
    %get3A_365 = arith.index_cast %get3A_364 : i32 to index
    %get3A_366 = arith.constant 80 : index
    %get3A_367 = tpu.vector_load %arg6[%get3A_365, %get3A_366] {strides = array<i32>} : memref<26x128xi32, #tpu.memory_space<vmem>>, vector<16xi32>,
    %add3A_368 = arith.constant 400000 : i32
    %add3A_369 = vector.broadcast %add3A_368 : i32 to vector<16xi32>
    %add3A_370 = arith.addi %get3A_367, %add3A_369 : vector<16xi32>
    %swap3A_371 = arith.constant 592 : index
    %swap3A_372 = tpu.vector_load %arg7[%swap3A_371] {strides = array<i32>} : memref<3328xi32, #tpu.memory_space<vmem>>, vector<16xi32>,
    tpu.vector_store %arg7[%swap3A_371], %add3A_370 {strides = array<i32>} : memref<3328xi32, #tpu.memory_space<vmem>>, vector<16xi32>,
    %get3A_373 = arith.constant 4 : i32
    %get3A_374 = arith.index_cast %get3A_373 : i32 to index
    %get3A_375 = arith.constant 96 : index
    %get3A_376 = tpu.vector_load %arg6[%get3A_374, %get3A_375] {strides = array<i32>} : memref<26x128xi32, #tpu.memory_space<vmem>>, vector<16xi32>,
    %add3A_377 = arith.constant 400000 : i32
    %add3A_378 = vector.broadcast %add3A_377 : i32 to vector<16xi32>
    %add3A_379 = arith.addi %get3A_376, %add3A_378 : vector<16xi32>
    %swap3A_380 = arith.constant 608 : index
    %swap3A_381 = tpu.vector_load %arg7[%swap3A_380] {strides = array<i32>} : memref<3328xi32, #tpu.memory_space<vmem>>, vector<16xi32>,
    tpu.vector_store %arg7[%swap3A_380], %add3A_379 {strides = array<i32>} : memref<3328xi32, #tpu.memory_space<vmem>>, vector<16xi32>,
    %get3A_382 = arith.constant 4 : i32
    %get3A_383 = arith.index_cast %get3A_382 : i32 to index
    %get3A_384 = arith.constant 112 : index
    %get3A_385 = tpu.vector_load %arg6[%get3A_383, %get3A_384] {strides = array<i32>} : memref<26x128xi32, #tpu.memory_space<vmem>>, vector<16xi32>,
    %add3A_386 = arith.constant 400000 : i32
    %add3A_387 = vector.broadcast %add3A_386 : i32 to vector<16xi32>
    %add3A_388 = arith.addi %get3A_385, %add3A_387 : vector<16xi32>
    %swap3A_389 = arith.constant 624 : index
    %swap3A_390 = tpu.vector_load %arg7[%swap3A_389] {strides = array<i32>} : memref<3328xi32, #tpu.memory_space<vmem>>, vector<16xi32>,
    tpu.vector_store %arg7[%swap3A_389], %add3A_388 {strides = array<i32>} : memref<3328xi32, #tpu.memory_space<vmem>>, vector<16xi32>,
    %get3A_391 = arith.constant 5 : i32
    %get3A_392 = arith.index_cast %get3A_391 : i32 to index
    %get3A_393 = arith.constant 0 : index
    %get3A_394 = tpu.vector_load %arg6[%get3A_392, %get3A_393] {strides = array<i32>} : memref<26x128xi32, #tpu.memory_space<vmem>>, vector<16xi32>,
    %add3A_395 = arith.constant 500000 : i32
    %add3A_396 = vector.broadcast %add3A_395 : i32 to vector<16xi32>
    %add3A_397 = arith.addi %get3A_394, %add3A_396 : vector<16xi32>
    %swap3A_398 = arith.constant 640 : index
    %swap3A_399 = tpu.vector_load %arg7[%swap3A_398] {strides = array<i32>} : memref<3328xi32, #tpu.memory_space<vmem>>, vector<16xi32>,
    tpu.vector_store %arg7[%swap3A_398], %add3A_397 {strides = array<i32>} : memref<3328xi32, #tpu.memory_space<vmem>>, vector<16xi32>,
    %get3A_400 = arith.constant 5 : i32
    %get3A_401 = arith.index_cast %get3A_400 : i32 to index
    %get3A_402 = arith.constant 16 : index
    %get3A_403 = tpu.vector_load %arg6[%get3A_401, %get3A_402] {strides = array<i32>} : memref<26x128xi32, #tpu.memory_space<vmem>>, vector<16xi32>,
    %add3A_404 = arith.constant 500000 : i32
    %add3A_405 = vector.broadcast %add3A_404 : i32 to vector<16xi32>
    %add3A_406 = arith.addi %get3A_403, %add3A_405 : vector<16xi32>
    %swap3A_407 = arith.constant 656 : index
    %swap3A_408 = tpu.vector_load %arg7[%swap3A_407] {strides = array<i32>} : memref<3328xi32, #tpu.memory_space<vmem>>, vector<16xi32>,
    tpu.vector_store %arg7[%swap3A_407], %add3A_406 {strides = array<i32>} : memref<3328xi32, #tpu.memory_space<vmem>>, vector<16xi32>,
    %get3A_409 = arith.constant 5 : i32
    %get3A_410 = arith.index_cast %get3A_409 : i32 to index
    %get3A_411 = arith.constant 32 : index
    %get3A_412 = tpu.vector_load %arg6[%get3A_410, %get3A_411] {strides = array<i32>} : memref<26x128xi32, #tpu.memory_space<vmem>>, vector<16xi32>,
    %add3A_413 = arith.constant 500000 : i32
    %add3A_414 = vector.broadcast %add3A_413 : i32 to vector<16xi32>
    %add3A_415 = arith.addi %get3A_412, %add3A_414 : vector<16xi32>
    %swap3A_416 = arith.constant 672 : index
    %swap3A_417 = tpu.vector_load %arg7[%swap3A_416] {strides = array<i32>} : memref<3328xi32, #tpu.memory_space<vmem>>, vector<16xi32>,
    tpu.vector_store %arg7[%swap3A_416], %add3A_415 {strides = array<i32>} : memref<3328xi32, #tpu.memory_space<vmem>>, vector<16xi32>,
    %get3A_418 = arith.constant 5 : i32
    %get3A_419 = arith.index_cast %get3A_418 : i32 to index
    %get3A_420 = arith.constant 48 : index
    %get3A_421 = tpu.vector_load %arg6[%get3A_419, %get3A_420] {strides = array<i32>} : memref<26x128xi32, #tpu.memory_space<vmem>>, vector<16xi32>,
    %add3A_422 = arith.constant 500000 : i32
    %add3A_423 = vector.broadcast %add3A_422 : i32 to vector<16xi32>
    %add3A_424 = arith.addi %get3A_421, %add3A_423 : vector<16xi32>
    %swap3A_425 = arith.constant 688 : index
    %swap3A_426 = tpu.vector_load %arg7[%swap3A_425] {strides = array<i32>} : memref<3328xi32, #tpu.memory_space<vmem>>, vector<16xi32>,
    tpu.vector_store %arg7[%swap3A_425], %add3A_424 {strides = array<i32>} : memref<3328xi32, #tpu.memory_space<vmem>>, vector<16xi32>,
    %get3A_427 = arith.constant 5 : i32
    %get3A_428 = arith.index_cast %get3A_427 : i32 to index
    %get3A_429 = arith.constant 64 : index
    %get3A_430 = tpu.vector_load %arg6[%get3A_428, %get3A_429] {strides = array<i32>} : memref<26x128xi32, #tpu.memory_space<vmem>>, vector<16xi32>,
    %add3A_431 = arith.constant 500000 : i32
    %add3A_432 = vector.broadcast %add3A_431 : i32 to vector<16xi32>
    %add3A_433 = arith.addi %get3A_430, %add3A_432 : vector<16xi32>
    %swap3A_434 = arith.constant 704 : index
    %swap3A_435 = tpu.vector_load %arg7[%swap3A_434] {strides = array<i32>} : memref<3328xi32, #tpu.memory_space<vmem>>, vector<16xi32>,
    tpu.vector_store %arg7[%swap3A_434], %add3A_433 {strides = array<i32>} : memref<3328xi32, #tpu.memory_space<vmem>>, vector<16xi32>,
    %get3A_436 = arith.constant 5 : i32
    %get3A_437 = arith.index_cast %get3A_436 : i32 to index
    %get3A_438 = arith.constant 80 : index
    %get3A_439 = tpu.vector_load %arg6[%get3A_437, %get3A_438] {strides = array<i32>} : memref<26x128xi32, #tpu.memory_space<vmem>>, vector<16xi32>,
    %add3A_440 = arith.constant 500000 : i32
    %add3A_441 = vector.broadcast %add3A_440 : i32 to vector<16xi32>
    %add3A_442 = arith.addi %get3A_439, %add3A_441 : vector<16xi32>
    %swap3A_443 = arith.constant 720 : index
    %swap3A_444 = tpu.vector_load %arg7[%swap3A_443] {strides = array<i32>} : memref<3328xi32, #tpu.memory_space<vmem>>, vector<16xi32>,
    tpu.vector_store %arg7[%swap3A_443], %add3A_442 {strides = array<i32>} : memref<3328xi32, #tpu.memory_space<vmem>>, vector<16xi32>,
    %get3A_445 = arith.constant 5 : i32
    %get3A_446 = arith.index_cast %get3A_445 : i32 to index
    %get3A_447 = arith.constant 96 : index
    %get3A_448 = tpu.vector_load %arg6[%get3A_446, %get3A_447] {strides = array<i32>} : memref<26x128xi32, #tpu.memory_space<vmem>>, vector<16xi32>,
    %add3A_449 = arith.constant 500000 : i32
    %add3A_450 = vector.broadcast %add3A_449 : i32 to vector<16xi32>
    %add3A_451 = arith.addi %get3A_448, %add3A_450 : vector<16xi32>
    %swap3A_452 = arith.constant 736 : index
    %swap3A_453 = tpu.vector_load %arg7[%swap3A_452] {strides = array<i32>} : memref<3328xi32, #tpu.memory_space<vmem>>, vector<16xi32>,
    tpu.vector_store %arg7[%swap3A_452], %add3A_451 {strides = array<i32>} : memref<3328xi32, #tpu.memory_space<vmem>>, vector<16xi32>,
    %get3A_454 = arith.constant 5 : i32
    %get3A_455 = arith.index_cast %get3A_454 : i32 to index
    %get3A_456 = arith.constant 112 : index
    %get3A_457 = tpu.vector_load %arg6[%get3A_455, %get3A_456] {strides = array<i32>} : memref<26x128xi32, #tpu.memory_space<vmem>>, vector<16xi32>,
    %add3A_458 = arith.constant 500000 : i32
    %add3A_459 = vector.broadcast %add3A_458 : i32 to vector<16xi32>
    %add3A_460 = arith.addi %get3A_457, %add3A_459 : vector<16xi32>
    %swap3A_461 = arith.constant 752 : index
    %swap3A_462 = tpu.vector_load %arg7[%swap3A_461] {strides = array<i32>} : memref<3328xi32, #tpu.memory_space<vmem>>, vector<16xi32>,
    tpu.vector_store %arg7[%swap3A_461], %add3A_460 {strides = array<i32>} : memref<3328xi32, #tpu.memory_space<vmem>>, vector<16xi32>,
    %get3A_463 = arith.constant 6 : i32
    %get3A_464 = arith.index_cast %get3A_463 : i32 to index
    %get3A_465 = arith.constant 0 : index
    %get3A_466 = tpu.vector_load %arg6[%get3A_464, %get3A_465] {strides = array<i32>} : memref<26x128xi32, #tpu.memory_space<vmem>>, vector<16xi32>,
    %add3A_467 = arith.constant 600000 : i32
    %add3A_468 = vector.broadcast %add3A_467 : i32 to vector<16xi32>
    %add3A_469 = arith.addi %get3A_466, %add3A_468 : vector<16xi32>
    %swap3A_470 = arith.constant 768 : index
    %swap3A_471 = tpu.vector_load %arg7[%swap3A_470] {strides = array<i32>} : memref<3328xi32, #tpu.memory_space<vmem>>, vector<16xi32>,
    tpu.vector_store %arg7[%swap3A_470], %add3A_469 {strides = array<i32>} : memref<3328xi32, #tpu.memory_space<vmem>>, vector<16xi32>,
    %get3A_472 = arith.constant 6 : i32
    %get3A_473 = arith.index_cast %get3A_472 : i32 to index
    %get3A_474 = arith.constant 16 : index
    %get3A_475 = tpu.vector_load %arg6[%get3A_473, %get3A_474] {strides = array<i32>} : memref<26x128xi32, #tpu.memory_space<vmem>>, vector<16xi32>,
    %add3A_476 = arith.constant 600000 : i32
    %add3A_477 = vector.broadcast %add3A_476 : i32 to vector<16xi32>
    %add3A_478 = arith.addi %get3A_475, %add3A_477 : vector<16xi32>
    %swap3A_479 = arith.constant 784 : index
    %swap3A_480 = tpu.vector_load %arg7[%swap3A_479] {strides = array<i32>} : memref<3328xi32, #tpu.memory_space<vmem>>, vector<16xi32>,
    tpu.vector_store %arg7[%swap3A_479], %add3A_478 {strides = array<i32>} : memref<3328xi32, #tpu.memory_space<vmem>>, vector<16xi32>,
    %get3A_481 = arith.constant 6 : i32
    %get3A_482 = arith.index_cast %get3A_481 : i32 to index
    %get3A_483 = arith.constant 32 : index
    %get3A_484 = tpu.vector_load %arg6[%get3A_482, %get3A_483] {strides = array<i32>} : memref<26x128xi32, #tpu.memory_space<vmem>>, vector<16xi32>,
    %add3A_485 = arith.constant 600000 : i32
    %add3A_486 = vector.broadcast %add3A_485 : i32 to vector<16xi32>
    %add3A_487 = arith.addi %get3A_484, %add3A_486 : vector<16xi32>
    %swap3A_488 = arith.constant 800 : index
    %swap3A_489 = tpu.vector_load %arg7[%swap3A_488] {strides = array<i32>} : memref<3328xi32, #tpu.memory_space<vmem>>, vector<16xi32>,
    tpu.vector_store %arg7[%swap3A_488], %add3A_487 {strides = array<i32>} : memref<3328xi32, #tpu.memory_space<vmem>>, vector<16xi32>,
    %get3A_490 = arith.constant 6 : i32
    %get3A_491 = arith.index_cast %get3A_490 : i32 to index
    %get3A_492 = arith.constant 48 : index
    %get3A_493 = tpu.vector_load %arg6[%get3A_491, %get3A_492] {strides = array<i32>} : memref<26x128xi32, #tpu.memory_space<vmem>>, vector<16xi32>,
    %add3A_494 = arith.constant 600000 : i32
    %add3A_495 = vector.broadcast %add3A_494 : i32 to vector<16xi32>
    %add3A_496 = arith.addi %get3A_493, %add3A_495 : vector<16xi32>
    %swap3A_497 = arith.constant 816 : index
    %swap3A_498 = tpu.vector_load %arg7[%swap3A_497] {strides = array<i32>} : memref<3328xi32, #tpu.memory_space<vmem>>, vector<16xi32>,
    tpu.vector_store %arg7[%swap3A_497], %add3A_496 {strides = array<i32>} : memref<3328xi32, #tpu.memory_space<vmem>>, vector<16xi32>,
    %get3A_499 = arith.constant 6 : i32
    %get3A_500 = arith.index_cast %get3A_499 : i32 to index
    %get3A_501 = arith.constant 64 : index
    %get3A_502 = tpu.vector_load %arg6[%get3A_500, %get3A_501] {strides = array<i32>} : memref<26x128xi32, #tpu.memory_space<vmem>>, vector<16xi32>,
    %add3A_503 = arith.constant 600000 : i32
    %add3A_504 = vector.broadcast %add3A_503 : i32 to vector<16xi32>
    %add3A_505 = arith.addi %get3A_502, %add3A_504 : vector<16xi32>
    %swap3A_506 = arith.constant 832 : index
    %swap3A_507 = tpu.vector_load %arg7[%swap3A_506] {strides = array<i32>} : memref<3328xi32, #tpu.memory_space<vmem>>, vector<16xi32>,
    tpu.vector_store %arg7[%swap3A_506], %add3A_505 {strides = array<i32>} : memref<3328xi32, #tpu.memory_space<vmem>>, vector<16xi32>,
    %get3A_508 = arith.constant 6 : i32
    %get3A_509 = arith.index_cast %get3A_508 : i32 to index
    %get3A_510 = arith.constant 80 : index
    %get3A_511 = tpu.vector_load %arg6[%get3A_509, %get3A_510] {strides = array<i32>} : memref<26x128xi32, #tpu.memory_space<vmem>>, vector<16xi32>,
    %add3A_512 = arith.constant 600000 : i32
    %add3A_513 = vector.broadcast %add3A_512 : i32 to vector<16xi32>
    %add3A_514 = arith.addi %get3A_511, %add3A_513 : vector<16xi32>
    %swap3A_515 = arith.constant 848 : index
    %swap3A_516 = tpu.vector_load %arg7[%swap3A_515] {strides = array<i32>} : memref<3328xi32, #tpu.memory_space<vmem>>, vector<16xi32>,
    tpu.vector_store %arg7[%swap3A_515], %add3A_514 {strides = array<i32>} : memref<3328xi32, #tpu.memory_space<vmem>>, vector<16xi32>,
    %get3A_517 = arith.constant 6 : i32
    %get3A_518 = arith.index_cast %get3A_517 : i32 to index
    %get3A_519 = arith.constant 96 : index
    %get3A_520 = tpu.vector_load %arg6[%get3A_518, %get3A_519] {strides = array<i32>} : memref<26x128xi32, #tpu.memory_space<vmem>>, vector<16xi32>,
    %add3A_521 = arith.constant 600000 : i32
    %add3A_522 = vector.broadcast %add3A_521 : i32 to vector<16xi32>
    %add3A_523 = arith.addi %get3A_520, %add3A_522 : vector<16xi32>
    %swap3A_524 = arith.constant 864 : index
    %swap3A_525 = tpu.vector_load %arg7[%swap3A_524] {strides = array<i32>} : memref<3328xi32, #tpu.memory_space<vmem>>, vector<16xi32>,
    tpu.vector_store %arg7[%swap3A_524], %add3A_523 {strides = array<i32>} : memref<3328xi32, #tpu.memory_space<vmem>>, vector<16xi32>,
    %get3A_526 = arith.constant 6 : i32
    %get3A_527 = arith.index_cast %get3A_526 : i32 to index
    %get3A_528 = arith.constant 112 : index
    %get3A_529 = tpu.vector_load %arg6[%get3A_527, %get3A_528] {strides = array<i32>} : memref<26x128xi32, #tpu.memory_space<vmem>>, vector<16xi32>,
    %add3A_530 = arith.constant 600000 : i32
    %add3A_531 = vector.broadcast %add3A_530 : i32 to vector<16xi32>
    %add3A_532 = arith.addi %get3A_529, %add3A_531 : vector<16xi32>
    %swap3A_533 = arith.constant 880 : index
    %swap3A_534 = tpu.vector_load %arg7[%swap3A_533] {strides = array<i32>} : memref<3328xi32, #tpu.memory_space<vmem>>, vector<16xi32>,
    tpu.vector_store %arg7[%swap3A_533], %add3A_532 {strides = array<i32>} : memref<3328xi32, #tpu.memory_space<vmem>>, vector<16xi32>,
    %get3A_535 = arith.constant 7 : i32
    %get3A_536 = arith.index_cast %get3A_535 : i32 to index
    %get3A_537 = arith.constant 0 : index
    %get3A_538 = tpu.vector_load %arg6[%get3A_536, %get3A_537] {strides = array<i32>} : memref<26x128xi32, #tpu.memory_space<vmem>>, vector<16xi32>,
    %add3A_539 = arith.constant 700000 : i32
    %add3A_540 = vector.broadcast %add3A_539 : i32 to vector<16xi32>
    %add3A_541 = arith.addi %get3A_538, %add3A_540 : vector<16xi32>
    %swap3A_542 = arith.constant 896 : index
    %swap3A_543 = tpu.vector_load %arg7[%swap3A_542] {strides = array<i32>} : memref<3328xi32, #tpu.memory_space<vmem>>, vector<16xi32>,
    tpu.vector_store %arg7[%swap3A_542], %add3A_541 {strides = array<i32>} : memref<3328xi32, #tpu.memory_space<vmem>>, vector<16xi32>,
    %get3A_544 = arith.constant 7 : i32
    %get3A_545 = arith.index_cast %get3A_544 : i32 to index
    %get3A_546 = arith.constant 16 : index
    %get3A_547 = tpu.vector_load %arg6[%get3A_545, %get3A_546] {strides = array<i32>} : memref<26x128xi32, #tpu.memory_space<vmem>>, vector<16xi32>,
    %add3A_548 = arith.constant 700000 : i32
    %add3A_549 = vector.broadcast %add3A_548 : i32 to vector<16xi32>
    %add3A_550 = arith.addi %get3A_547, %add3A_549 : vector<16xi32>
    %swap3A_551 = arith.constant 912 : index
    %swap3A_552 = tpu.vector_load %arg7[%swap3A_551] {strides = array<i32>} : memref<3328xi32, #tpu.memory_space<vmem>>, vector<16xi32>,
    tpu.vector_store %arg7[%swap3A_551], %add3A_550 {strides = array<i32>} : memref<3328xi32, #tpu.memory_space<vmem>>, vector<16xi32>,
    %get3A_553 = arith.constant 7 : i32
    %get3A_554 = arith.index_cast %get3A_553 : i32 to index
    %get3A_555 = arith.constant 32 : index
    %get3A_556 = tpu.vector_load %arg6[%get3A_554, %get3A_555] {strides = array<i32>} : memref<26x128xi32, #tpu.memory_space<vmem>>, vector<16xi32>,
    %add3A_557 = arith.constant 700000 : i32
    %add3A_558 = vector.broadcast %add3A_557 : i32 to vector<16xi32>
    %add3A_559 = arith.addi %get3A_556, %add3A_558 : vector<16xi32>
    %swap3A_560 = arith.constant 928 : index
    %swap3A_561 = tpu.vector_load %arg7[%swap3A_560] {strides = array<i32>} : memref<3328xi32, #tpu.memory_space<vmem>>, vector<16xi32>,
    tpu.vector_store %arg7[%swap3A_560], %add3A_559 {strides = array<i32>} : memref<3328xi32, #tpu.memory_space<vmem>>, vector<16xi32>,
    %get3A_562 = arith.constant 7 : i32
    %get3A_563 = arith.index_cast %get3A_562 : i32 to index
    %get3A_564 = arith.constant 48 : index
    %get3A_565 = tpu.vector_load %arg6[%get3A_563, %get3A_564] {strides = array<i32>} : memref<26x128xi32, #tpu.memory_space<vmem>>, vector<16xi32>,
    %add3A_566 = arith.constant 700000 : i32
    %add3A_567 = vector.broadcast %add3A_566 : i32 to vector<16xi32>
    %add3A_568 = arith.addi %get3A_565, %add3A_567 : vector<16xi32>
    %swap3A_569 = arith.constant 944 : index
    %swap3A_570 = tpu.vector_load %arg7[%swap3A_569] {strides = array<i32>} : memref<3328xi32, #tpu.memory_space<vmem>>, vector<16xi32>,
    tpu.vector_store %arg7[%swap3A_569], %add3A_568 {strides = array<i32>} : memref<3328xi32, #tpu.memory_space<vmem>>, vector<16xi32>,
    %get3A_571 = arith.constant 7 : i32
    %get3A_572 = arith.index_cast %get3A_571 : i32 to index
    %get3A_573 = arith.constant 64 : index
    %get3A_574 = tpu.vector_load %arg6[%get3A_572, %get3A_573] {strides = array<i32>} : memref<26x128xi32, #tpu.memory_space<vmem>>, vector<16xi32>,
    %add3A_575 = arith.constant 700000 : i32
    %add3A_576 = vector.broadcast %add3A_575 : i32 to vector<16xi32>
    %add3A_577 = arith.addi %get3A_574, %add3A_576 : vector<16xi32>
    %swap3A_578 = arith.constant 960 : index
    %swap3A_579 = tpu.vector_load %arg7[%swap3A_578] {strides = array<i32>} : memref<3328xi32, #tpu.memory_space<vmem>>, vector<16xi32>,
    tpu.vector_store %arg7[%swap3A_578], %add3A_577 {strides = array<i32>} : memref<3328xi32, #tpu.memory_space<vmem>>, vector<16xi32>,
    %get3A_580 = arith.constant 7 : i32
    %get3A_581 = arith.index_cast %get3A_580 : i32 to index
    %get3A_582 = arith.constant 80 : index
    %get3A_583 = tpu.vector_load %arg6[%get3A_581, %get3A_582] {strides = array<i32>} : memref<26x128xi32, #tpu.memory_space<vmem>>, vector<16xi32>,
    %add3A_584 = arith.constant 700000 : i32
    %add3A_585 = vector.broadcast %add3A_584 : i32 to vector<16xi32>
    %add3A_586 = arith.addi %get3A_583, %add3A_585 : vector<16xi32>
    %swap3A_587 = arith.constant 976 : index
    %swap3A_588 = tpu.vector_load %arg7[%swap3A_587] {strides = array<i32>} : memref<3328xi32, #tpu.memory_space<vmem>>, vector<16xi32>,
    tpu.vector_store %arg7[%swap3A_587], %add3A_586 {strides = array<i32>} : memref<3328xi32, #tpu.memory_space<vmem>>, vector<16xi32>,
    %get3A_589 = arith.constant 7 : i32
    %get3A_590 = arith.index_cast %get3A_589 : i32 to index
    %get3A_591 = arith.constant 96 : index
    %get3A_592 = tpu.vector_load %arg6[%get3A_590, %get3A_591] {strides = array<i32>} : memref<26x128xi32, #tpu.memory_space<vmem>>, vector<16xi32>,
    %add3A_593 = arith.constant 700000 : i32
    %add3A_594 = vector.broadcast %add3A_593 : i32 to vector<16xi32>
    %add3A_595 = arith.addi %get3A_592, %add3A_594 : vector<16xi32>
    %swap3A_596 = arith.constant 992 : index
    %swap3A_597 = tpu.vector_load %arg7[%swap3A_596] {strides = array<i32>} : memref<3328xi32, #tpu.memory_space<vmem>>, vector<16xi32>,
    tpu.vector_store %arg7[%swap3A_596], %add3A_595 {strides = array<i32>} : memref<3328xi32, #tpu.memory_space<vmem>>, vector<16xi32>,
    %get3A_598 = arith.constant 7 : i32
    %get3A_599 = arith.index_cast %get3A_598 : i32 to index
    %get3A_600 = arith.constant 112 : index
    %get3A_601 = tpu.vector_load %arg6[%get3A_599, %get3A_600] {strides = array<i32>} : memref<26x128xi32, #tpu.memory_space<vmem>>, vector<16xi32>,
    %add3A_602 = arith.constant 700000 : i32
    %add3A_603 = vector.broadcast %add3A_602 : i32 to vector<16xi32>
    %add3A_604 = arith.addi %get3A_601, %add3A_603 : vector<16xi32>
    %swap3A_605 = arith.constant 1008 : index
    %swap3A_606 = tpu.vector_load %arg7[%swap3A_605] {strides = array<i32>} : memref<3328xi32, #tpu.memory_space<vmem>>, vector<16xi32>,
    tpu.vector_store %arg7[%swap3A_605], %add3A_604 {strides = array<i32>} : memref<3328xi32, #tpu.memory_space<vmem>>, vector<16xi32>,
    %dma_start3A_607 = arith.constant 0 : i32
    %dma_start3A_608 = arith.constant 0 : i32
    %dma_start3A_609 = tpu.memref_slice %arg8[%dma_start3A_608] : memref<3328xf32, #tpu.memory_space<vmem>> -> memref<1024xf32, #tpu.memory_space<vmem>>
    %dma_start3A_610 = arith.constant 0 : i32
    %dma_start3A_611 = tpu.memref_slice %arg7[%dma_start3A_610] : memref<3328xi32, #tpu.memory_space<vmem>> -> memref<1024xi32, #tpu.memory_space<vmem>>
    %dma_start3A_612 = arith.constant 0 : i32
    %dma_start3A_613 = tpu.memref_slice %arg3[%dma_start3A_607, %dma_start3A_612] : memref<1x2600000xf32, #tpu.memory_space<hbm>> -> memref<1x2600000xf32, #tpu.memory_space<hbm>>
    %dma_start3A_614 = tpu.memref_squeeze %dma_start3A_613 : memref<1x2600000xf32, #tpu.memory_space<hbm>> -> memref<2600000xf32, #tpu.memory_space<hbm>>
    %dma_start3A_615 = arith.constant 0 : i32
    %dma_start3A_616 = tpu.memref_slice %dma_start3A_614[%dma_start3A_615] : memref<2600000xf32, #tpu.memory_space<hbm>> -> memref<2600000xf32, #tpu.memory_space<hbm>>
    tpu.enqueue_indirect_dma source(%dma_start3A_616 : memref<2600000xf32, #tpu.memory_space<hbm>>) target(%dma_start3A_609 : memref<1024xf32, #tpu.memory_space<vmem>>) offsets(%dma_start3A_611 : memref<1024xi32, #tpu.memory_space<vmem>>) semaphore(%arg13 : memref<!tpu.dma_semaphore, #tpu.memory_space<semaphore_mem>>)
    %dma_wait3A_617 = arith.constant 8 : i32
    %dma_wait3A_618 = arith.constant 0 : i32
    %dma_wait3A_619 = tpu.memref_slice %arg6[%dma_wait3A_617, %dma_wait3A_618] : memref<26x128xi32, #tpu.memory_space<vmem>> -> memref<18x128xi32, #tpu.memory_space<vmem>>
    %dma_wait3A_620 = arith.constant 8 : i32
    %dma_wait3A_621 = tpu.memref_slice %arg2[%dma_wait3A_620, %mul3A_2] : memref<26x4096xi32, #tpu.memory_space<hbm>> -> memref<18x128xi32, #tpu.memory_space<hbm>>
    %dma_wait3A_622 = arith.constant 8 : i32
    %dma_wait3A_623 = arith.constant 0 : i32
    %dma_wait3A_624 = tpu.memref_slice %arg6[%dma_wait3A_622, %dma_wait3A_623] : memref<26x128xi32, #tpu.memory_space<vmem>> -> memref<18x128xi32, #tpu.memory_space<vmem>>
    %dma_wait3A_625 = arith.constant 8 : i32
    %dma_wait3A_626 = tpu.memref_slice %arg2[%dma_wait3A_625, %mul3A_2] : memref<26x4096xi32, #tpu.memory_space<hbm>> -> memref<18x128xi32, #tpu.memory_space<hbm>>
    tpu.wait_dma2 semaphore(%arg12 : memref<!tpu.dma_semaphore, #tpu.memory_space<semaphore_mem>>) src(%dma_wait3A_626 : memref<18x128xi32, #tpu.memory_space<hbm>>) dst(%dma_wait3A_624 : memref<18x128xi32, #tpu.memory_space<vmem>>)
    %get3A_627 = arith.constant 8 : i32
    %get3A_628 = arith.index_cast %get3A_627 : i32 to index
    %get3A_629 = arith.constant 0 : index
    %get3A_630 = tpu.vector_load %arg6[%get3A_628, %get3A_629] {strides = array<i32>} : memref<26x128xi32, #tpu.memory_space<vmem>>, vector<16xi32>,
    %add3A_631 = arith.constant 800000 : i32
    %add3A_632 = vector.broadcast %add3A_631 : i32 to vector<16xi32>
    %add3A_633 = arith.addi %get3A_630, %add3A_632 : vector<16xi32>
    %swap3A_634 = arith.constant 1024 : index
    %swap3A_635 = tpu.vector_load %arg7[%swap3A_634] {strides = array<i32>} : memref<3328xi32, #tpu.memory_space<vmem>>, vector<16xi32>,
    tpu.vector_store %arg7[%swap3A_634], %add3A_633 {strides = array<i32>} : memref<3328xi32, #tpu.memory_space<vmem>>, vector<16xi32>,
    %get3A_636 = arith.constant 8 : i32
    %get3A_637 = arith.index_cast %get3A_636 : i32 to index
    %get3A_638 = arith.constant 16 : index
    %get3A_639 = tpu.vector_load %arg6[%get3A_637, %get3A_638] {strides = array<i32>} : memref<26x128xi32, #tpu.memory_space<vmem>>, vector<16xi32>,
    %add3A_640 = arith.constant 800000 : i32
    %add3A_641 = vector.broadcast %add3A_640 : i32 to vector<16xi32>
    %add3A_642 = arith.addi %get3A_639, %add3A_641 : vector<16xi32>
    %swap3A_643 = arith.constant 1040 : index
    %swap3A_644 = tpu.vector_load %arg7[%swap3A_643] {strides = array<i32>} : memref<3328xi32, #tpu.memory_space<vmem>>, vector<16xi32>,
    tpu.vector_store %arg7[%swap3A_643], %add3A_642 {strides = array<i32>} : memref<3328xi32, #tpu.memory_space<vmem>>, vector<16xi32>,
    %get3A_645 = arith.constant 8 : i32
    %get3A_646 = arith.index_cast %get3A_645 : i32 to index
    %get3A_647 = arith.constant 32 : index
    %get3A_648 = tpu.vector_load %arg6[%get3A_646, %get3A_647] {strides = array<i32>} : memref<26x128xi32, #tpu.memory_space<vmem>>, vector<16xi32>,
    %add3A_649 = arith.constant 800000 : i32
    %add3A_650 = vector.broadcast %add3A_649 : i32 to vector<16xi32>
    %add3A_651 = arith.addi %get3A_648, %add3A_650 : vector<16xi32>
    %swap3A_652 = arith.constant 1056 : index
    %swap3A_653 = tpu.vector_load %arg7[%swap3A_652] {strides = array<i32>} : memref<3328xi32, #tpu.memory_space<vmem>>, vector<16xi32>,
    tpu.vector_store %arg7[%swap3A_652], %add3A_651 {strides = array<i32>} : memref<3328xi32, #tpu.memory_space<vmem>>, vector<16xi32>,
    %get3A_654 = arith.constant 8 : i32
    %get3A_655 = arith.index_cast %get3A_654 : i32 to index
    %get3A_656 = arith.constant 48 : index
    %get3A_657 = tpu.vector_load %arg6[%get3A_655, %get3A_656] {strides = array<i32>} : memref<26x128xi32, #tpu.memory_space<vmem>>, vector<16xi32>,
    %add3A_658 = arith.constant 800000 : i32
    %add3A_659 = vector.broadcast %add3A_658 : i32 to vector<16xi32>
    %add3A_660 = arith.addi %get3A_657, %add3A_659 : vector<16xi32>
    %swap3A_661 = arith.constant 1072 : index
    %swap3A_662 = tpu.vector_load %arg7[%swap3A_661] {strides = array<i32>} : memref<3328xi32, #tpu.memory_space<vmem>>, vector<16xi32>,
    tpu.vector_store %arg7[%swap3A_661], %add3A_660 {strides = array<i32>} : memref<3328xi32, #tpu.memory_space<vmem>>, vector<16xi32>,
    %get3A_663 = arith.constant 8 : i32
    %get3A_664 = arith.index_cast %get3A_663 : i32 to index
    %get3A_665 = arith.constant 64 : index
    %get3A_666 = tpu.vector_load %arg6[%get3A_664, %get3A_665] {strides = array<i32>} : memref<26x128xi32, #tpu.memory_space<vmem>>, vector<16xi32>,
    %add3A_667 = arith.constant 800000 : i32
    %add3A_668 = vector.broadcast %add3A_667 : i32 to vector<16xi32>
    %add3A_669 = arith.addi %get3A_666, %add3A_668 : vector<16xi32>
    %swap3A_670 = arith.constant 1088 : index
    %swap3A_671 = tpu.vector_load %arg7[%swap3A_670] {strides = array<i32>} : memref<3328xi32, #tpu.memory_space<vmem>>, vector<16xi32>,
    tpu.vector_store %arg7[%swap3A_670], %add3A_669 {strides = array<i32>} : memref<3328xi32, #tpu.memory_space<vmem>>, vector<16xi32>,
    %get3A_672 = arith.constant 8 : i32
    %get3A_673 = arith.index_cast %get3A_672 : i32 to index
    %get3A_674 = arith.constant 80 : index
    %get3A_675 = tpu.vector_load %arg6[%get3A_673, %get3A_674] {strides = array<i32>} : memref<26x128xi32, #tpu.memory_space<vmem>>, vector<16xi32>,
    %add3A_676 = arith.constant 800000 : i32
    %add3A_677 = vector.broadcast %add3A_676 : i32 to vector<16xi32>
    %add3A_678 = arith.addi %get3A_675, %add3A_677 : vector<16xi32>
    %swap3A_679 = arith.constant 1104 : index
    %swap3A_680 = tpu.vector_load %arg7[%swap3A_679] {strides = array<i32>} : memref<3328xi32, #tpu.memory_space<vmem>>, vector<16xi32>,
    tpu.vector_store %arg7[%swap3A_679], %add3A_678 {strides = array<i32>} : memref<3328xi32, #tpu.memory_space<vmem>>, vector<16xi32>,
    %get3A_681 = arith.constant 8 : i32
    %get3A_682 = arith.index_cast %get3A_681 : i32 to index
    %get3A_683 = arith.constant 96 : index
    %get3A_684 = tpu.vector_load %arg6[%get3A_682, %get3A_683] {strides = array<i32>} : memref<26x128xi32, #tpu.memory_space<vmem>>, vector<16xi32>,
    %add3A_685 = arith.constant 800000 : i32
    %add3A_686 = vector.broadcast %add3A_685 : i32 to vector<16xi32>
    %add3A_687 = arith.addi %get3A_684, %add3A_686 : vector<16xi32>
    %swap3A_688 = arith.constant 1120 : index
    %swap3A_689 = tpu.vector_load %arg7[%swap3A_688] {strides = array<i32>} : memref<3328xi32, #tpu.memory_space<vmem>>, vector<16xi32>,
    tpu.vector_store %arg7[%swap3A_688], %add3A_687 {strides = array<i32>} : memref<3328xi32, #tpu.memory_space<vmem>>, vector<16xi32>,
    %get3A_690 = arith.constant 8 : i32
    %get3A_691 = arith.index_cast %get3A_690 : i32 to index
    %get3A_692 = arith.constant 112 : index
    %get3A_693 = tpu.vector_load %arg6[%get3A_691, %get3A_692] {strides = array<i32>} : memref<26x128xi32, #tpu.memory_space<vmem>>, vector<16xi32>,
    %add3A_694 = arith.constant 800000 : i32
    %add3A_695 = vector.broadcast %add3A_694 : i32 to vector<16xi32>
    %add3A_696 = arith.addi %get3A_693, %add3A_695 : vector<16xi32>
    %swap3A_697 = arith.constant 1136 : index
    %swap3A_698 = tpu.vector_load %arg7[%swap3A_697] {strides = array<i32>} : memref<3328xi32, #tpu.memory_space<vmem>>, vector<16xi32>,
    tpu.vector_store %arg7[%swap3A_697], %add3A_696 {strides = array<i32>} : memref<3328xi32, #tpu.memory_space<vmem>>, vector<16xi32>,
    %get3A_699 = arith.constant 9 : i32
    %get3A_700 = arith.index_cast %get3A_699 : i32 to index
    %get3A_701 = arith.constant 0 : index
    %get3A_702 = tpu.vector_load %arg6[%get3A_700, %get3A_701] {strides = array<i32>} : memref<26x128xi32, #tpu.memory_space<vmem>>, vector<16xi32>,
    %add3A_703 = arith.constant 900000 : i32
    %add3A_704 = vector.broadcast %add3A_703 : i32 to vector<16xi32>
    %add3A_705 = arith.addi %get3A_702, %add3A_704 : vector<16xi32>
    %swap3A_706 = arith.constant 1152 : index
    %swap3A_707 = tpu.vector_load %arg7[%swap3A_706] {strides = array<i32>} : memref<3328xi32, #tpu.memory_space<vmem>>, vector<16xi32>,
    tpu.vector_store %arg7[%swap3A_706], %add3A_705 {strides = array<i32>} : memref<3328xi32, #tpu.memory_space<vmem>>, vector<16xi32>,
    %get3A_708 = arith.constant 9 : i32
    %get3A_709 = arith.index_cast %get3A_708 : i32 to index
    %get3A_710 = arith.constant 16 : index
    %get3A_711 = tpu.vector_load %arg6[%get3A_709, %get3A_710] {strides = array<i32>} : memref<26x128xi32, #tpu.memory_space<vmem>>, vector<16xi32>,
    %add3A_712 = arith.constant 900000 : i32
    %add3A_713 = vector.broadcast %add3A_712 : i32 to vector<16xi32>
    %add3A_714 = arith.addi %get3A_711, %add3A_713 : vector<16xi32>
    %swap3A_715 = arith.constant 1168 : index
    %swap3A_716 = tpu.vector_load %arg7[%swap3A_715] {strides = array<i32>} : memref<3328xi32, #tpu.memory_space<vmem>>, vector<16xi32>,
    tpu.vector_store %arg7[%swap3A_715], %add3A_714 {strides = array<i32>} : memref<3328xi32, #tpu.memory_space<vmem>>, vector<16xi32>,
    %get3A_717 = arith.constant 9 : i32
    %get3A_718 = arith.index_cast %get3A_717 : i32 to index
    %get3A_719 = arith.constant 32 : index
    %get3A_720 = tpu.vector_load %arg6[%get3A_718, %get3A_719] {strides = array<i32>} : memref<26x128xi32, #tpu.memory_space<vmem>>, vector<16xi32>,
    %add3A_721 = arith.constant 900000 : i32
    %add3A_722 = vector.broadcast %add3A_721 : i32 to vector<16xi32>
    %add3A_723 = arith.addi %get3A_720, %add3A_722 : vector<16xi32>
    %swap3A_724 = arith.constant 1184 : index
    %swap3A_725 = tpu.vector_load %arg7[%swap3A_724] {strides = array<i32>} : memref<3328xi32, #tpu.memory_space<vmem>>, vector<16xi32>,
    tpu.vector_store %arg7[%swap3A_724], %add3A_723 {strides = array<i32>} : memref<3328xi32, #tpu.memory_space<vmem>>, vector<16xi32>,
    %get3A_726 = arith.constant 9 : i32
    %get3A_727 = arith.index_cast %get3A_726 : i32 to index
    %get3A_728 = arith.constant 48 : index
    %get3A_729 = tpu.vector_load %arg6[%get3A_727, %get3A_728] {strides = array<i32>} : memref<26x128xi32, #tpu.memory_space<vmem>>, vector<16xi32>,
    %add3A_730 = arith.constant 900000 : i32
    %add3A_731 = vector.broadcast %add3A_730 : i32 to vector<16xi32>
    %add3A_732 = arith.addi %get3A_729, %add3A_731 : vector<16xi32>
    %swap3A_733 = arith.constant 1200 : index
    %swap3A_734 = tpu.vector_load %arg7[%swap3A_733] {strides = array<i32>} : memref<3328xi32, #tpu.memory_space<vmem>>, vector<16xi32>,
    tpu.vector_store %arg7[%swap3A_733], %add3A_732 {strides = array<i32>} : memref<3328xi32, #tpu.memory_space<vmem>>, vector<16xi32>,
    %get3A_735 = arith.constant 9 : i32
    %get3A_736 = arith.index_cast %get3A_735 : i32 to index
    %get3A_737 = arith.constant 64 : index
    %get3A_738 = tpu.vector_load %arg6[%get3A_736, %get3A_737] {strides = array<i32>} : memref<26x128xi32, #tpu.memory_space<vmem>>, vector<16xi32>,
    %add3A_739 = arith.constant 900000 : i32
    %add3A_740 = vector.broadcast %add3A_739 : i32 to vector<16xi32>
    %add3A_741 = arith.addi %get3A_738, %add3A_740 : vector<16xi32>
    %swap3A_742 = arith.constant 1216 : index
    %swap3A_743 = tpu.vector_load %arg7[%swap3A_742] {strides = array<i32>} : memref<3328xi32, #tpu.memory_space<vmem>>, vector<16xi32>,
    tpu.vector_store %arg7[%swap3A_742], %add3A_741 {strides = array<i32>} : memref<3328xi32, #tpu.memory_space<vmem>>, vector<16xi32>,
    %get3A_744 = arith.constant 9 : i32
    %get3A_745 = arith.index_cast %get3A_744 : i32 to index
    %get3A_746 = arith.constant 80 : index
    %get3A_747 = tpu.vector_load %arg6[%get3A_745, %get3A_746] {strides = array<i32>} : memref<26x128xi32, #tpu.memory_space<vmem>>, vector<16xi32>,
    %add3A_748 = arith.constant 900000 : i32
    %add3A_749 = vector.broadcast %add3A_748 : i32 to vector<16xi32>
    %add3A_750 = arith.addi %get3A_747, %add3A_749 : vector<16xi32>
    %swap3A_751 = arith.constant 1232 : index
    %swap3A_752 = tpu.vector_load %arg7[%swap3A_751] {strides = array<i32>} : memref<3328xi32, #tpu.memory_space<vmem>>, vector<16xi32>,
    tpu.vector_store %arg7[%swap3A_751], %add3A_750 {strides = array<i32>} : memref<3328xi32, #tpu.memory_space<vmem>>, vector<16xi32>,
    %get3A_753 = arith.constant 9 : i32
    %get3A_754 = arith.index_cast %get3A_753 : i32 to index
    %get3A_755 = arith.constant 96 : index
    %get3A_756 = tpu.vector_load %arg6[%get3A_754, %get3A_755] {strides = array<i32>} : memref<26x128xi32, #tpu.memory_space<vmem>>, vector<16xi32>,
    %add3A_757 = arith.constant 900000 : i32
    %add3A_758 = vector.broadcast %add3A_757 : i32 to vector<16xi32>
    %add3A_759 = arith.addi %get3A_756, %add3A_758 : vector<16xi32>
    %swap3A_760 = arith.constant 1248 : index
    %swap3A_761 = tpu.vector_load %arg7[%swap3A_760] {strides = array<i32>} : memref<3328xi32, #tpu.memory_space<vmem>>, vector<16xi32>,
    tpu.vector_store %arg7[%swap3A_760], %add3A_759 {strides = array<i32>} : memref<3328xi32, #tpu.memory_space<vmem>>, vector<16xi32>,
    %get3A_762 = arith.constant 9 : i32
    %get3A_763 = arith.index_cast %get3A_762 : i32 to index
    %get3A_764 = arith.constant 112 : index
    %get3A_765 = tpu.vector_load %arg6[%get3A_763, %get3A_764] {strides = array<i32>} : memref<26x128xi32, #tpu.memory_space<vmem>>, vector<16xi32>,
    %add3A_766 = arith.constant 900000 : i32
    %add3A_767 = vector.broadcast %add3A_766 : i32 to vector<16xi32>
    %add3A_768 = arith.addi %get3A_765, %add3A_767 : vector<16xi32>
    %swap3A_769 = arith.constant 1264 : index
    %swap3A_770 = tpu.vector_load %arg7[%swap3A_769] {strides = array<i32>} : memref<3328xi32, #tpu.memory_space<vmem>>, vector<16xi32>,
    tpu.vector_store %arg7[%swap3A_769], %add3A_768 {strides = array<i32>} : memref<3328xi32, #tpu.memory_space<vmem>>, vector<16xi32>,
    %get3A_771 = arith.constant 10 : i32
    %get3A_772 = arith.index_cast %get3A_771 : i32 to index
    %get3A_773 = arith.constant 0 : index
    %get3A_774 = tpu.vector_load %arg6[%get3A_772, %get3A_773] {strides = array<i32>} : memref<26x128xi32, #tpu.memory_space<vmem>>, vector<16xi32>,
    %add3A_775 = arith.constant 1000000 : i32
    %add3A_776 = vector.broadcast %add3A_775 : i32 to vector<16xi32>
    %add3A_777 = arith.addi %get3A_774, %add3A_776 : vector<16xi32>
    %swap3A_778 = arith.constant 1280 : index
    %swap3A_779 = tpu.vector_load %arg7[%swap3A_778] {strides = array<i32>} : memref<3328xi32, #tpu.memory_space<vmem>>, vector<16xi32>,
    tpu.vector_store %arg7[%swap3A_778], %add3A_777 {strides = array<i32>} : memref<3328xi32, #tpu.memory_space<vmem>>, vector<16xi32>,
    %get3A_780 = arith.constant 10 : i32
    %get3A_781 = arith.index_cast %get3A_780 : i32 to index
    %get3A_782 = arith.constant 16 : index
    %get3A_783 = tpu.vector_load %arg6[%get3A_781, %get3A_782] {strides = array<i32>} : memref<26x128xi32, #tpu.memory_space<vmem>>, vector<16xi32>,
    %add3A_784 = arith.constant 1000000 : i32
    %add3A_785 = vector.broadcast %add3A_784 : i32 to vector<16xi32>
    %add3A_786 = arith.addi %get3A_783, %add3A_785 : vector<16xi32>
    %swap3A_787 = arith.constant 1296 : index
    %swap3A_788 = tpu.vector_load %arg7[%swap3A_787] {strides = array<i32>} : memref<3328xi32, #tpu.memory_space<vmem>>, vector<16xi32>,
    tpu.vector_store %arg7[%swap3A_787], %add3A_786 {strides = array<i32>} : memref<3328xi32, #tpu.memory_space<vmem>>, vector<16xi32>,
    %get3A_789 = arith.constant 10 : i32
    %get3A_790 = arith.index_cast %get3A_789 : i32 to index
    %get3A_791 = arith.constant 32 : index
    %get3A_792 = tpu.vector_load %arg6[%get3A_790, %get3A_791] {strides = array<i32>} : memref<26x128xi32, #tpu.memory_space<vmem>>, vector<16xi32>,
    %add3A_793 = arith.constant 1000000 : i32
    %add3A_794 = vector.broadcast %add3A_793 : i32 to vector<16xi32>
    %add3A_795 = arith.addi %get3A_792, %add3A_794 : vector<16xi32>
    %swap3A_796 = arith.constant 1312 : index
    %swap3A_797 = tpu.vector_load %arg7[%swap3A_796] {strides = array<i32>} : memref<3328xi32, #tpu.memory_space<vmem>>, vector<16xi32>,
    tpu.vector_store %arg7[%swap3A_796], %add3A_795 {strides = array<i32>} : memref<3328xi32, #tpu.memory_space<vmem>>, vector<16xi32>,
    %get3A_798 = arith.constant 10 : i32
    %get3A_799 = arith.index_cast %get3A_798 : i32 to index
    %get3A_800 = arith.constant 48 : index
    %get3A_801 = tpu.vector_load %arg6[%get3A_799, %get3A_800] {strides = array<i32>} : memref<26x128xi32, #tpu.memory_space<vmem>>, vector<16xi32>,
    %add3A_802 = arith.constant 1000000 : i32
    %add3A_803 = vector.broadcast %add3A_802 : i32 to vector<16xi32>
    %add3A_804 = arith.addi %get3A_801, %add3A_803 : vector<16xi32>
    %swap3A_805 = arith.constant 1328 : index
    %swap3A_806 = tpu.vector_load %arg7[%swap3A_805] {strides = array<i32>} : memref<3328xi32, #tpu.memory_space<vmem>>, vector<16xi32>,
    tpu.vector_store %arg7[%swap3A_805], %add3A_804 {strides = array<i32>} : memref<3328xi32, #tpu.memory_space<vmem>>, vector<16xi32>,
    %get3A_807 = arith.constant 10 : i32
    %get3A_808 = arith.index_cast %get3A_807 : i32 to index
    %get3A_809 = arith.constant 64 : index
    %get3A_810 = tpu.vector_load %arg6[%get3A_808, %get3A_809] {strides = array<i32>} : memref<26x128xi32, #tpu.memory_space<vmem>>, vector<16xi32>,
    %add3A_811 = arith.constant 1000000 : i32
    %add3A_812 = vector.broadcast %add3A_811 : i32 to vector<16xi32>
    %add3A_813 = arith.addi %get3A_810, %add3A_812 : vector<16xi32>
    %swap3A_814 = arith.constant 1344 : index
    %swap3A_815 = tpu.vector_load %arg7[%swap3A_814] {strides = array<i32>} : memref<3328xi32, #tpu.memory_space<vmem>>, vector<16xi32>,
    tpu.vector_store %arg7[%swap3A_814], %add3A_813 {strides = array<i32>} : memref<3328xi32, #tpu.memory_space<vmem>>, vector<16xi32>,
    %get3A_816 = arith.constant 10 : i32
    %get3A_817 = arith.index_cast %get3A_816 : i32 to index
    %get3A_818 = arith.constant 80 : index
    %get3A_819 = tpu.vector_load %arg6[%get3A_817, %get3A_818] {strides = array<i32>} : memref<26x128xi32, #tpu.memory_space<vmem>>, vector<16xi32>,
    %add3A_820 = arith.constant 1000000 : i32
    %add3A_821 = vector.broadcast %add3A_820 : i32 to vector<16xi32>
    %add3A_822 = arith.addi %get3A_819, %add3A_821 : vector<16xi32>
    %swap3A_823 = arith.constant 1360 : index
    %swap3A_824 = tpu.vector_load %arg7[%swap3A_823] {strides = array<i32>} : memref<3328xi32, #tpu.memory_space<vmem>>, vector<16xi32>,
    tpu.vector_store %arg7[%swap3A_823], %add3A_822 {strides = array<i32>} : memref<3328xi32, #tpu.memory_space<vmem>>, vector<16xi32>,
    %get3A_825 = arith.constant 10 : i32
    %get3A_826 = arith.index_cast %get3A_825 : i32 to index
    %get3A_827 = arith.constant 96 : index
    %get3A_828 = tpu.vector_load %arg6[%get3A_826, %get3A_827] {strides = array<i32>} : memref<26x128xi32, #tpu.memory_space<vmem>>, vector<16xi32>,
    %add3A_829 = arith.constant 1000000 : i32
    %add3A_830 = vector.broadcast %add3A_829 : i32 to vector<16xi32>
    %add3A_831 = arith.addi %get3A_828, %add3A_830 : vector<16xi32>
    %swap3A_832 = arith.constant 1376 : index
    %swap3A_833 = tpu.vector_load %arg7[%swap3A_832] {strides = array<i32>} : memref<3328xi32, #tpu.memory_space<vmem>>, vector<16xi32>,
    tpu.vector_store %arg7[%swap3A_832], %add3A_831 {strides = array<i32>} : memref<3328xi32, #tpu.memory_space<vmem>>, vector<16xi32>,
    %get3A_834 = arith.constant 10 : i32
    %get3A_835 = arith.index_cast %get3A_834 : i32 to index
    %get3A_836 = arith.constant 112 : index
    %get3A_837 = tpu.vector_load %arg6[%get3A_835, %get3A_836] {strides = array<i32>} : memref<26x128xi32, #tpu.memory_space<vmem>>, vector<16xi32>,
    %add3A_838 = arith.constant 1000000 : i32
    %add3A_839 = vector.broadcast %add3A_838 : i32 to vector<16xi32>
    %add3A_840 = arith.addi %get3A_837, %add3A_839 : vector<16xi32>
    %swap3A_841 = arith.constant 1392 : index
    %swap3A_842 = tpu.vector_load %arg7[%swap3A_841] {strides = array<i32>} : memref<3328xi32, #tpu.memory_space<vmem>>, vector<16xi32>,
    tpu.vector_store %arg7[%swap3A_841], %add3A_840 {strides = array<i32>} : memref<3328xi32, #tpu.memory_space<vmem>>, vector<16xi32>,
    %get3A_843 = arith.constant 11 : i32
    %get3A_844 = arith.index_cast %get3A_843 : i32 to index
    %get3A_845 = arith.constant 0 : index
    %get3A_846 = tpu.vector_load %arg6[%get3A_844, %get3A_845] {strides = array<i32>} : memref<26x128xi32, #tpu.memory_space<vmem>>, vector<16xi32>,
    %add3A_847 = arith.constant 1100000 : i32
    %add3A_848 = vector.broadcast %add3A_847 : i32 to vector<16xi32>
    %add3A_849 = arith.addi %get3A_846, %add3A_848 : vector<16xi32>
    %swap3A_850 = arith.constant 1408 : index
    %swap3A_851 = tpu.vector_load %arg7[%swap3A_850] {strides = array<i32>} : memref<3328xi32, #tpu.memory_space<vmem>>, vector<16xi32>,
    tpu.vector_store %arg7[%swap3A_850], %add3A_849 {strides = array<i32>} : memref<3328xi32, #tpu.memory_space<vmem>>, vector<16xi32>,
    %get3A_852 = arith.constant 11 : i32
    %get3A_853 = arith.index_cast %get3A_852 : i32 to index
    %get3A_854 = arith.constant 16 : index
    %get3A_855 = tpu.vector_load %arg6[%get3A_853, %get3A_854] {strides = array<i32>} : memref<26x128xi32, #tpu.memory_space<vmem>>, vector<16xi32>,
    %add3A_856 = arith.constant 1100000 : i32
    %add3A_857 = vector.broadcast %add3A_856 : i32 to vector<16xi32>
    %add3A_858 = arith.addi %get3A_855, %add3A_857 : vector<16xi32>
    %swap3A_859 = arith.constant 1424 : index
    %swap3A_860 = tpu.vector_load %arg7[%swap3A_859] {strides = array<i32>} : memref<3328xi32, #tpu.memory_space<vmem>>, vector<16xi32>,
    tpu.vector_store %arg7[%swap3A_859], %add3A_858 {strides = array<i32>} : memref<3328xi32, #tpu.memory_space<vmem>>, vector<16xi32>,
    %get3A_861 = arith.constant 11 : i32
    %get3A_862 = arith.index_cast %get3A_861 : i32 to index
    %get3A_863 = arith.constant 32 : index
    %get3A_864 = tpu.vector_load %arg6[%get3A_862, %get3A_863] {strides = array<i32>} : memref<26x128xi32, #tpu.memory_space<vmem>>, vector<16xi32>,
    %add3A_865 = arith.constant 1100000 : i32
    %add3A_866 = vector.broadcast %add3A_865 : i32 to vector<16xi32>
    %add3A_867 = arith.addi %get3A_864, %add3A_866 : vector<16xi32>
    %swap3A_868 = arith.constant 1440 : index
    %swap3A_869 = tpu.vector_load %arg7[%swap3A_868] {strides = array<i32>} : memref<3328xi32, #tpu.memory_space<vmem>>, vector<16xi32>,
    tpu.vector_store %arg7[%swap3A_868], %add3A_867 {strides = array<i32>} : memref<3328xi32, #tpu.memory_space<vmem>>, vector<16xi32>,
    %get3A_870 = arith.constant 11 : i32
    %get3A_871 = arith.index_cast %get3A_870 : i32 to index
    %get3A_872 = arith.constant 48 : index
    %get3A_873 = tpu.vector_load %arg6[%get3A_871, %get3A_872] {strides = array<i32>} : memref<26x128xi32, #tpu.memory_space<vmem>>, vector<16xi32>,
    %add3A_874 = arith.constant 1100000 : i32
    %add3A_875 = vector.broadcast %add3A_874 : i32 to vector<16xi32>
    %add3A_876 = arith.addi %get3A_873, %add3A_875 : vector<16xi32>
    %swap3A_877 = arith.constant 1456 : index
    %swap3A_878 = tpu.vector_load %arg7[%swap3A_877] {strides = array<i32>} : memref<3328xi32, #tpu.memory_space<vmem>>, vector<16xi32>,
    tpu.vector_store %arg7[%swap3A_877], %add3A_876 {strides = array<i32>} : memref<3328xi32, #tpu.memory_space<vmem>>, vector<16xi32>,
    %get3A_879 = arith.constant 11 : i32
    %get3A_880 = arith.index_cast %get3A_879 : i32 to index
    %get3A_881 = arith.constant 64 : index
    %get3A_882 = tpu.vector_load %arg6[%get3A_880, %get3A_881] {strides = array<i32>} : memref<26x128xi32, #tpu.memory_space<vmem>>, vector<16xi32>,
    %add3A_883 = arith.constant 1100000 : i32
    %add3A_884 = vector.broadcast %add3A_883 : i32 to vector<16xi32>
    %add3A_885 = arith.addi %get3A_882, %add3A_884 : vector<16xi32>
    %swap3A_886 = arith.constant 1472 : index
    %swap3A_887 = tpu.vector_load %arg7[%swap3A_886] {strides = array<i32>} : memref<3328xi32, #tpu.memory_space<vmem>>, vector<16xi32>,
    tpu.vector_store %arg7[%swap3A_886], %add3A_885 {strides = array<i32>} : memref<3328xi32, #tpu.memory_space<vmem>>, vector<16xi32>,
    %get3A_888 = arith.constant 11 : i32
    %get3A_889 = arith.index_cast %get3A_888 : i32 to index
    %get3A_890 = arith.constant 80 : index
    %get3A_891 = tpu.vector_load %arg6[%get3A_889, %get3A_890] {strides = array<i32>} : memref<26x128xi32, #tpu.memory_space<vmem>>, vector<16xi32>,
    %add3A_892 = arith.constant 1100000 : i32
    %add3A_893 = vector.broadcast %add3A_892 : i32 to vector<16xi32>
    %add3A_894 = arith.addi %get3A_891, %add3A_893 : vector<16xi32>
    %swap3A_895 = arith.constant 1488 : index
    %swap3A_896 = tpu.vector_load %arg7[%swap3A_895] {strides = array<i32>} : memref<3328xi32, #tpu.memory_space<vmem>>, vector<16xi32>,
    tpu.vector_store %arg7[%swap3A_895], %add3A_894 {strides = array<i32>} : memref<3328xi32, #tpu.memory_space<vmem>>, vector<16xi32>,
    %get3A_897 = arith.constant 11 : i32
    %get3A_898 = arith.index_cast %get3A_897 : i32 to index
    %get3A_899 = arith.constant 96 : index
    %get3A_900 = tpu.vector_load %arg6[%get3A_898, %get3A_899] {strides = array<i32>} : memref<26x128xi32, #tpu.memory_space<vmem>>, vector<16xi32>,
    %add3A_901 = arith.constant 1100000 : i32
    %add3A_902 = vector.broadcast %add3A_901 : i32 to vector<16xi32>
    %add3A_903 = arith.addi %get3A_900, %add3A_902 : vector<16xi32>
    %swap3A_904 = arith.constant 1504 : index
    %swap3A_905 = tpu.vector_load %arg7[%swap3A_904] {strides = array<i32>} : memref<3328xi32, #tpu.memory_space<vmem>>, vector<16xi32>,
    tpu.vector_store %arg7[%swap3A_904], %add3A_903 {strides = array<i32>} : memref<3328xi32, #tpu.memory_space<vmem>>, vector<16xi32>,
    %get3A_906 = arith.constant 11 : i32
    %get3A_907 = arith.index_cast %get3A_906 : i32 to index
    %get3A_908 = arith.constant 112 : index
    %get3A_909 = tpu.vector_load %arg6[%get3A_907, %get3A_908] {strides = array<i32>} : memref<26x128xi32, #tpu.memory_space<vmem>>, vector<16xi32>,
    %add3A_910 = arith.constant 1100000 : i32
    %add3A_911 = vector.broadcast %add3A_910 : i32 to vector<16xi32>
    %add3A_912 = arith.addi %get3A_909, %add3A_911 : vector<16xi32>
    %swap3A_913 = arith.constant 1520 : index
    %swap3A_914 = tpu.vector_load %arg7[%swap3A_913] {strides = array<i32>} : memref<3328xi32, #tpu.memory_space<vmem>>, vector<16xi32>,
    tpu.vector_store %arg7[%swap3A_913], %add3A_912 {strides = array<i32>} : memref<3328xi32, #tpu.memory_space<vmem>>, vector<16xi32>,
    %get3A_915 = arith.constant 12 : i32
    %get3A_916 = arith.index_cast %get3A_915 : i32 to index
    %get3A_917 = arith.constant 0 : index
    %get3A_918 = tpu.vector_load %arg6[%get3A_916, %get3A_917] {strides = array<i32>} : memref<26x128xi32, #tpu.memory_space<vmem>>, vector<16xi32>,
    %add3A_919 = arith.constant 1200000 : i32
    %add3A_920 = vector.broadcast %add3A_919 : i32 to vector<16xi32>
    %add3A_921 = arith.addi %get3A_918, %add3A_920 : vector<16xi32>
    %swap3A_922 = arith.constant 1536 : index
    %swap3A_923 = tpu.vector_load %arg7[%swap3A_922] {strides = array<i32>} : memref<3328xi32, #tpu.memory_space<vmem>>, vector<16xi32>,
    tpu.vector_store %arg7[%swap3A_922], %add3A_921 {strides = array<i32>} : memref<3328xi32, #tpu.memory_space<vmem>>, vector<16xi32>,
    %get3A_924 = arith.constant 12 : i32
    %get3A_925 = arith.index_cast %get3A_924 : i32 to index
    %get3A_926 = arith.constant 16 : index
    %get3A_927 = tpu.vector_load %arg6[%get3A_925, %get3A_926] {strides = array<i32>} : memref<26x128xi32, #tpu.memory_space<vmem>>, vector<16xi32>,
    %add3A_928 = arith.constant 1200000 : i32
    %add3A_929 = vector.broadcast %add3A_928 : i32 to vector<16xi32>
    %add3A_930 = arith.addi %get3A_927, %add3A_929 : vector<16xi32>
    %swap3A_931 = arith.constant 1552 : index
    %swap3A_932 = tpu.vector_load %arg7[%swap3A_931] {strides = array<i32>} : memref<3328xi32, #tpu.memory_space<vmem>>, vector<16xi32>,
    tpu.vector_store %arg7[%swap3A_931], %add3A_930 {strides = array<i32>} : memref<3328xi32, #tpu.memory_space<vmem>>, vector<16xi32>,
    %get3A_933 = arith.constant 12 : i32
    %get3A_934 = arith.index_cast %get3A_933 : i32 to index
    %get3A_935 = arith.constant 32 : index
    %get3A_936 = tpu.vector_load %arg6[%get3A_934, %get3A_935] {strides = array<i32>} : memref<26x128xi32, #tpu.memory_space<vmem>>, vector<16xi32>,
    %add3A_937 = arith.constant 1200000 : i32
    %add3A_938 = vector.broadcast %add3A_937 : i32 to vector<16xi32>
    %add3A_939 = arith.addi %get3A_936, %add3A_938 : vector<16xi32>
    %swap3A_940 = arith.constant 1568 : index
    %swap3A_941 = tpu.vector_load %arg7[%swap3A_940] {strides = array<i32>} : memref<3328xi32, #tpu.memory_space<vmem>>, vector<16xi32>,
    tpu.vector_store %arg7[%swap3A_940], %add3A_939 {strides = array<i32>} : memref<3328xi32, #tpu.memory_space<vmem>>, vector<16xi32>,
    %get3A_942 = arith.constant 12 : i32
    %get3A_943 = arith.index_cast %get3A_942 : i32 to index
    %get3A_944 = arith.constant 48 : index
    %get3A_945 = tpu.vector_load %arg6[%get3A_943, %get3A_944] {strides = array<i32>} : memref<26x128xi32, #tpu.memory_space<vmem>>, vector<16xi32>,
    %add3A_946 = arith.constant 1200000 : i32
    %add3A_947 = vector.broadcast %add3A_946 : i32 to vector<16xi32>
    %add3A_948 = arith.addi %get3A_945, %add3A_947 : vector<16xi32>
    %swap3A_949 = arith.constant 1584 : index
    %swap3A_950 = tpu.vector_load %arg7[%swap3A_949] {strides = array<i32>} : memref<3328xi32, #tpu.memory_space<vmem>>, vector<16xi32>,
    tpu.vector_store %arg7[%swap3A_949], %add3A_948 {strides = array<i32>} : memref<3328xi32, #tpu.memory_space<vmem>>, vector<16xi32>,
    %get3A_951 = arith.constant 12 : i32
    %get3A_952 = arith.index_cast %get3A_951 : i32 to index
    %get3A_953 = arith.constant 64 : index
    %get3A_954 = tpu.vector_load %arg6[%get3A_952, %get3A_953] {strides = array<i32>} : memref<26x128xi32, #tpu.memory_space<vmem>>, vector<16xi32>,
    %add3A_955 = arith.constant 1200000 : i32
    %add3A_956 = vector.broadcast %add3A_955 : i32 to vector<16xi32>
    %add3A_957 = arith.addi %get3A_954, %add3A_956 : vector<16xi32>
    %swap3A_958 = arith.constant 1600 : index
    %swap3A_959 = tpu.vector_load %arg7[%swap3A_958] {strides = array<i32>} : memref<3328xi32, #tpu.memory_space<vmem>>, vector<16xi32>,
    tpu.vector_store %arg7[%swap3A_958], %add3A_957 {strides = array<i32>} : memref<3328xi32, #tpu.memory_space<vmem>>, vector<16xi32>,
    %get3A_960 = arith.constant 12 : i32
    %get3A_961 = arith.index_cast %get3A_960 : i32 to index
    %get3A_962 = arith.constant 80 : index
    %get3A_963 = tpu.vector_load %arg6[%get3A_961, %get3A_962] {strides = array<i32>} : memref<26x128xi32, #tpu.memory_space<vmem>>, vector<16xi32>,
    %add3A_964 = arith.constant 1200000 : i32
    %add3A_965 = vector.broadcast %add3A_964 : i32 to vector<16xi32>
    %add3A_966 = arith.addi %get3A_963, %add3A_965 : vector<16xi32>
    %swap3A_967 = arith.constant 1616 : index
    %swap3A_968 = tpu.vector_load %arg7[%swap3A_967] {strides = array<i32>} : memref<3328xi32, #tpu.memory_space<vmem>>, vector<16xi32>,
    tpu.vector_store %arg7[%swap3A_967], %add3A_966 {strides = array<i32>} : memref<3328xi32, #tpu.memory_space<vmem>>, vector<16xi32>,
    %get3A_969 = arith.constant 12 : i32
    %get3A_970 = arith.index_cast %get3A_969 : i32 to index
    %get3A_971 = arith.constant 96 : index
    %get3A_972 = tpu.vector_load %arg6[%get3A_970, %get3A_971] {strides = array<i32>} : memref<26x128xi32, #tpu.memory_space<vmem>>, vector<16xi32>,
    %add3A_973 = arith.constant 1200000 : i32
    %add3A_974 = vector.broadcast %add3A_973 : i32 to vector<16xi32>
    %add3A_975 = arith.addi %get3A_972, %add3A_974 : vector<16xi32>
    %swap3A_976 = arith.constant 1632 : index
    %swap3A_977 = tpu.vector_load %arg7[%swap3A_976] {strides = array<i32>} : memref<3328xi32, #tpu.memory_space<vmem>>, vector<16xi32>,
    tpu.vector_store %arg7[%swap3A_976], %add3A_975 {strides = array<i32>} : memref<3328xi32, #tpu.memory_space<vmem>>, vector<16xi32>,
    %get3A_978 = arith.constant 12 : i32
    %get3A_979 = arith.index_cast %get3A_978 : i32 to index
    %get3A_980 = arith.constant 112 : index
    %get3A_981 = tpu.vector_load %arg6[%get3A_979, %get3A_980] {strides = array<i32>} : memref<26x128xi32, #tpu.memory_space<vmem>>, vector<16xi32>,
    %add3A_982 = arith.constant 1200000 : i32
    %add3A_983 = vector.broadcast %add3A_982 : i32 to vector<16xi32>
    %add3A_984 = arith.addi %get3A_981, %add3A_983 : vector<16xi32>
    %swap3A_985 = arith.constant 1648 : index
    %swap3A_986 = tpu.vector_load %arg7[%swap3A_985] {strides = array<i32>} : memref<3328xi32, #tpu.memory_space<vmem>>, vector<16xi32>,
    tpu.vector_store %arg7[%swap3A_985], %add3A_984 {strides = array<i32>} : memref<3328xi32, #tpu.memory_space<vmem>>, vector<16xi32>,
    %get3A_987 = arith.constant 13 : i32
    %get3A_988 = arith.index_cast %get3A_987 : i32 to index
    %get3A_989 = arith.constant 0 : index
    %get3A_990 = tpu.vector_load %arg6[%get3A_988, %get3A_989] {strides = array<i32>} : memref<26x128xi32, #tpu.memory_space<vmem>>, vector<16xi32>,
    %add3A_991 = arith.constant 1300000 : i32
    %add3A_992 = vector.broadcast %add3A_991 : i32 to vector<16xi32>
    %add3A_993 = arith.addi %get3A_990, %add3A_992 : vector<16xi32>
    %swap3A_994 = arith.constant 1664 : index
    %swap3A_995 = tpu.vector_load %arg7[%swap3A_994] {strides = array<i32>} : memref<3328xi32, #tpu.memory_space<vmem>>, vector<16xi32>,
    tpu.vector_store %arg7[%swap3A_994], %add3A_993 {strides = array<i32>} : memref<3328xi32, #tpu.memory_space<vmem>>, vector<16xi32>,
    %get3A_996 = arith.constant 13 : i32
    %get3A_997 = arith.index_cast %get3A_996 : i32 to index
    %get3A_998 = arith.constant 16 : index
    %get3A_999 = tpu.vector_load %arg6[%get3A_997, %get3A_998] {strides = array<i32>} : memref<26x128xi32, #tpu.memory_space<vmem>>, vector<16xi32>,
    %add3A_1000 = arith.constant 1300000 : i32
    %add3A_1001 = vector.broadcast %add3A_1000 : i32 to vector<16xi32>
    %add3A_1002 = arith.addi %get3A_999, %add3A_1001 : vector<16xi32>
    %swap3A_1003 = arith.constant 1680 : index
    %swap3A_1004 = tpu.vector_load %arg7[%swap3A_1003] {strides = array<i32>} : memref<3328xi32, #tpu.memory_space<vmem>>, vector<16xi32>,
    tpu.vector_store %arg7[%swap3A_1003], %add3A_1002 {strides = array<i32>} : memref<3328xi32, #tpu.memory_space<vmem>>, vector<16xi32>,
    %get3A_1005 = arith.constant 13 : i32
    %get3A_1006 = arith.index_cast %get3A_1005 : i32 to index
    %get3A_1007 = arith.constant 32 : index
    %get3A_1008 = tpu.vector_load %arg6[%get3A_1006, %get3A_1007] {strides = array<i32>} : memref<26x128xi32, #tpu.memory_space<vmem>>, vector<16xi32>,
    %add3A_1009 = arith.constant 1300000 : i32
    %add3A_1010 = vector.broadcast %add3A_1009 : i32 to vector<16xi32>
    %add3A_1011 = arith.addi %get3A_1008, %add3A_1010 : vector<16xi32>
    %swap3A_1012 = arith.constant 1696 : index
    %swap3A_1013 = tpu.vector_load %arg7[%swap3A_1012] {strides = array<i32>} : memref<3328xi32, #tpu.memory_space<vmem>>, vector<16xi32>,
    tpu.vector_store %arg7[%swap3A_1012], %add3A_1011 {strides = array<i32>} : memref<3328xi32, #tpu.memory_space<vmem>>, vector<16xi32>,
    %get3A_1014 = arith.constant 13 : i32
    %get3A_1015 = arith.index_cast %get3A_1014 : i32 to index
    %get3A_1016 = arith.constant 48 : index
    %get3A_1017 = tpu.vector_load %arg6[%get3A_1015, %get3A_1016] {strides = array<i32>} : memref<26x128xi32, #tpu.memory_space<vmem>>, vector<16xi32>,
    %add3A_1018 = arith.constant 1300000 : i32
    %add3A_1019 = vector.broadcast %add3A_1018 : i32 to vector<16xi32>
    %add3A_1020 = arith.addi %get3A_1017, %add3A_1019 : vector<16xi32>
    %swap3A_1021 = arith.constant 1712 : index
    %swap3A_1022 = tpu.vector_load %arg7[%swap3A_1021] {strides = array<i32>} : memref<3328xi32, #tpu.memory_space<vmem>>, vector<16xi32>,
    tpu.vector_store %arg7[%swap3A_1021], %add3A_1020 {strides = array<i32>} : memref<3328xi32, #tpu.memory_space<vmem>>, vector<16xi32>,
    %get3A_1023 = arith.constant 13 : i32
    %get3A_1024 = arith.index_cast %get3A_1023 : i32 to index
    %get3A_1025 = arith.constant 64 : index
    %get3A_1026 = tpu.vector_load %arg6[%get3A_1024, %get3A_1025] {strides = array<i32>} : memref<26x128xi32, #tpu.memory_space<vmem>>, vector<16xi32>,
    %add3A_1027 = arith.constant 1300000 : i32
    %add3A_1028 = vector.broadcast %add3A_1027 : i32 to vector<16xi32>
    %add3A_1029 = arith.addi %get3A_1026, %add3A_1028 : vector<16xi32>
    %swap3A_1030 = arith.constant 1728 : index
    %swap3A_1031 = tpu.vector_load %arg7[%swap3A_1030] {strides = array<i32>} : memref<3328xi32, #tpu.memory_space<vmem>>, vector<16xi32>,
    tpu.vector_store %arg7[%swap3A_1030], %add3A_1029 {strides = array<i32>} : memref<3328xi32, #tpu.memory_space<vmem>>, vector<16xi32>,
    %get3A_1032 = arith.constant 13 : i32
    %get3A_1033 = arith.index_cast %get3A_1032 : i32 to index
    %get3A_1034 = arith.constant 80 : index
    %get3A_1035 = tpu.vector_load %arg6[%get3A_1033, %get3A_1034] {strides = array<i32>} : memref<26x128xi32, #tpu.memory_space<vmem>>, vector<16xi32>,
    %add3A_1036 = arith.constant 1300000 : i32
    %add3A_1037 = vector.broadcast %add3A_1036 : i32 to vector<16xi32>
    %add3A_1038 = arith.addi %get3A_1035, %add3A_1037 : vector<16xi32>
    %swap3A_1039 = arith.constant 1744 : index
    %swap3A_1040 = tpu.vector_load %arg7[%swap3A_1039] {strides = array<i32>} : memref<3328xi32, #tpu.memory_space<vmem>>, vector<16xi32>,
    tpu.vector_store %arg7[%swap3A_1039], %add3A_1038 {strides = array<i32>} : memref<3328xi32, #tpu.memory_space<vmem>>, vector<16xi32>,
    %get3A_1041 = arith.constant 13 : i32
    %get3A_1042 = arith.index_cast %get3A_1041 : i32 to index
    %get3A_1043 = arith.constant 96 : index
    %get3A_1044 = tpu.vector_load %arg6[%get3A_1042, %get3A_1043] {strides = array<i32>} : memref<26x128xi32, #tpu.memory_space<vmem>>, vector<16xi32>,
    %add3A_1045 = arith.constant 1300000 : i32
    %add3A_1046 = vector.broadcast %add3A_1045 : i32 to vector<16xi32>
    %add3A_1047 = arith.addi %get3A_1044, %add3A_1046 : vector<16xi32>
    %swap3A_1048 = arith.constant 1760 : index
    %swap3A_1049 = tpu.vector_load %arg7[%swap3A_1048] {strides = array<i32>} : memref<3328xi32, #tpu.memory_space<vmem>>, vector<16xi32>,
    tpu.vector_store %arg7[%swap3A_1048], %add3A_1047 {strides = array<i32>} : memref<3328xi32, #tpu.memory_space<vmem>>, vector<16xi32>,
    %get3A_1050 = arith.constant 13 : i32
    %get3A_1051 = arith.index_cast %get3A_1050 : i32 to index
    %get3A_1052 = arith.constant 112 : index
    %get3A_1053 = tpu.vector_load %arg6[%get3A_1051, %get3A_1052] {strides = array<i32>} : memref<26x128xi32, #tpu.memory_space<vmem>>, vector<16xi32>,
    %add3A_1054 = arith.constant 1300000 : i32
    %add3A_1055 = vector.broadcast %add3A_1054 : i32 to vector<16xi32>
    %add3A_1056 = arith.addi %get3A_1053, %add3A_1055 : vector<16xi32>
    %swap3A_1057 = arith.constant 1776 : index
    %swap3A_1058 = tpu.vector_load %arg7[%swap3A_1057] {strides = array<i32>} : memref<3328xi32, #tpu.memory_space<vmem>>, vector<16xi32>,
    tpu.vector_store %arg7[%swap3A_1057], %add3A_1056 {strides = array<i32>} : memref<3328xi32, #tpu.memory_space<vmem>>, vector<16xi32>,
    %get3A_1059 = arith.constant 14 : i32
    %get3A_1060 = arith.index_cast %get3A_1059 : i32 to index
    %get3A_1061 = arith.constant 0 : index
    %get3A_1062 = tpu.vector_load %arg6[%get3A_1060, %get3A_1061] {strides = array<i32>} : memref<26x128xi32, #tpu.memory_space<vmem>>, vector<16xi32>,
    %add3A_1063 = arith.constant 1400000 : i32
    %add3A_1064 = vector.broadcast %add3A_1063 : i32 to vector<16xi32>
    %add3A_1065 = arith.addi %get3A_1062, %add3A_1064 : vector<16xi32>
    %swap3A_1066 = arith.constant 1792 : index
    %swap3A_1067 = tpu.vector_load %arg7[%swap3A_1066] {strides = array<i32>} : memref<3328xi32, #tpu.memory_space<vmem>>, vector<16xi32>,
    tpu.vector_store %arg7[%swap3A_1066], %add3A_1065 {strides = array<i32>} : memref<3328xi32, #tpu.memory_space<vmem>>, vector<16xi32>,
    %get3A_1068 = arith.constant 14 : i32
    %get3A_1069 = arith.index_cast %get3A_1068 : i32 to index
    %get3A_1070 = arith.constant 16 : index
    %get3A_1071 = tpu.vector_load %arg6[%get3A_1069, %get3A_1070] {strides = array<i32>} : memref<26x128xi32, #tpu.memory_space<vmem>>, vector<16xi32>,
    %add3A_1072 = arith.constant 1400000 : i32
    %add3A_1073 = vector.broadcast %add3A_1072 : i32 to vector<16xi32>
    %add3A_1074 = arith.addi %get3A_1071, %add3A_1073 : vector<16xi32>
    %swap3A_1075 = arith.constant 1808 : index
    %swap3A_1076 = tpu.vector_load %arg7[%swap3A_1075] {strides = array<i32>} : memref<3328xi32, #tpu.memory_space<vmem>>, vector<16xi32>,
    tpu.vector_store %arg7[%swap3A_1075], %add3A_1074 {strides = array<i32>} : memref<3328xi32, #tpu.memory_space<vmem>>, vector<16xi32>,
    %get3A_1077 = arith.constant 14 : i32
    %get3A_1078 = arith.index_cast %get3A_1077 : i32 to index
    %get3A_1079 = arith.constant 32 : index
    %get3A_1080 = tpu.vector_load %arg6[%get3A_1078, %get3A_1079] {strides = array<i32>} : memref<26x128xi32, #tpu.memory_space<vmem>>, vector<16xi32>,
    %add3A_1081 = arith.constant 1400000 : i32
    %add3A_1082 = vector.broadcast %add3A_1081 : i32 to vector<16xi32>
    %add3A_1083 = arith.addi %get3A_1080, %add3A_1082 : vector<16xi32>
    %swap3A_1084 = arith.constant 1824 : index
    %swap3A_1085 = tpu.vector_load %arg7[%swap3A_1084] {strides = array<i32>} : memref<3328xi32, #tpu.memory_space<vmem>>, vector<16xi32>,
    tpu.vector_store %arg7[%swap3A_1084], %add3A_1083 {strides = array<i32>} : memref<3328xi32, #tpu.memory_space<vmem>>, vector<16xi32>,
    %get3A_1086 = arith.constant 14 : i32
    %get3A_1087 = arith.index_cast %get3A_1086 : i32 to index
    %get3A_1088 = arith.constant 48 : index
    %get3A_1089 = tpu.vector_load %arg6[%get3A_1087, %get3A_1088] {strides = array<i32>} : memref<26x128xi32, #tpu.memory_space<vmem>>, vector<16xi32>,
    %add3A_1090 = arith.constant 1400000 : i32
    %add3A_1091 = vector.broadcast %add3A_1090 : i32 to vector<16xi32>
    %add3A_1092 = arith.addi %get3A_1089, %add3A_1091 : vector<16xi32>
    %swap3A_1093 = arith.constant 1840 : index
    %swap3A_1094 = tpu.vector_load %arg7[%swap3A_1093] {strides = array<i32>} : memref<3328xi32, #tpu.memory_space<vmem>>, vector<16xi32>,
    tpu.vector_store %arg7[%swap3A_1093], %add3A_1092 {strides = array<i32>} : memref<3328xi32, #tpu.memory_space<vmem>>, vector<16xi32>,
    %get3A_1095 = arith.constant 14 : i32
    %get3A_1096 = arith.index_cast %get3A_1095 : i32 to index
    %get3A_1097 = arith.constant 64 : index
    %get3A_1098 = tpu.vector_load %arg6[%get3A_1096, %get3A_1097] {strides = array<i32>} : memref<26x128xi32, #tpu.memory_space<vmem>>, vector<16xi32>,
    %add3A_1099 = arith.constant 1400000 : i32
    %add3A_1100 = vector.broadcast %add3A_1099 : i32 to vector<16xi32>
    %add3A_1101 = arith.addi %get3A_1098, %add3A_1100 : vector<16xi32>
    %swap3A_1102 = arith.constant 1856 : index
    %swap3A_1103 = tpu.vector_load %arg7[%swap3A_1102] {strides = array<i32>} : memref<3328xi32, #tpu.memory_space<vmem>>, vector<16xi32>,
    tpu.vector_store %arg7[%swap3A_1102], %add3A_1101 {strides = array<i32>} : memref<3328xi32, #tpu.memory_space<vmem>>, vector<16xi32>,
    %get3A_1104 = arith.constant 14 : i32
    %get3A_1105 = arith.index_cast %get3A_1104 : i32 to index
    %get3A_1106 = arith.constant 80 : index
    %get3A_1107 = tpu.vector_load %arg6[%get3A_1105, %get3A_1106] {strides = array<i32>} : memref<26x128xi32, #tpu.memory_space<vmem>>, vector<16xi32>,
    %add3A_1108 = arith.constant 1400000 : i32
    %add3A_1109 = vector.broadcast %add3A_1108 : i32 to vector<16xi32>
    %add3A_1110 = arith.addi %get3A_1107, %add3A_1109 : vector<16xi32>
    %swap3A_1111 = arith.constant 1872 : index
    %swap3A_1112 = tpu.vector_load %arg7[%swap3A_1111] {strides = array<i32>} : memref<3328xi32, #tpu.memory_space<vmem>>, vector<16xi32>,
    tpu.vector_store %arg7[%swap3A_1111], %add3A_1110 {strides = array<i32>} : memref<3328xi32, #tpu.memory_space<vmem>>, vector<16xi32>,
    %get3A_1113 = arith.constant 14 : i32
    %get3A_1114 = arith.index_cast %get3A_1113 : i32 to index
    %get3A_1115 = arith.constant 96 : index
    %get3A_1116 = tpu.vector_load %arg6[%get3A_1114, %get3A_1115] {strides = array<i32>} : memref<26x128xi32, #tpu.memory_space<vmem>>, vector<16xi32>,
    %add3A_1117 = arith.constant 1400000 : i32
    %add3A_1118 = vector.broadcast %add3A_1117 : i32 to vector<16xi32>
    %add3A_1119 = arith.addi %get3A_1116, %add3A_1118 : vector<16xi32>
    %swap3A_1120 = arith.constant 1888 : index
    %swap3A_1121 = tpu.vector_load %arg7[%swap3A_1120] {strides = array<i32>} : memref<3328xi32, #tpu.memory_space<vmem>>, vector<16xi32>,
    tpu.vector_store %arg7[%swap3A_1120], %add3A_1119 {strides = array<i32>} : memref<3328xi32, #tpu.memory_space<vmem>>, vector<16xi32>,
    %get3A_1122 = arith.constant 14 : i32
    %get3A_1123 = arith.index_cast %get3A_1122 : i32 to index
    %get3A_1124 = arith.constant 112 : index
    %get3A_1125 = tpu.vector_load %arg6[%get3A_1123, %get3A_1124] {strides = array<i32>} : memref<26x128xi32, #tpu.memory_space<vmem>>, vector<16xi32>,
    %add3A_1126 = arith.constant 1400000 : i32
    %add3A_1127 = vector.broadcast %add3A_1126 : i32 to vector<16xi32>
    %add3A_1128 = arith.addi %get3A_1125, %add3A_1127 : vector<16xi32>
    %swap3A_1129 = arith.constant 1904 : index
    %swap3A_1130 = tpu.vector_load %arg7[%swap3A_1129] {strides = array<i32>} : memref<3328xi32, #tpu.memory_space<vmem>>, vector<16xi32>,
    tpu.vector_store %arg7[%swap3A_1129], %add3A_1128 {strides = array<i32>} : memref<3328xi32, #tpu.memory_space<vmem>>, vector<16xi32>,
    %get3A_1131 = arith.constant 15 : i32
    %get3A_1132 = arith.index_cast %get3A_1131 : i32 to index
    %get3A_1133 = arith.constant 0 : index
    %get3A_1134 = tpu.vector_load %arg6[%get3A_1132, %get3A_1133] {strides = array<i32>} : memref<26x128xi32, #tpu.memory_space<vmem>>, vector<16xi32>,
    %add3A_1135 = arith.constant 1500000 : i32
    %add3A_1136 = vector.broadcast %add3A_1135 : i32 to vector<16xi32>
    %add3A_1137 = arith.addi %get3A_1134, %add3A_1136 : vector<16xi32>
    %swap3A_1138 = arith.constant 1920 : index
    %swap3A_1139 = tpu.vector_load %arg7[%swap3A_1138] {strides = array<i32>} : memref<3328xi32, #tpu.memory_space<vmem>>, vector<16xi32>,
    tpu.vector_store %arg7[%swap3A_1138], %add3A_1137 {strides = array<i32>} : memref<3328xi32, #tpu.memory_space<vmem>>, vector<16xi32>,
    %get3A_1140 = arith.constant 15 : i32
    %get3A_1141 = arith.index_cast %get3A_1140 : i32 to index
    %get3A_1142 = arith.constant 16 : index
    %get3A_1143 = tpu.vector_load %arg6[%get3A_1141, %get3A_1142] {strides = array<i32>} : memref<26x128xi32, #tpu.memory_space<vmem>>, vector<16xi32>,
    %add3A_1144 = arith.constant 1500000 : i32
    %add3A_1145 = vector.broadcast %add3A_1144 : i32 to vector<16xi32>
    %add3A_1146 = arith.addi %get3A_1143, %add3A_1145 : vector<16xi32>
    %swap3A_1147 = arith.constant 1936 : index
    %swap3A_1148 = tpu.vector_load %arg7[%swap3A_1147] {strides = array<i32>} : memref<3328xi32, #tpu.memory_space<vmem>>, vector<16xi32>,
    tpu.vector_store %arg7[%swap3A_1147], %add3A_1146 {strides = array<i32>} : memref<3328xi32, #tpu.memory_space<vmem>>, vector<16xi32>,
    %get3A_1149 = arith.constant 15 : i32
    %get3A_1150 = arith.index_cast %get3A_1149 : i32 to index
    %get3A_1151 = arith.constant 32 : index
    %get3A_1152 = tpu.vector_load %arg6[%get3A_1150, %get3A_1151] {strides = array<i32>} : memref<26x128xi32, #tpu.memory_space<vmem>>, vector<16xi32>,
    %add3A_1153 = arith.constant 1500000 : i32
    %add3A_1154 = vector.broadcast %add3A_1153 : i32 to vector<16xi32>
    %add3A_1155 = arith.addi %get3A_1152, %add3A_1154 : vector<16xi32>
    %swap3A_1156 = arith.constant 1952 : index
    %swap3A_1157 = tpu.vector_load %arg7[%swap3A_1156] {strides = array<i32>} : memref<3328xi32, #tpu.memory_space<vmem>>, vector<16xi32>,
    tpu.vector_store %arg7[%swap3A_1156], %add3A_1155 {strides = array<i32>} : memref<3328xi32, #tpu.memory_space<vmem>>, vector<16xi32>,
    %get3A_1158 = arith.constant 15 : i32
    %get3A_1159 = arith.index_cast %get3A_1158 : i32 to index
    %get3A_1160 = arith.constant 48 : index
    %get3A_1161 = tpu.vector_load %arg6[%get3A_1159, %get3A_1160] {strides = array<i32>} : memref<26x128xi32, #tpu.memory_space<vmem>>, vector<16xi32>,
    %add3A_1162 = arith.constant 1500000 : i32
    %add3A_1163 = vector.broadcast %add3A_1162 : i32 to vector<16xi32>
    %add3A_1164 = arith.addi %get3A_1161, %add3A_1163 : vector<16xi32>
    %swap3A_1165 = arith.constant 1968 : index
    %swap3A_1166 = tpu.vector_load %arg7[%swap3A_1165] {strides = array<i32>} : memref<3328xi32, #tpu.memory_space<vmem>>, vector<16xi32>,
    tpu.vector_store %arg7[%swap3A_1165], %add3A_1164 {strides = array<i32>} : memref<3328xi32, #tpu.memory_space<vmem>>, vector<16xi32>,
    %get3A_1167 = arith.constant 15 : i32
    %get3A_1168 = arith.index_cast %get3A_1167 : i32 to index
    %get3A_1169 = arith.constant 64 : index
    %get3A_1170 = tpu.vector_load %arg6[%get3A_1168, %get3A_1169] {strides = array<i32>} : memref<26x128xi32, #tpu.memory_space<vmem>>, vector<16xi32>,
    %add3A_1171 = arith.constant 1500000 : i32
    %add3A_1172 = vector.broadcast %add3A_1171 : i32 to vector<16xi32>
    %add3A_1173 = arith.addi %get3A_1170, %add3A_1172 : vector<16xi32>
    %swap3A_1174 = arith.constant 1984 : index
    %swap3A_1175 = tpu.vector_load %arg7[%swap3A_1174] {strides = array<i32>} : memref<3328xi32, #tpu.memory_space<vmem>>, vector<16xi32>,
    tpu.vector_store %arg7[%swap3A_1174], %add3A_1173 {strides = array<i32>} : memref<3328xi32, #tpu.memory_space<vmem>>, vector<16xi32>,
    %get3A_1176 = arith.constant 15 : i32
    %get3A_1177 = arith.index_cast %get3A_1176 : i32 to index
    %get3A_1178 = arith.constant 80 : index
    %get3A_1179 = tpu.vector_load %arg6[%get3A_1177, %get3A_1178] {strides = array<i32>} : memref<26x128xi32, #tpu.memory_space<vmem>>, vector<16xi32>,
    %add3A_1180 = arith.constant 1500000 : i32
    %add3A_1181 = vector.broadcast %add3A_1180 : i32 to vector<16xi32>
    %add3A_1182 = arith.addi %get3A_1179, %add3A_1181 : vector<16xi32>
    %swap3A_1183 = arith.constant 2000 : index
    %swap3A_1184 = tpu.vector_load %arg7[%swap3A_1183] {strides = array<i32>} : memref<3328xi32, #tpu.memory_space<vmem>>, vector<16xi32>,
    tpu.vector_store %arg7[%swap3A_1183], %add3A_1182 {strides = array<i32>} : memref<3328xi32, #tpu.memory_space<vmem>>, vector<16xi32>,
    %get3A_1185 = arith.constant 15 : i32
    %get3A_1186 = arith.index_cast %get3A_1185 : i32 to index
    %get3A_1187 = arith.constant 96 : index
    %get3A_1188 = tpu.vector_load %arg6[%get3A_1186, %get3A_1187] {strides = array<i32>} : memref<26x128xi32, #tpu.memory_space<vmem>>, vector<16xi32>,
    %add3A_1189 = arith.constant 1500000 : i32
    %add3A_1190 = vector.broadcast %add3A_1189 : i32 to vector<16xi32>
    %add3A_1191 = arith.addi %get3A_1188, %add3A_1190 : vector<16xi32>
    %swap3A_1192 = arith.constant 2016 : index
    %swap3A_1193 = tpu.vector_load %arg7[%swap3A_1192] {strides = array<i32>} : memref<3328xi32, #tpu.memory_space<vmem>>, vector<16xi32>,
    tpu.vector_store %arg7[%swap3A_1192], %add3A_1191 {strides = array<i32>} : memref<3328xi32, #tpu.memory_space<vmem>>, vector<16xi32>,
    %get3A_1194 = arith.constant 15 : i32
    %get3A_1195 = arith.index_cast %get3A_1194 : i32 to index
    %get3A_1196 = arith.constant 112 : index
    %get3A_1197 = tpu.vector_load %arg6[%get3A_1195, %get3A_1196] {strides = array<i32>} : memref<26x128xi32, #tpu.memory_space<vmem>>, vector<16xi32>,
    %add3A_1198 = arith.constant 1500000 : i32
    %add3A_1199 = vector.broadcast %add3A_1198 : i32 to vector<16xi32>
    %add3A_1200 = arith.addi %get3A_1197, %add3A_1199 : vector<16xi32>
    %swap3A_1201 = arith.constant 2032 : index
    %swap3A_1202 = tpu.vector_load %arg7[%swap3A_1201] {strides = array<i32>} : memref<3328xi32, #tpu.memory_space<vmem>>, vector<16xi32>,
    tpu.vector_store %arg7[%swap3A_1201], %add3A_1200 {strides = array<i32>} : memref<3328xi32, #tpu.memory_space<vmem>>, vector<16xi32>,
    %dma_start3A_1203 = arith.constant 0 : i32
    %dma_start3A_1204 = arith.constant 1024 : i32
    %dma_start3A_1205 = tpu.memref_slice %arg8[%dma_start3A_1204] : memref<3328xf32, #tpu.memory_space<vmem>> -> memref<1024xf32, #tpu.memory_space<vmem>>
    %dma_start3A_1206 = arith.constant 1024 : i32
    %dma_start3A_1207 = tpu.memref_slice %arg7[%dma_start3A_1206] : memref<3328xi32, #tpu.memory_space<vmem>> -> memref<1024xi32, #tpu.memory_space<vmem>>
    %dma_start3A_1208 = arith.constant 0 : i32
    %dma_start3A_1209 = tpu.memref_slice %arg3[%dma_start3A_1203, %dma_start3A_1208] : memref<1x2600000xf32, #tpu.memory_space<hbm>> -> memref<1x2600000xf32, #tpu.memory_space<hbm>>
    %dma_start3A_1210 = tpu.memref_squeeze %dma_start3A_1209 : memref<1x2600000xf32, #tpu.memory_space<hbm>> -> memref<2600000xf32, #tpu.memory_space<hbm>>
    %dma_start3A_1211 = arith.constant 0 : i32
    %dma_start3A_1212 = tpu.memref_slice %dma_start3A_1210[%dma_start3A_1211] : memref<2600000xf32, #tpu.memory_space<hbm>> -> memref<2600000xf32, #tpu.memory_space<hbm>>
    tpu.enqueue_indirect_dma source(%dma_start3A_1212 : memref<2600000xf32, #tpu.memory_space<hbm>>) target(%dma_start3A_1205 : memref<1024xf32, #tpu.memory_space<vmem>>) offsets(%dma_start3A_1207 : memref<1024xi32, #tpu.memory_space<vmem>>) semaphore(%arg14 : memref<!tpu.dma_semaphore, #tpu.memory_space<semaphore_mem>>)
    %get3A_1213 = arith.constant 16 : i32
    %get3A_1214 = arith.index_cast %get3A_1213 : i32 to index
    %get3A_1215 = arith.constant 0 : index
    %get3A_1216 = tpu.vector_load %arg6[%get3A_1214, %get3A_1215] {strides = array<i32>} : memref<26x128xi32, #tpu.memory_space<vmem>>, vector<16xi32>,
    %add3A_1217 = arith.constant 1600000 : i32
    %add3A_1218 = vector.broadcast %add3A_1217 : i32 to vector<16xi32>
    %add3A_1219 = arith.addi %get3A_1216, %add3A_1218 : vector<16xi32>
    %swap3A_1220 = arith.constant 2048 : index
    %swap3A_1221 = tpu.vector_load %arg7[%swap3A_1220] {strides = array<i32>} : memref<3328xi32, #tpu.memory_space<vmem>>, vector<16xi32>,
    tpu.vector_store %arg7[%swap3A_1220], %add3A_1219 {strides = array<i32>} : memref<3328xi32, #tpu.memory_space<vmem>>, vector<16xi32>,
    %get3A_1222 = arith.constant 16 : i32
    %get3A_1223 = arith.index_cast %get3A_1222 : i32 to index
    %get3A_1224 = arith.constant 16 : index
    %get3A_1225 = tpu.vector_load %arg6[%get3A_1223, %get3A_1224] {strides = array<i32>} : memref<26x128xi32, #tpu.memory_space<vmem>>, vector<16xi32>,
    %add3A_1226 = arith.constant 1600000 : i32
    %add3A_1227 = vector.broadcast %add3A_1226 : i32 to vector<16xi32>
    %add3A_1228 = arith.addi %get3A_1225, %add3A_1227 : vector<16xi32>
    %swap3A_1229 = arith.constant 2064 : index
    %swap3A_1230 = tpu.vector_load %arg7[%swap3A_1229] {strides = array<i32>} : memref<3328xi32, #tpu.memory_space<vmem>>, vector<16xi32>,
    tpu.vector_store %arg7[%swap3A_1229], %add3A_1228 {strides = array<i32>} : memref<3328xi32, #tpu.memory_space<vmem>>, vector<16xi32>,
    %get3A_1231 = arith.constant 16 : i32
    %get3A_1232 = arith.index_cast %get3A_1231 : i32 to index
    %get3A_1233 = arith.constant 32 : index
    %get3A_1234 = tpu.vector_load %arg6[%get3A_1232, %get3A_1233] {strides = array<i32>} : memref<26x128xi32, #tpu.memory_space<vmem>>, vector<16xi32>,
    %add3A_1235 = arith.constant 1600000 : i32
    %add3A_1236 = vector.broadcast %add3A_1235 : i32 to vector<16xi32>
    %add3A_1237 = arith.addi %get3A_1234, %add3A_1236 : vector<16xi32>
    %swap3A_1238 = arith.constant 2080 : index
    %swap3A_1239 = tpu.vector_load %arg7[%swap3A_1238] {strides = array<i32>} : memref<3328xi32, #tpu.memory_space<vmem>>, vector<16xi32>,
    tpu.vector_store %arg7[%swap3A_1238], %add3A_1237 {strides = array<i32>} : memref<3328xi32, #tpu.memory_space<vmem>>, vector<16xi32>,
    %get3A_1240 = arith.constant 16 : i32
    %get3A_1241 = arith.index_cast %get3A_1240 : i32 to index
    %get3A_1242 = arith.constant 48 : index
    %get3A_1243 = tpu.vector_load %arg6[%get3A_1241, %get3A_1242] {strides = array<i32>} : memref<26x128xi32, #tpu.memory_space<vmem>>, vector<16xi32>,
    %add3A_1244 = arith.constant 1600000 : i32
    %add3A_1245 = vector.broadcast %add3A_1244 : i32 to vector<16xi32>
    %add3A_1246 = arith.addi %get3A_1243, %add3A_1245 : vector<16xi32>
    %swap3A_1247 = arith.constant 2096 : index
    %swap3A_1248 = tpu.vector_load %arg7[%swap3A_1247] {strides = array<i32>} : memref<3328xi32, #tpu.memory_space<vmem>>, vector<16xi32>,
    tpu.vector_store %arg7[%swap3A_1247], %add3A_1246 {strides = array<i32>} : memref<3328xi32, #tpu.memory_space<vmem>>, vector<16xi32>,
    %get3A_1249 = arith.constant 16 : i32
    %get3A_1250 = arith.index_cast %get3A_1249 : i32 to index
    %get3A_1251 = arith.constant 64 : index
    %get3A_1252 = tpu.vector_load %arg6[%get3A_1250, %get3A_1251] {strides = array<i32>} : memref<26x128xi32, #tpu.memory_space<vmem>>, vector<16xi32>,
    %add3A_1253 = arith.constant 1600000 : i32
    %add3A_1254 = vector.broadcast %add3A_1253 : i32 to vector<16xi32>
    %add3A_1255 = arith.addi %get3A_1252, %add3A_1254 : vector<16xi32>
    %swap3A_1256 = arith.constant 2112 : index
    %swap3A_1257 = tpu.vector_load %arg7[%swap3A_1256] {strides = array<i32>} : memref<3328xi32, #tpu.memory_space<vmem>>, vector<16xi32>,
    tpu.vector_store %arg7[%swap3A_1256], %add3A_1255 {strides = array<i32>} : memref<3328xi32, #tpu.memory_space<vmem>>, vector<16xi32>,
    %get3A_1258 = arith.constant 16 : i32
    %get3A_1259 = arith.index_cast %get3A_1258 : i32 to index
    %get3A_1260 = arith.constant 80 : index
    %get3A_1261 = tpu.vector_load %arg6[%get3A_1259, %get3A_1260] {strides = array<i32>} : memref<26x128xi32, #tpu.memory_space<vmem>>, vector<16xi32>,
    %add3A_1262 = arith.constant 1600000 : i32
    %add3A_1263 = vector.broadcast %add3A_1262 : i32 to vector<16xi32>
    %add3A_1264 = arith.addi %get3A_1261, %add3A_1263 : vector<16xi32>
    %swap3A_1265 = arith.constant 2128 : index
    %swap3A_1266 = tpu.vector_load %arg7[%swap3A_1265] {strides = array<i32>} : memref<3328xi32, #tpu.memory_space<vmem>>, vector<16xi32>,
    tpu.vector_store %arg7[%swap3A_1265], %add3A_1264 {strides = array<i32>} : memref<3328xi32, #tpu.memory_space<vmem>>, vector<16xi32>,
    %get3A_1267 = arith.constant 16 : i32
    %get3A_1268 = arith.index_cast %get3A_1267 : i32 to index
    %get3A_1269 = arith.constant 96 : index
    %get3A_1270 = tpu.vector_load %arg6[%get3A_1268, %get3A_1269] {strides = array<i32>} : memref<26x128xi32, #tpu.memory_space<vmem>>, vector<16xi32>,
    %add3A_1271 = arith.constant 1600000 : i32
    %add3A_1272 = vector.broadcast %add3A_1271 : i32 to vector<16xi32>
    %add3A_1273 = arith.addi %get3A_1270, %add3A_1272 : vector<16xi32>
    %swap3A_1274 = arith.constant 2144 : index
    %swap3A_1275 = tpu.vector_load %arg7[%swap3A_1274] {strides = array<i32>} : memref<3328xi32, #tpu.memory_space<vmem>>, vector<16xi32>,
    tpu.vector_store %arg7[%swap3A_1274], %add3A_1273 {strides = array<i32>} : memref<3328xi32, #tpu.memory_space<vmem>>, vector<16xi32>,
    %get3A_1276 = arith.constant 16 : i32
    %get3A_1277 = arith.index_cast %get3A_1276 : i32 to index
    %get3A_1278 = arith.constant 112 : index
    %get3A_1279 = tpu.vector_load %arg6[%get3A_1277, %get3A_1278] {strides = array<i32>} : memref<26x128xi32, #tpu.memory_space<vmem>>, vector<16xi32>,
    %add3A_1280 = arith.constant 1600000 : i32
    %add3A_1281 = vector.broadcast %add3A_1280 : i32 to vector<16xi32>
    %add3A_1282 = arith.addi %get3A_1279, %add3A_1281 : vector<16xi32>
    %swap3A_1283 = arith.constant 2160 : index
    %swap3A_1284 = tpu.vector_load %arg7[%swap3A_1283] {strides = array<i32>} : memref<3328xi32, #tpu.memory_space<vmem>>, vector<16xi32>,
    tpu.vector_store %arg7[%swap3A_1283], %add3A_1282 {strides = array<i32>} : memref<3328xi32, #tpu.memory_space<vmem>>, vector<16xi32>,
    %get3A_1285 = arith.constant 17 : i32
    %get3A_1286 = arith.index_cast %get3A_1285 : i32 to index
    %get3A_1287 = arith.constant 0 : index
    %get3A_1288 = tpu.vector_load %arg6[%get3A_1286, %get3A_1287] {strides = array<i32>} : memref<26x128xi32, #tpu.memory_space<vmem>>, vector<16xi32>,
    %add3A_1289 = arith.constant 1700000 : i32
    %add3A_1290 = vector.broadcast %add3A_1289 : i32 to vector<16xi32>
    %add3A_1291 = arith.addi %get3A_1288, %add3A_1290 : vector<16xi32>
    %swap3A_1292 = arith.constant 2176 : index
    %swap3A_1293 = tpu.vector_load %arg7[%swap3A_1292] {strides = array<i32>} : memref<3328xi32, #tpu.memory_space<vmem>>, vector<16xi32>,
    tpu.vector_store %arg7[%swap3A_1292], %add3A_1291 {strides = array<i32>} : memref<3328xi32, #tpu.memory_space<vmem>>, vector<16xi32>,
    %get3A_1294 = arith.constant 17 : i32
    %get3A_1295 = arith.index_cast %get3A_1294 : i32 to index
    %get3A_1296 = arith.constant 16 : index
    %get3A_1297 = tpu.vector_load %arg6[%get3A_1295, %get3A_1296] {strides = array<i32>} : memref<26x128xi32, #tpu.memory_space<vmem>>, vector<16xi32>,
    %add3A_1298 = arith.constant 1700000 : i32
    %add3A_1299 = vector.broadcast %add3A_1298 : i32 to vector<16xi32>
    %add3A_1300 = arith.addi %get3A_1297, %add3A_1299 : vector<16xi32>
    %swap3A_1301 = arith.constant 2192 : index
    %swap3A_1302 = tpu.vector_load %arg7[%swap3A_1301] {strides = array<i32>} : memref<3328xi32, #tpu.memory_space<vmem>>, vector<16xi32>,
    tpu.vector_store %arg7[%swap3A_1301], %add3A_1300 {strides = array<i32>} : memref<3328xi32, #tpu.memory_space<vmem>>, vector<16xi32>,
    %get3A_1303 = arith.constant 17 : i32
    %get3A_1304 = arith.index_cast %get3A_1303 : i32 to index
    %get3A_1305 = arith.constant 32 : index
    %get3A_1306 = tpu.vector_load %arg6[%get3A_1304, %get3A_1305] {strides = array<i32>} : memref<26x128xi32, #tpu.memory_space<vmem>>, vector<16xi32>,
    %add3A_1307 = arith.constant 1700000 : i32
    %add3A_1308 = vector.broadcast %add3A_1307 : i32 to vector<16xi32>
    %add3A_1309 = arith.addi %get3A_1306, %add3A_1308 : vector<16xi32>
    %swap3A_1310 = arith.constant 2208 : index
    %swap3A_1311 = tpu.vector_load %arg7[%swap3A_1310] {strides = array<i32>} : memref<3328xi32, #tpu.memory_space<vmem>>, vector<16xi32>,
    tpu.vector_store %arg7[%swap3A_1310], %add3A_1309 {strides = array<i32>} : memref<3328xi32, #tpu.memory_space<vmem>>, vector<16xi32>,
    %get3A_1312 = arith.constant 17 : i32
    %get3A_1313 = arith.index_cast %get3A_1312 : i32 to index
    %get3A_1314 = arith.constant 48 : index
    %get3A_1315 = tpu.vector_load %arg6[%get3A_1313, %get3A_1314] {strides = array<i32>} : memref<26x128xi32, #tpu.memory_space<vmem>>, vector<16xi32>,
    %add3A_1316 = arith.constant 1700000 : i32
    %add3A_1317 = vector.broadcast %add3A_1316 : i32 to vector<16xi32>
    %add3A_1318 = arith.addi %get3A_1315, %add3A_1317 : vector<16xi32>
    %swap3A_1319 = arith.constant 2224 : index
    %swap3A_1320 = tpu.vector_load %arg7[%swap3A_1319] {strides = array<i32>} : memref<3328xi32, #tpu.memory_space<vmem>>, vector<16xi32>,
    tpu.vector_store %arg7[%swap3A_1319], %add3A_1318 {strides = array<i32>} : memref<3328xi32, #tpu.memory_space<vmem>>, vector<16xi32>,
    %get3A_1321 = arith.constant 17 : i32
    %get3A_1322 = arith.index_cast %get3A_1321 : i32 to index
    %get3A_1323 = arith.constant 64 : index
    %get3A_1324 = tpu.vector_load %arg6[%get3A_1322, %get3A_1323] {strides = array<i32>} : memref<26x128xi32, #tpu.memory_space<vmem>>, vector<16xi32>,
    %add3A_1325 = arith.constant 1700000 : i32
    %add3A_1326 = vector.broadcast %add3A_1325 : i32 to vector<16xi32>
    %add3A_1327 = arith.addi %get3A_1324, %add3A_1326 : vector<16xi32>
    %swap3A_1328 = arith.constant 2240 : index
    %swap3A_1329 = tpu.vector_load %arg7[%swap3A_1328] {strides = array<i32>} : memref<3328xi32, #tpu.memory_space<vmem>>, vector<16xi32>,
    tpu.vector_store %arg7[%swap3A_1328], %add3A_1327 {strides = array<i32>} : memref<3328xi32, #tpu.memory_space<vmem>>, vector<16xi32>,
    %get3A_1330 = arith.constant 17 : i32
    %get3A_1331 = arith.index_cast %get3A_1330 : i32 to index
    %get3A_1332 = arith.constant 80 : index
    %get3A_1333 = tpu.vector_load %arg6[%get3A_1331, %get3A_1332] {strides = array<i32>} : memref<26x128xi32, #tpu.memory_space<vmem>>, vector<16xi32>,
    %add3A_1334 = arith.constant 1700000 : i32
    %add3A_1335 = vector.broadcast %add3A_1334 : i32 to vector<16xi32>
    %add3A_1336 = arith.addi %get3A_1333, %add3A_1335 : vector<16xi32>
    %swap3A_1337 = arith.constant 2256 : index
    %swap3A_1338 = tpu.vector_load %arg7[%swap3A_1337] {strides = array<i32>} : memref<3328xi32, #tpu.memory_space<vmem>>, vector<16xi32>,
    tpu.vector_store %arg7[%swap3A_1337], %add3A_1336 {strides = array<i32>} : memref<3328xi32, #tpu.memory_space<vmem>>, vector<16xi32>,
    %get3A_1339 = arith.constant 17 : i32
    %get3A_1340 = arith.index_cast %get3A_1339 : i32 to index
    %get3A_1341 = arith.constant 96 : index
    %get3A_1342 = tpu.vector_load %arg6[%get3A_1340, %get3A_1341] {strides = array<i32>} : memref<26x128xi32, #tpu.memory_space<vmem>>, vector<16xi32>,
    %add3A_1343 = arith.constant 1700000 : i32
    %add3A_1344 = vector.broadcast %add3A_1343 : i32 to vector<16xi32>
    %add3A_1345 = arith.addi %get3A_1342, %add3A_1344 : vector<16xi32>
    %swap3A_1346 = arith.constant 2272 : index
    %swap3A_1347 = tpu.vector_load %arg7[%swap3A_1346] {strides = array<i32>} : memref<3328xi32, #tpu.memory_space<vmem>>, vector<16xi32>,
    tpu.vector_store %arg7[%swap3A_1346], %add3A_1345 {strides = array<i32>} : memref<3328xi32, #tpu.memory_space<vmem>>, vector<16xi32>,
    %get3A_1348 = arith.constant 17 : i32
    %get3A_1349 = arith.index_cast %get3A_1348 : i32 to index
    %get3A_1350 = arith.constant 112 : index
    %get3A_1351 = tpu.vector_load %arg6[%get3A_1349, %get3A_1350] {strides = array<i32>} : memref<26x128xi32, #tpu.memory_space<vmem>>, vector<16xi32>,
    %add3A_1352 = arith.constant 1700000 : i32
    %add3A_1353 = vector.broadcast %add3A_1352 : i32 to vector<16xi32>
    %add3A_1354 = arith.addi %get3A_1351, %add3A_1353 : vector<16xi32>
    %swap3A_1355 = arith.constant 2288 : index
    %swap3A_1356 = tpu.vector_load %arg7[%swap3A_1355] {strides = array<i32>} : memref<3328xi32, #tpu.memory_space<vmem>>, vector<16xi32>,
    tpu.vector_store %arg7[%swap3A_1355], %add3A_1354 {strides = array<i32>} : memref<3328xi32, #tpu.memory_space<vmem>>, vector<16xi32>,
    %get3A_1357 = arith.constant 18 : i32
    %get3A_1358 = arith.index_cast %get3A_1357 : i32 to index
    %get3A_1359 = arith.constant 0 : index
    %get3A_1360 = tpu.vector_load %arg6[%get3A_1358, %get3A_1359] {strides = array<i32>} : memref<26x128xi32, #tpu.memory_space<vmem>>, vector<16xi32>,
    %add3A_1361 = arith.constant 1800000 : i32
    %add3A_1362 = vector.broadcast %add3A_1361 : i32 to vector<16xi32>
    %add3A_1363 = arith.addi %get3A_1360, %add3A_1362 : vector<16xi32>
    %swap3A_1364 = arith.constant 2304 : index
    %swap3A_1365 = tpu.vector_load %arg7[%swap3A_1364] {strides = array<i32>} : memref<3328xi32, #tpu.memory_space<vmem>>, vector<16xi32>,
    tpu.vector_store %arg7[%swap3A_1364], %add3A_1363 {strides = array<i32>} : memref<3328xi32, #tpu.memory_space<vmem>>, vector<16xi32>,
    %get3A_1366 = arith.constant 18 : i32
    %get3A_1367 = arith.index_cast %get3A_1366 : i32 to index
    %get3A_1368 = arith.constant 16 : index
    %get3A_1369 = tpu.vector_load %arg6[%get3A_1367, %get3A_1368] {strides = array<i32>} : memref<26x128xi32, #tpu.memory_space<vmem>>, vector<16xi32>,
    %add3A_1370 = arith.constant 1800000 : i32
    %add3A_1371 = vector.broadcast %add3A_1370 : i32 to vector<16xi32>
    %add3A_1372 = arith.addi %get3A_1369, %add3A_1371 : vector<16xi32>
    %swap3A_1373 = arith.constant 2320 : index
    %swap3A_1374 = tpu.vector_load %arg7[%swap3A_1373] {strides = array<i32>} : memref<3328xi32, #tpu.memory_space<vmem>>, vector<16xi32>,
    tpu.vector_store %arg7[%swap3A_1373], %add3A_1372 {strides = array<i32>} : memref<3328xi32, #tpu.memory_space<vmem>>, vector<16xi32>,
    %get3A_1375 = arith.constant 18 : i32
    %get3A_1376 = arith.index_cast %get3A_1375 : i32 to index
    %get3A_1377 = arith.constant 32 : index
    %get3A_1378 = tpu.vector_load %arg6[%get3A_1376, %get3A_1377] {strides = array<i32>} : memref<26x128xi32, #tpu.memory_space<vmem>>, vector<16xi32>,
    %add3A_1379 = arith.constant 1800000 : i32
    %add3A_1380 = vector.broadcast %add3A_1379 : i32 to vector<16xi32>
    %add3A_1381 = arith.addi %get3A_1378, %add3A_1380 : vector<16xi32>
    %swap3A_1382 = arith.constant 2336 : index
    %swap3A_1383 = tpu.vector_load %arg7[%swap3A_1382] {strides = array<i32>} : memref<3328xi32, #tpu.memory_space<vmem>>, vector<16xi32>,
    tpu.vector_store %arg7[%swap3A_1382], %add3A_1381 {strides = array<i32>} : memref<3328xi32, #tpu.memory_space<vmem>>, vector<16xi32>,
    %get3A_1384 = arith.constant 18 : i32
    %get3A_1385 = arith.index_cast %get3A_1384 : i32 to index
    %get3A_1386 = arith.constant 48 : index
    %get3A_1387 = tpu.vector_load %arg6[%get3A_1385, %get3A_1386] {strides = array<i32>} : memref<26x128xi32, #tpu.memory_space<vmem>>, vector<16xi32>,
    %add3A_1388 = arith.constant 1800000 : i32
    %add3A_1389 = vector.broadcast %add3A_1388 : i32 to vector<16xi32>
    %add3A_1390 = arith.addi %get3A_1387, %add3A_1389 : vector<16xi32>
    %swap3A_1391 = arith.constant 2352 : index
    %swap3A_1392 = tpu.vector_load %arg7[%swap3A_1391] {strides = array<i32>} : memref<3328xi32, #tpu.memory_space<vmem>>, vector<16xi32>,
    tpu.vector_store %arg7[%swap3A_1391], %add3A_1390 {strides = array<i32>} : memref<3328xi32, #tpu.memory_space<vmem>>, vector<16xi32>,
    %get3A_1393 = arith.constant 18 : i32
    %get3A_1394 = arith.index_cast %get3A_1393 : i32 to index
    %get3A_1395 = arith.constant 64 : index
    %get3A_1396 = tpu.vector_load %arg6[%get3A_1394, %get3A_1395] {strides = array<i32>} : memref<26x128xi32, #tpu.memory_space<vmem>>, vector<16xi32>,
    %add3A_1397 = arith.constant 1800000 : i32
    %add3A_1398 = vector.broadcast %add3A_1397 : i32 to vector<16xi32>
    %add3A_1399 = arith.addi %get3A_1396, %add3A_1398 : vector<16xi32>
    %swap3A_1400 = arith.constant 2368 : index
    %swap3A_1401 = tpu.vector_load %arg7[%swap3A_1400] {strides = array<i32>} : memref<3328xi32, #tpu.memory_space<vmem>>, vector<16xi32>,
    tpu.vector_store %arg7[%swap3A_1400], %add3A_1399 {strides = array<i32>} : memref<3328xi32, #tpu.memory_space<vmem>>, vector<16xi32>,
    %get3A_1402 = arith.constant 18 : i32
    %get3A_1403 = arith.index_cast %get3A_1402 : i32 to index
    %get3A_1404 = arith.constant 80 : index
    %get3A_1405 = tpu.vector_load %arg6[%get3A_1403, %get3A_1404] {strides = array<i32>} : memref<26x128xi32, #tpu.memory_space<vmem>>, vector<16xi32>,
    %add3A_1406 = arith.constant 1800000 : i32
    %add3A_1407 = vector.broadcast %add3A_1406 : i32 to vector<16xi32>
    %add3A_1408 = arith.addi %get3A_1405, %add3A_1407 : vector<16xi32>
    %swap3A_1409 = arith.constant 2384 : index
    %swap3A_1410 = tpu.vector_load %arg7[%swap3A_1409] {strides = array<i32>} : memref<3328xi32, #tpu.memory_space<vmem>>, vector<16xi32>,
    tpu.vector_store %arg7[%swap3A_1409], %add3A_1408 {strides = array<i32>} : memref<3328xi32, #tpu.memory_space<vmem>>, vector<16xi32>,
    %get3A_1411 = arith.constant 18 : i32
    %get3A_1412 = arith.index_cast %get3A_1411 : i32 to index
    %get3A_1413 = arith.constant 96 : index
    %get3A_1414 = tpu.vector_load %arg6[%get3A_1412, %get3A_1413] {strides = array<i32>} : memref<26x128xi32, #tpu.memory_space<vmem>>, vector<16xi32>,
    %add3A_1415 = arith.constant 1800000 : i32
    %add3A_1416 = vector.broadcast %add3A_1415 : i32 to vector<16xi32>
    %add3A_1417 = arith.addi %get3A_1414, %add3A_1416 : vector<16xi32>
    %swap3A_1418 = arith.constant 2400 : index
    %swap3A_1419 = tpu.vector_load %arg7[%swap3A_1418] {strides = array<i32>} : memref<3328xi32, #tpu.memory_space<vmem>>, vector<16xi32>,
    tpu.vector_store %arg7[%swap3A_1418], %add3A_1417 {strides = array<i32>} : memref<3328xi32, #tpu.memory_space<vmem>>, vector<16xi32>,
    %get3A_1420 = arith.constant 18 : i32
    %get3A_1421 = arith.index_cast %get3A_1420 : i32 to index
    %get3A_1422 = arith.constant 112 : index
    %get3A_1423 = tpu.vector_load %arg6[%get3A_1421, %get3A_1422] {strides = array<i32>} : memref<26x128xi32, #tpu.memory_space<vmem>>, vector<16xi32>,
    %add3A_1424 = arith.constant 1800000 : i32
    %add3A_1425 = vector.broadcast %add3A_1424 : i32 to vector<16xi32>
    %add3A_1426 = arith.addi %get3A_1423, %add3A_1425 : vector<16xi32>
    %swap3A_1427 = arith.constant 2416 : index
    %swap3A_1428 = tpu.vector_load %arg7[%swap3A_1427] {strides = array<i32>} : memref<3328xi32, #tpu.memory_space<vmem>>, vector<16xi32>,
    tpu.vector_store %arg7[%swap3A_1427], %add3A_1426 {strides = array<i32>} : memref<3328xi32, #tpu.memory_space<vmem>>, vector<16xi32>,
    %get3A_1429 = arith.constant 19 : i32
    %get3A_1430 = arith.index_cast %get3A_1429 : i32 to index
    %get3A_1431 = arith.constant 0 : index
    %get3A_1432 = tpu.vector_load %arg6[%get3A_1430, %get3A_1431] {strides = array<i32>} : memref<26x128xi32, #tpu.memory_space<vmem>>, vector<16xi32>,
    %add3A_1433 = arith.constant 1900000 : i32
    %add3A_1434 = vector.broadcast %add3A_1433 : i32 to vector<16xi32>
    %add3A_1435 = arith.addi %get3A_1432, %add3A_1434 : vector<16xi32>
    %swap3A_1436 = arith.constant 2432 : index
    %swap3A_1437 = tpu.vector_load %arg7[%swap3A_1436] {strides = array<i32>} : memref<3328xi32, #tpu.memory_space<vmem>>, vector<16xi32>,
    tpu.vector_store %arg7[%swap3A_1436], %add3A_1435 {strides = array<i32>} : memref<3328xi32, #tpu.memory_space<vmem>>, vector<16xi32>,
    %get3A_1438 = arith.constant 19 : i32
    %get3A_1439 = arith.index_cast %get3A_1438 : i32 to index
    %get3A_1440 = arith.constant 16 : index
    %get3A_1441 = tpu.vector_load %arg6[%get3A_1439, %get3A_1440] {strides = array<i32>} : memref<26x128xi32, #tpu.memory_space<vmem>>, vector<16xi32>,
    %add3A_1442 = arith.constant 1900000 : i32
    %add3A_1443 = vector.broadcast %add3A_1442 : i32 to vector<16xi32>
    %add3A_1444 = arith.addi %get3A_1441, %add3A_1443 : vector<16xi32>
    %swap3A_1445 = arith.constant 2448 : index
    %swap3A_1446 = tpu.vector_load %arg7[%swap3A_1445] {strides = array<i32>} : memref<3328xi32, #tpu.memory_space<vmem>>, vector<16xi32>,
    tpu.vector_store %arg7[%swap3A_1445], %add3A_1444 {strides = array<i32>} : memref<3328xi32, #tpu.memory_space<vmem>>, vector<16xi32>,
    %get3A_1447 = arith.constant 19 : i32
    %get3A_1448 = arith.index_cast %get3A_1447 : i32 to index
    %get3A_1449 = arith.constant 32 : index
    %get3A_1450 = tpu.vector_load %arg6[%get3A_1448, %get3A_1449] {strides = array<i32>} : memref<26x128xi32, #tpu.memory_space<vmem>>, vector<16xi32>,
    %add3A_1451 = arith.constant 1900000 : i32
    %add3A_1452 = vector.broadcast %add3A_1451 : i32 to vector<16xi32>
    %add3A_1453 = arith.addi %get3A_1450, %add3A_1452 : vector<16xi32>
    %swap3A_1454 = arith.constant 2464 : index
    %swap3A_1455 = tpu.vector_load %arg7[%swap3A_1454] {strides = array<i32>} : memref<3328xi32, #tpu.memory_space<vmem>>, vector<16xi32>,
    tpu.vector_store %arg7[%swap3A_1454], %add3A_1453 {strides = array<i32>} : memref<3328xi32, #tpu.memory_space<vmem>>, vector<16xi32>,
    %get3A_1456 = arith.constant 19 : i32
    %get3A_1457 = arith.index_cast %get3A_1456 : i32 to index
    %get3A_1458 = arith.constant 48 : index
    %get3A_1459 = tpu.vector_load %arg6[%get3A_1457, %get3A_1458] {strides = array<i32>} : memref<26x128xi32, #tpu.memory_space<vmem>>, vector<16xi32>,
    %add3A_1460 = arith.constant 1900000 : i32
    %add3A_1461 = vector.broadcast %add3A_1460 : i32 to vector<16xi32>
    %add3A_1462 = arith.addi %get3A_1459, %add3A_1461 : vector<16xi32>
    %swap3A_1463 = arith.constant 2480 : index
    %swap3A_1464 = tpu.vector_load %arg7[%swap3A_1463] {strides = array<i32>} : memref<3328xi32, #tpu.memory_space<vmem>>, vector<16xi32>,
    tpu.vector_store %arg7[%swap3A_1463], %add3A_1462 {strides = array<i32>} : memref<3328xi32, #tpu.memory_space<vmem>>, vector<16xi32>,
    %get3A_1465 = arith.constant 19 : i32
    %get3A_1466 = arith.index_cast %get3A_1465 : i32 to index
    %get3A_1467 = arith.constant 64 : index
    %get3A_1468 = tpu.vector_load %arg6[%get3A_1466, %get3A_1467] {strides = array<i32>} : memref<26x128xi32, #tpu.memory_space<vmem>>, vector<16xi32>,
    %add3A_1469 = arith.constant 1900000 : i32
    %add3A_1470 = vector.broadcast %add3A_1469 : i32 to vector<16xi32>
    %add3A_1471 = arith.addi %get3A_1468, %add3A_1470 : vector<16xi32>
    %swap3A_1472 = arith.constant 2496 : index
    %swap3A_1473 = tpu.vector_load %arg7[%swap3A_1472] {strides = array<i32>} : memref<3328xi32, #tpu.memory_space<vmem>>, vector<16xi32>,
    tpu.vector_store %arg7[%swap3A_1472], %add3A_1471 {strides = array<i32>} : memref<3328xi32, #tpu.memory_space<vmem>>, vector<16xi32>,
    %get3A_1474 = arith.constant 19 : i32
    %get3A_1475 = arith.index_cast %get3A_1474 : i32 to index
    %get3A_1476 = arith.constant 80 : index
    %get3A_1477 = tpu.vector_load %arg6[%get3A_1475, %get3A_1476] {strides = array<i32>} : memref<26x128xi32, #tpu.memory_space<vmem>>, vector<16xi32>,
    %add3A_1478 = arith.constant 1900000 : i32
    %add3A_1479 = vector.broadcast %add3A_1478 : i32 to vector<16xi32>
    %add3A_1480 = arith.addi %get3A_1477, %add3A_1479 : vector<16xi32>
    %swap3A_1481 = arith.constant 2512 : index
    %swap3A_1482 = tpu.vector_load %arg7[%swap3A_1481] {strides = array<i32>} : memref<3328xi32, #tpu.memory_space<vmem>>, vector<16xi32>,
    tpu.vector_store %arg7[%swap3A_1481], %add3A_1480 {strides = array<i32>} : memref<3328xi32, #tpu.memory_space<vmem>>, vector<16xi32>,
    %get3A_1483 = arith.constant 19 : i32
    %get3A_1484 = arith.index_cast %get3A_1483 : i32 to index
    %get3A_1485 = arith.constant 96 : index
    %get3A_1486 = tpu.vector_load %arg6[%get3A_1484, %get3A_1485] {strides = array<i32>} : memref<26x128xi32, #tpu.memory_space<vmem>>, vector<16xi32>,
    %add3A_1487 = arith.constant 1900000 : i32
    %add3A_1488 = vector.broadcast %add3A_1487 : i32 to vector<16xi32>
    %add3A_1489 = arith.addi %get3A_1486, %add3A_1488 : vector<16xi32>
    %swap3A_1490 = arith.constant 2528 : index
    %swap3A_1491 = tpu.vector_load %arg7[%swap3A_1490] {strides = array<i32>} : memref<3328xi32, #tpu.memory_space<vmem>>, vector<16xi32>,
    tpu.vector_store %arg7[%swap3A_1490], %add3A_1489 {strides = array<i32>} : memref<3328xi32, #tpu.memory_space<vmem>>, vector<16xi32>,
    %get3A_1492 = arith.constant 19 : i32
    %get3A_1493 = arith.index_cast %get3A_1492 : i32 to index
    %get3A_1494 = arith.constant 112 : index
    %get3A_1495 = tpu.vector_load %arg6[%get3A_1493, %get3A_1494] {strides = array<i32>} : memref<26x128xi32, #tpu.memory_space<vmem>>, vector<16xi32>,
    %add3A_1496 = arith.constant 1900000 : i32
    %add3A_1497 = vector.broadcast %add3A_1496 : i32 to vector<16xi32>
    %add3A_1498 = arith.addi %get3A_1495, %add3A_1497 : vector<16xi32>
    %swap3A_1499 = arith.constant 2544 : index
    %swap3A_1500 = tpu.vector_load %arg7[%swap3A_1499] {strides = array<i32>} : memref<3328xi32, #tpu.memory_space<vmem>>, vector<16xi32>,
    tpu.vector_store %arg7[%swap3A_1499], %add3A_1498 {strides = array<i32>} : memref<3328xi32, #tpu.memory_space<vmem>>, vector<16xi32>,
    %get3A_1501 = arith.constant 20 : i32
    %get3A_1502 = arith.index_cast %get3A_1501 : i32 to index
    %get3A_1503 = arith.constant 0 : index
    %get3A_1504 = tpu.vector_load %arg6[%get3A_1502, %get3A_1503] {strides = array<i32>} : memref<26x128xi32, #tpu.memory_space<vmem>>, vector<16xi32>,
    %add3A_1505 = arith.constant 2000000 : i32
    %add3A_1506 = vector.broadcast %add3A_1505 : i32 to vector<16xi32>
    %add3A_1507 = arith.addi %get3A_1504, %add3A_1506 : vector<16xi32>
    %swap3A_1508 = arith.constant 2560 : index
    %swap3A_1509 = tpu.vector_load %arg7[%swap3A_1508] {strides = array<i32>} : memref<3328xi32, #tpu.memory_space<vmem>>, vector<16xi32>,
    tpu.vector_store %arg7[%swap3A_1508], %add3A_1507 {strides = array<i32>} : memref<3328xi32, #tpu.memory_space<vmem>>, vector<16xi32>,
    %get3A_1510 = arith.constant 20 : i32
    %get3A_1511 = arith.index_cast %get3A_1510 : i32 to index
    %get3A_1512 = arith.constant 16 : index
    %get3A_1513 = tpu.vector_load %arg6[%get3A_1511, %get3A_1512] {strides = array<i32>} : memref<26x128xi32, #tpu.memory_space<vmem>>, vector<16xi32>,
    %add3A_1514 = arith.constant 2000000 : i32
    %add3A_1515 = vector.broadcast %add3A_1514 : i32 to vector<16xi32>
    %add3A_1516 = arith.addi %get3A_1513, %add3A_1515 : vector<16xi32>
    %swap3A_1517 = arith.constant 2576 : index
    %swap3A_1518 = tpu.vector_load %arg7[%swap3A_1517] {strides = array<i32>} : memref<3328xi32, #tpu.memory_space<vmem>>, vector<16xi32>,
    tpu.vector_store %arg7[%swap3A_1517], %add3A_1516 {strides = array<i32>} : memref<3328xi32, #tpu.memory_space<vmem>>, vector<16xi32>,
    %get3A_1519 = arith.constant 20 : i32
    %get3A_1520 = arith.index_cast %get3A_1519 : i32 to index
    %get3A_1521 = arith.constant 32 : index
    %get3A_1522 = tpu.vector_load %arg6[%get3A_1520, %get3A_1521] {strides = array<i32>} : memref<26x128xi32, #tpu.memory_space<vmem>>, vector<16xi32>,
    %add3A_1523 = arith.constant 2000000 : i32
    %add3A_1524 = vector.broadcast %add3A_1523 : i32 to vector<16xi32>
    %add3A_1525 = arith.addi %get3A_1522, %add3A_1524 : vector<16xi32>
    %swap3A_1526 = arith.constant 2592 : index
    %swap3A_1527 = tpu.vector_load %arg7[%swap3A_1526] {strides = array<i32>} : memref<3328xi32, #tpu.memory_space<vmem>>, vector<16xi32>,
    tpu.vector_store %arg7[%swap3A_1526], %add3A_1525 {strides = array<i32>} : memref<3328xi32, #tpu.memory_space<vmem>>, vector<16xi32>,
    %get3A_1528 = arith.constant 20 : i32
    %get3A_1529 = arith.index_cast %get3A_1528 : i32 to index
    %get3A_1530 = arith.constant 48 : index
    %get3A_1531 = tpu.vector_load %arg6[%get3A_1529, %get3A_1530] {strides = array<i32>} : memref<26x128xi32, #tpu.memory_space<vmem>>, vector<16xi32>,
    %add3A_1532 = arith.constant 2000000 : i32
    %add3A_1533 = vector.broadcast %add3A_1532 : i32 to vector<16xi32>
    %add3A_1534 = arith.addi %get3A_1531, %add3A_1533 : vector<16xi32>
    %swap3A_1535 = arith.constant 2608 : index
    %swap3A_1536 = tpu.vector_load %arg7[%swap3A_1535] {strides = array<i32>} : memref<3328xi32, #tpu.memory_space<vmem>>, vector<16xi32>,
    tpu.vector_store %arg7[%swap3A_1535], %add3A_1534 {strides = array<i32>} : memref<3328xi32, #tpu.memory_space<vmem>>, vector<16xi32>,
    %get3A_1537 = arith.constant 20 : i32
    %get3A_1538 = arith.index_cast %get3A_1537 : i32 to index
    %get3A_1539 = arith.constant 64 : index
    %get3A_1540 = tpu.vector_load %arg6[%get3A_1538, %get3A_1539] {strides = array<i32>} : memref<26x128xi32, #tpu.memory_space<vmem>>, vector<16xi32>,
    %add3A_1541 = arith.constant 2000000 : i32
    %add3A_1542 = vector.broadcast %add3A_1541 : i32 to vector<16xi32>
    %add3A_1543 = arith.addi %get3A_1540, %add3A_1542 : vector<16xi32>
    %swap3A_1544 = arith.constant 2624 : index
    %swap3A_1545 = tpu.vector_load %arg7[%swap3A_1544] {strides = array<i32>} : memref<3328xi32, #tpu.memory_space<vmem>>, vector<16xi32>,
    tpu.vector_store %arg7[%swap3A_1544], %add3A_1543 {strides = array<i32>} : memref<3328xi32, #tpu.memory_space<vmem>>, vector<16xi32>,
    %get3A_1546 = arith.constant 20 : i32
    %get3A_1547 = arith.index_cast %get3A_1546 : i32 to index
    %get3A_1548 = arith.constant 80 : index
    %get3A_1549 = tpu.vector_load %arg6[%get3A_1547, %get3A_1548] {strides = array<i32>} : memref<26x128xi32, #tpu.memory_space<vmem>>, vector<16xi32>,
    %add3A_1550 = arith.constant 2000000 : i32
    %add3A_1551 = vector.broadcast %add3A_1550 : i32 to vector<16xi32>
    %add3A_1552 = arith.addi %get3A_1549, %add3A_1551 : vector<16xi32>
    %swap3A_1553 = arith.constant 2640 : index
    %swap3A_1554 = tpu.vector_load %arg7[%swap3A_1553] {strides = array<i32>} : memref<3328xi32, #tpu.memory_space<vmem>>, vector<16xi32>,
    tpu.vector_store %arg7[%swap3A_1553], %add3A_1552 {strides = array<i32>} : memref<3328xi32, #tpu.memory_space<vmem>>, vector<16xi32>,
    %get3A_1555 = arith.constant 20 : i32
    %get3A_1556 = arith.index_cast %get3A_1555 : i32 to index
    %get3A_1557 = arith.constant 96 : index
    %get3A_1558 = tpu.vector_load %arg6[%get3A_1556, %get3A_1557] {strides = array<i32>} : memref<26x128xi32, #tpu.memory_space<vmem>>, vector<16xi32>,
    %add3A_1559 = arith.constant 2000000 : i32
    %add3A_1560 = vector.broadcast %add3A_1559 : i32 to vector<16xi32>
    %add3A_1561 = arith.addi %get3A_1558, %add3A_1560 : vector<16xi32>
    %swap3A_1562 = arith.constant 2656 : index
    %swap3A_1563 = tpu.vector_load %arg7[%swap3A_1562] {strides = array<i32>} : memref<3328xi32, #tpu.memory_space<vmem>>, vector<16xi32>,
    tpu.vector_store %arg7[%swap3A_1562], %add3A_1561 {strides = array<i32>} : memref<3328xi32, #tpu.memory_space<vmem>>, vector<16xi32>,
    %get3A_1564 = arith.constant 20 : i32
    %get3A_1565 = arith.index_cast %get3A_1564 : i32 to index
    %get3A_1566 = arith.constant 112 : index
    %get3A_1567 = tpu.vector_load %arg6[%get3A_1565, %get3A_1566] {strides = array<i32>} : memref<26x128xi32, #tpu.memory_space<vmem>>, vector<16xi32>,
    %add3A_1568 = arith.constant 2000000 : i32
    %add3A_1569 = vector.broadcast %add3A_1568 : i32 to vector<16xi32>
    %add3A_1570 = arith.addi %get3A_1567, %add3A_1569 : vector<16xi32>
    %swap3A_1571 = arith.constant 2672 : index
    %swap3A_1572 = tpu.vector_load %arg7[%swap3A_1571] {strides = array<i32>} : memref<3328xi32, #tpu.memory_space<vmem>>, vector<16xi32>,
    tpu.vector_store %arg7[%swap3A_1571], %add3A_1570 {strides = array<i32>} : memref<3328xi32, #tpu.memory_space<vmem>>, vector<16xi32>,
    %get3A_1573 = arith.constant 21 : i32
    %get3A_1574 = arith.index_cast %get3A_1573 : i32 to index
    %get3A_1575 = arith.constant 0 : index
    %get3A_1576 = tpu.vector_load %arg6[%get3A_1574, %get3A_1575] {strides = array<i32>} : memref<26x128xi32, #tpu.memory_space<vmem>>, vector<16xi32>,
    %add3A_1577 = arith.constant 2100000 : i32
    %add3A_1578 = vector.broadcast %add3A_1577 : i32 to vector<16xi32>
    %add3A_1579 = arith.addi %get3A_1576, %add3A_1578 : vector<16xi32>
    %swap3A_1580 = arith.constant 2688 : index
    %swap3A_1581 = tpu.vector_load %arg7[%swap3A_1580] {strides = array<i32>} : memref<3328xi32, #tpu.memory_space<vmem>>, vector<16xi32>,
    tpu.vector_store %arg7[%swap3A_1580], %add3A_1579 {strides = array<i32>} : memref<3328xi32, #tpu.memory_space<vmem>>, vector<16xi32>,
    %get3A_1582 = arith.constant 21 : i32
    %get3A_1583 = arith.index_cast %get3A_1582 : i32 to index
    %get3A_1584 = arith.constant 16 : index
    %get3A_1585 = tpu.vector_load %arg6[%get3A_1583, %get3A_1584] {strides = array<i32>} : memref<26x128xi32, #tpu.memory_space<vmem>>, vector<16xi32>,
    %add3A_1586 = arith.constant 2100000 : i32
    %add3A_1587 = vector.broadcast %add3A_1586 : i32 to vector<16xi32>
    %add3A_1588 = arith.addi %get3A_1585, %add3A_1587 : vector<16xi32>
    %swap3A_1589 = arith.constant 2704 : index
    %swap3A_1590 = tpu.vector_load %arg7[%swap3A_1589] {strides = array<i32>} : memref<3328xi32, #tpu.memory_space<vmem>>, vector<16xi32>,
    tpu.vector_store %arg7[%swap3A_1589], %add3A_1588 {strides = array<i32>} : memref<3328xi32, #tpu.memory_space<vmem>>, vector<16xi32>,
    %get3A_1591 = arith.constant 21 : i32
    %get3A_1592 = arith.index_cast %get3A_1591 : i32 to index
    %get3A_1593 = arith.constant 32 : index
    %get3A_1594 = tpu.vector_load %arg6[%get3A_1592, %get3A_1593] {strides = array<i32>} : memref<26x128xi32, #tpu.memory_space<vmem>>, vector<16xi32>,
    %add3A_1595 = arith.constant 2100000 : i32
    %add3A_1596 = vector.broadcast %add3A_1595 : i32 to vector<16xi32>
    %add3A_1597 = arith.addi %get3A_1594, %add3A_1596 : vector<16xi32>
    %swap3A_1598 = arith.constant 2720 : index
    %swap3A_1599 = tpu.vector_load %arg7[%swap3A_1598] {strides = array<i32>} : memref<3328xi32, #tpu.memory_space<vmem>>, vector<16xi32>,
    tpu.vector_store %arg7[%swap3A_1598], %add3A_1597 {strides = array<i32>} : memref<3328xi32, #tpu.memory_space<vmem>>, vector<16xi32>,
    %get3A_1600 = arith.constant 21 : i32
    %get3A_1601 = arith.index_cast %get3A_1600 : i32 to index
    %get3A_1602 = arith.constant 48 : index
    %get3A_1603 = tpu.vector_load %arg6[%get3A_1601, %get3A_1602] {strides = array<i32>} : memref<26x128xi32, #tpu.memory_space<vmem>>, vector<16xi32>,
    %add3A_1604 = arith.constant 2100000 : i32
    %add3A_1605 = vector.broadcast %add3A_1604 : i32 to vector<16xi32>
    %add3A_1606 = arith.addi %get3A_1603, %add3A_1605 : vector<16xi32>
    %swap3A_1607 = arith.constant 2736 : index
    %swap3A_1608 = tpu.vector_load %arg7[%swap3A_1607] {strides = array<i32>} : memref<3328xi32, #tpu.memory_space<vmem>>, vector<16xi32>,
    tpu.vector_store %arg7[%swap3A_1607], %add3A_1606 {strides = array<i32>} : memref<3328xi32, #tpu.memory_space<vmem>>, vector<16xi32>,
    %get3A_1609 = arith.constant 21 : i32
    %get3A_1610 = arith.index_cast %get3A_1609 : i32 to index
    %get3A_1611 = arith.constant 64 : index
    %get3A_1612 = tpu.vector_load %arg6[%get3A_1610, %get3A_1611] {strides = array<i32>} : memref<26x128xi32, #tpu.memory_space<vmem>>, vector<16xi32>,
    %add3A_1613 = arith.constant 2100000 : i32
    %add3A_1614 = vector.broadcast %add3A_1613 : i32 to vector<16xi32>
    %add3A_1615 = arith.addi %get3A_1612, %add3A_1614 : vector<16xi32>
    %swap3A_1616 = arith.constant 2752 : index
    %swap3A_1617 = tpu.vector_load %arg7[%swap3A_1616] {strides = array<i32>} : memref<3328xi32, #tpu.memory_space<vmem>>, vector<16xi32>,
    tpu.vector_store %arg7[%swap3A_1616], %add3A_1615 {strides = array<i32>} : memref<3328xi32, #tpu.memory_space<vmem>>, vector<16xi32>,
    %get3A_1618 = arith.constant 21 : i32
    %get3A_1619 = arith.index_cast %get3A_1618 : i32 to index
    %get3A_1620 = arith.constant 80 : index
    %get3A_1621 = tpu.vector_load %arg6[%get3A_1619, %get3A_1620] {strides = array<i32>} : memref<26x128xi32, #tpu.memory_space<vmem>>, vector<16xi32>,
    %add3A_1622 = arith.constant 2100000 : i32
    %add3A_1623 = vector.broadcast %add3A_1622 : i32 to vector<16xi32>
    %add3A_1624 = arith.addi %get3A_1621, %add3A_1623 : vector<16xi32>
    %swap3A_1625 = arith.constant 2768 : index
    %swap3A_1626 = tpu.vector_load %arg7[%swap3A_1625] {strides = array<i32>} : memref<3328xi32, #tpu.memory_space<vmem>>, vector<16xi32>,
    tpu.vector_store %arg7[%swap3A_1625], %add3A_1624 {strides = array<i32>} : memref<3328xi32, #tpu.memory_space<vmem>>, vector<16xi32>,
    %get3A_1627 = arith.constant 21 : i32
    %get3A_1628 = arith.index_cast %get3A_1627 : i32 to index
    %get3A_1629 = arith.constant 96 : index
    %get3A_1630 = tpu.vector_load %arg6[%get3A_1628, %get3A_1629] {strides = array<i32>} : memref<26x128xi32, #tpu.memory_space<vmem>>, vector<16xi32>,
    %add3A_1631 = arith.constant 2100000 : i32
    %add3A_1632 = vector.broadcast %add3A_1631 : i32 to vector<16xi32>
    %add3A_1633 = arith.addi %get3A_1630, %add3A_1632 : vector<16xi32>
    %swap3A_1634 = arith.constant 2784 : index
    %swap3A_1635 = tpu.vector_load %arg7[%swap3A_1634] {strides = array<i32>} : memref<3328xi32, #tpu.memory_space<vmem>>, vector<16xi32>,
    tpu.vector_store %arg7[%swap3A_1634], %add3A_1633 {strides = array<i32>} : memref<3328xi32, #tpu.memory_space<vmem>>, vector<16xi32>,
    %get3A_1636 = arith.constant 21 : i32
    %get3A_1637 = arith.index_cast %get3A_1636 : i32 to index
    %get3A_1638 = arith.constant 112 : index
    %get3A_1639 = tpu.vector_load %arg6[%get3A_1637, %get3A_1638] {strides = array<i32>} : memref<26x128xi32, #tpu.memory_space<vmem>>, vector<16xi32>,
    %add3A_1640 = arith.constant 2100000 : i32
    %add3A_1641 = vector.broadcast %add3A_1640 : i32 to vector<16xi32>
    %add3A_1642 = arith.addi %get3A_1639, %add3A_1641 : vector<16xi32>
    %swap3A_1643 = arith.constant 2800 : index
    %swap3A_1644 = tpu.vector_load %arg7[%swap3A_1643] {strides = array<i32>} : memref<3328xi32, #tpu.memory_space<vmem>>, vector<16xi32>,
    tpu.vector_store %arg7[%swap3A_1643], %add3A_1642 {strides = array<i32>} : memref<3328xi32, #tpu.memory_space<vmem>>, vector<16xi32>,
    %get3A_1645 = arith.constant 22 : i32
    %get3A_1646 = arith.index_cast %get3A_1645 : i32 to index
    %get3A_1647 = arith.constant 0 : index
    %get3A_1648 = tpu.vector_load %arg6[%get3A_1646, %get3A_1647] {strides = array<i32>} : memref<26x128xi32, #tpu.memory_space<vmem>>, vector<16xi32>,
    %add3A_1649 = arith.constant 2200000 : i32
    %add3A_1650 = vector.broadcast %add3A_1649 : i32 to vector<16xi32>
    %add3A_1651 = arith.addi %get3A_1648, %add3A_1650 : vector<16xi32>
    %swap3A_1652 = arith.constant 2816 : index
    %swap3A_1653 = tpu.vector_load %arg7[%swap3A_1652] {strides = array<i32>} : memref<3328xi32, #tpu.memory_space<vmem>>, vector<16xi32>,
    tpu.vector_store %arg7[%swap3A_1652], %add3A_1651 {strides = array<i32>} : memref<3328xi32, #tpu.memory_space<vmem>>, vector<16xi32>,
    %get3A_1654 = arith.constant 22 : i32
    %get3A_1655 = arith.index_cast %get3A_1654 : i32 to index
    %get3A_1656 = arith.constant 16 : index
    %get3A_1657 = tpu.vector_load %arg6[%get3A_1655, %get3A_1656] {strides = array<i32>} : memref<26x128xi32, #tpu.memory_space<vmem>>, vector<16xi32>,
    %add3A_1658 = arith.constant 2200000 : i32
    %add3A_1659 = vector.broadcast %add3A_1658 : i32 to vector<16xi32>
    %add3A_1660 = arith.addi %get3A_1657, %add3A_1659 : vector<16xi32>
    %swap3A_1661 = arith.constant 2832 : index
    %swap3A_1662 = tpu.vector_load %arg7[%swap3A_1661] {strides = array<i32>} : memref<3328xi32, #tpu.memory_space<vmem>>, vector<16xi32>,
    tpu.vector_store %arg7[%swap3A_1661], %add3A_1660 {strides = array<i32>} : memref<3328xi32, #tpu.memory_space<vmem>>, vector<16xi32>,
    %get3A_1663 = arith.constant 22 : i32
    %get3A_1664 = arith.index_cast %get3A_1663 : i32 to index
    %get3A_1665 = arith.constant 32 : index
    %get3A_1666 = tpu.vector_load %arg6[%get3A_1664, %get3A_1665] {strides = array<i32>} : memref<26x128xi32, #tpu.memory_space<vmem>>, vector<16xi32>,
    %add3A_1667 = arith.constant 2200000 : i32
    %add3A_1668 = vector.broadcast %add3A_1667 : i32 to vector<16xi32>
    %add3A_1669 = arith.addi %get3A_1666, %add3A_1668 : vector<16xi32>
    %swap3A_1670 = arith.constant 2848 : index
    %swap3A_1671 = tpu.vector_load %arg7[%swap3A_1670] {strides = array<i32>} : memref<3328xi32, #tpu.memory_space<vmem>>, vector<16xi32>,
    tpu.vector_store %arg7[%swap3A_1670], %add3A_1669 {strides = array<i32>} : memref<3328xi32, #tpu.memory_space<vmem>>, vector<16xi32>,
    %get3A_1672 = arith.constant 22 : i32
    %get3A_1673 = arith.index_cast %get3A_1672 : i32 to index
    %get3A_1674 = arith.constant 48 : index
    %get3A_1675 = tpu.vector_load %arg6[%get3A_1673, %get3A_1674] {strides = array<i32>} : memref<26x128xi32, #tpu.memory_space<vmem>>, vector<16xi32>,
    %add3A_1676 = arith.constant 2200000 : i32
    %add3A_1677 = vector.broadcast %add3A_1676 : i32 to vector<16xi32>
    %add3A_1678 = arith.addi %get3A_1675, %add3A_1677 : vector<16xi32>
    %swap3A_1679 = arith.constant 2864 : index
    %swap3A_1680 = tpu.vector_load %arg7[%swap3A_1679] {strides = array<i32>} : memref<3328xi32, #tpu.memory_space<vmem>>, vector<16xi32>,
    tpu.vector_store %arg7[%swap3A_1679], %add3A_1678 {strides = array<i32>} : memref<3328xi32, #tpu.memory_space<vmem>>, vector<16xi32>,
    %get3A_1681 = arith.constant 22 : i32
    %get3A_1682 = arith.index_cast %get3A_1681 : i32 to index
    %get3A_1683 = arith.constant 64 : index
    %get3A_1684 = tpu.vector_load %arg6[%get3A_1682, %get3A_1683] {strides = array<i32>} : memref<26x128xi32, #tpu.memory_space<vmem>>, vector<16xi32>,
    %add3A_1685 = arith.constant 2200000 : i32
    %add3A_1686 = vector.broadcast %add3A_1685 : i32 to vector<16xi32>
    %add3A_1687 = arith.addi %get3A_1684, %add3A_1686 : vector<16xi32>
    %swap3A_1688 = arith.constant 2880 : index
    %swap3A_1689 = tpu.vector_load %arg7[%swap3A_1688] {strides = array<i32>} : memref<3328xi32, #tpu.memory_space<vmem>>, vector<16xi32>,
    tpu.vector_store %arg7[%swap3A_1688], %add3A_1687 {strides = array<i32>} : memref<3328xi32, #tpu.memory_space<vmem>>, vector<16xi32>,
    %get3A_1690 = arith.constant 22 : i32
    %get3A_1691 = arith.index_cast %get3A_1690 : i32 to index
    %get3A_1692 = arith.constant 80 : index
    %get3A_1693 = tpu.vector_load %arg6[%get3A_1691, %get3A_1692] {strides = array<i32>} : memref<26x128xi32, #tpu.memory_space<vmem>>, vector<16xi32>,
    %add3A_1694 = arith.constant 2200000 : i32
    %add3A_1695 = vector.broadcast %add3A_1694 : i32 to vector<16xi32>
    %add3A_1696 = arith.addi %get3A_1693, %add3A_1695 : vector<16xi32>
    %swap3A_1697 = arith.constant 2896 : index
    %swap3A_1698 = tpu.vector_load %arg7[%swap3A_1697] {strides = array<i32>} : memref<3328xi32, #tpu.memory_space<vmem>>, vector<16xi32>,
    tpu.vector_store %arg7[%swap3A_1697], %add3A_1696 {strides = array<i32>} : memref<3328xi32, #tpu.memory_space<vmem>>, vector<16xi32>,
    %get3A_1699 = arith.constant 22 : i32
    %get3A_1700 = arith.index_cast %get3A_1699 : i32 to index
    %get3A_1701 = arith.constant 96 : index
    %get3A_1702 = tpu.vector_load %arg6[%get3A_1700, %get3A_1701] {strides = array<i32>} : memref<26x128xi32, #tpu.memory_space<vmem>>, vector<16xi32>,
    %add3A_1703 = arith.constant 2200000 : i32
    %add3A_1704 = vector.broadcast %add3A_1703 : i32 to vector<16xi32>
    %add3A_1705 = arith.addi %get3A_1702, %add3A_1704 : vector<16xi32>
    %swap3A_1706 = arith.constant 2912 : index
    %swap3A_1707 = tpu.vector_load %arg7[%swap3A_1706] {strides = array<i32>} : memref<3328xi32, #tpu.memory_space<vmem>>, vector<16xi32>,
    tpu.vector_store %arg7[%swap3A_1706], %add3A_1705 {strides = array<i32>} : memref<3328xi32, #tpu.memory_space<vmem>>, vector<16xi32>,
    %get3A_1708 = arith.constant 22 : i32
    %get3A_1709 = arith.index_cast %get3A_1708 : i32 to index
    %get3A_1710 = arith.constant 112 : index
    %get3A_1711 = tpu.vector_load %arg6[%get3A_1709, %get3A_1710] {strides = array<i32>} : memref<26x128xi32, #tpu.memory_space<vmem>>, vector<16xi32>,
    %add3A_1712 = arith.constant 2200000 : i32
    %add3A_1713 = vector.broadcast %add3A_1712 : i32 to vector<16xi32>
    %add3A_1714 = arith.addi %get3A_1711, %add3A_1713 : vector<16xi32>
    %swap3A_1715 = arith.constant 2928 : index
    %swap3A_1716 = tpu.vector_load %arg7[%swap3A_1715] {strides = array<i32>} : memref<3328xi32, #tpu.memory_space<vmem>>, vector<16xi32>,
    tpu.vector_store %arg7[%swap3A_1715], %add3A_1714 {strides = array<i32>} : memref<3328xi32, #tpu.memory_space<vmem>>, vector<16xi32>,
    %get3A_1717 = arith.constant 23 : i32
    %get3A_1718 = arith.index_cast %get3A_1717 : i32 to index
    %get3A_1719 = arith.constant 0 : index
    %get3A_1720 = tpu.vector_load %arg6[%get3A_1718, %get3A_1719] {strides = array<i32>} : memref<26x128xi32, #tpu.memory_space<vmem>>, vector<16xi32>,
    %add3A_1721 = arith.constant 2300000 : i32
    %add3A_1722 = vector.broadcast %add3A_1721 : i32 to vector<16xi32>
    %add3A_1723 = arith.addi %get3A_1720, %add3A_1722 : vector<16xi32>
    %swap3A_1724 = arith.constant 2944 : index
    %swap3A_1725 = tpu.vector_load %arg7[%swap3A_1724] {strides = array<i32>} : memref<3328xi32, #tpu.memory_space<vmem>>, vector<16xi32>,
    tpu.vector_store %arg7[%swap3A_1724], %add3A_1723 {strides = array<i32>} : memref<3328xi32, #tpu.memory_space<vmem>>, vector<16xi32>,
    %get3A_1726 = arith.constant 23 : i32
    %get3A_1727 = arith.index_cast %get3A_1726 : i32 to index
    %get3A_1728 = arith.constant 16 : index
    %get3A_1729 = tpu.vector_load %arg6[%get3A_1727, %get3A_1728] {strides = array<i32>} : memref<26x128xi32, #tpu.memory_space<vmem>>, vector<16xi32>,
    %add3A_1730 = arith.constant 2300000 : i32
    %add3A_1731 = vector.broadcast %add3A_1730 : i32 to vector<16xi32>
    %add3A_1732 = arith.addi %get3A_1729, %add3A_1731 : vector<16xi32>
    %swap3A_1733 = arith.constant 2960 : index
    %swap3A_1734 = tpu.vector_load %arg7[%swap3A_1733] {strides = array<i32>} : memref<3328xi32, #tpu.memory_space<vmem>>, vector<16xi32>,
    tpu.vector_store %arg7[%swap3A_1733], %add3A_1732 {strides = array<i32>} : memref<3328xi32, #tpu.memory_space<vmem>>, vector<16xi32>,
    %get3A_1735 = arith.constant 23 : i32
    %get3A_1736 = arith.index_cast %get3A_1735 : i32 to index
    %get3A_1737 = arith.constant 32 : index
    %get3A_1738 = tpu.vector_load %arg6[%get3A_1736, %get3A_1737] {strides = array<i32>} : memref<26x128xi32, #tpu.memory_space<vmem>>, vector<16xi32>,
    %add3A_1739 = arith.constant 2300000 : i32
    %add3A_1740 = vector.broadcast %add3A_1739 : i32 to vector<16xi32>
    %add3A_1741 = arith.addi %get3A_1738, %add3A_1740 : vector<16xi32>
    %swap3A_1742 = arith.constant 2976 : index
    %swap3A_1743 = tpu.vector_load %arg7[%swap3A_1742] {strides = array<i32>} : memref<3328xi32, #tpu.memory_space<vmem>>, vector<16xi32>,
    tpu.vector_store %arg7[%swap3A_1742], %add3A_1741 {strides = array<i32>} : memref<3328xi32, #tpu.memory_space<vmem>>, vector<16xi32>,
    %get3A_1744 = arith.constant 23 : i32
    %get3A_1745 = arith.index_cast %get3A_1744 : i32 to index
    %get3A_1746 = arith.constant 48 : index
    %get3A_1747 = tpu.vector_load %arg6[%get3A_1745, %get3A_1746] {strides = array<i32>} : memref<26x128xi32, #tpu.memory_space<vmem>>, vector<16xi32>,
    %add3A_1748 = arith.constant 2300000 : i32
    %add3A_1749 = vector.broadcast %add3A_1748 : i32 to vector<16xi32>
    %add3A_1750 = arith.addi %get3A_1747, %add3A_1749 : vector<16xi32>
    %swap3A_1751 = arith.constant 2992 : index
    %swap3A_1752 = tpu.vector_load %arg7[%swap3A_1751] {strides = array<i32>} : memref<3328xi32, #tpu.memory_space<vmem>>, vector<16xi32>,
    tpu.vector_store %arg7[%swap3A_1751], %add3A_1750 {strides = array<i32>} : memref<3328xi32, #tpu.memory_space<vmem>>, vector<16xi32>,
    %get3A_1753 = arith.constant 23 : i32
    %get3A_1754 = arith.index_cast %get3A_1753 : i32 to index
    %get3A_1755 = arith.constant 64 : index
    %get3A_1756 = tpu.vector_load %arg6[%get3A_1754, %get3A_1755] {strides = array<i32>} : memref<26x128xi32, #tpu.memory_space<vmem>>, vector<16xi32>,
    %add3A_1757 = arith.constant 2300000 : i32
    %add3A_1758 = vector.broadcast %add3A_1757 : i32 to vector<16xi32>
    %add3A_1759 = arith.addi %get3A_1756, %add3A_1758 : vector<16xi32>
    %swap3A_1760 = arith.constant 3008 : index
    %swap3A_1761 = tpu.vector_load %arg7[%swap3A_1760] {strides = array<i32>} : memref<3328xi32, #tpu.memory_space<vmem>>, vector<16xi32>,
    tpu.vector_store %arg7[%swap3A_1760], %add3A_1759 {strides = array<i32>} : memref<3328xi32, #tpu.memory_space<vmem>>, vector<16xi32>,
    %get3A_1762 = arith.constant 23 : i32
    %get3A_1763 = arith.index_cast %get3A_1762 : i32 to index
    %get3A_1764 = arith.constant 80 : index
    %get3A_1765 = tpu.vector_load %arg6[%get3A_1763, %get3A_1764] {strides = array<i32>} : memref<26x128xi32, #tpu.memory_space<vmem>>, vector<16xi32>,
    %add3A_1766 = arith.constant 2300000 : i32
    %add3A_1767 = vector.broadcast %add3A_1766 : i32 to vector<16xi32>
    %add3A_1768 = arith.addi %get3A_1765, %add3A_1767 : vector<16xi32>
    %swap3A_1769 = arith.constant 3024 : index
    %swap3A_1770 = tpu.vector_load %arg7[%swap3A_1769] {strides = array<i32>} : memref<3328xi32, #tpu.memory_space<vmem>>, vector<16xi32>,
    tpu.vector_store %arg7[%swap3A_1769], %add3A_1768 {strides = array<i32>} : memref<3328xi32, #tpu.memory_space<vmem>>, vector<16xi32>,
    %get3A_1771 = arith.constant 23 : i32
    %get3A_1772 = arith.index_cast %get3A_1771 : i32 to index
    %get3A_1773 = arith.constant 96 : index
    %get3A_1774 = tpu.vector_load %arg6[%get3A_1772, %get3A_1773] {strides = array<i32>} : memref<26x128xi32, #tpu.memory_space<vmem>>, vector<16xi32>,
    %add3A_1775 = arith.constant 2300000 : i32
    %add3A_1776 = vector.broadcast %add3A_1775 : i32 to vector<16xi32>
    %add3A_1777 = arith.addi %get3A_1774, %add3A_1776 : vector<16xi32>
    %swap3A_1778 = arith.constant 3040 : index
    %swap3A_1779 = tpu.vector_load %arg7[%swap3A_1778] {strides = array<i32>} : memref<3328xi32, #tpu.memory_space<vmem>>, vector<16xi32>,
    tpu.vector_store %arg7[%swap3A_1778], %add3A_1777 {strides = array<i32>} : memref<3328xi32, #tpu.memory_space<vmem>>, vector<16xi32>,
    %get3A_1780 = arith.constant 23 : i32
    %get3A_1781 = arith.index_cast %get3A_1780 : i32 to index
    %get3A_1782 = arith.constant 112 : index
    %get3A_1783 = tpu.vector_load %arg6[%get3A_1781, %get3A_1782] {strides = array<i32>} : memref<26x128xi32, #tpu.memory_space<vmem>>, vector<16xi32>,
    %add3A_1784 = arith.constant 2300000 : i32
    %add3A_1785 = vector.broadcast %add3A_1784 : i32 to vector<16xi32>
    %add3A_1786 = arith.addi %get3A_1783, %add3A_1785 : vector<16xi32>
    %swap3A_1787 = arith.constant 3056 : index
    %swap3A_1788 = tpu.vector_load %arg7[%swap3A_1787] {strides = array<i32>} : memref<3328xi32, #tpu.memory_space<vmem>>, vector<16xi32>,
    tpu.vector_store %arg7[%swap3A_1787], %add3A_1786 {strides = array<i32>} : memref<3328xi32, #tpu.memory_space<vmem>>, vector<16xi32>,
    %get3A_1789 = arith.constant 24 : i32
    %get3A_1790 = arith.index_cast %get3A_1789 : i32 to index
    %get3A_1791 = arith.constant 0 : index
    %get3A_1792 = tpu.vector_load %arg6[%get3A_1790, %get3A_1791] {strides = array<i32>} : memref<26x128xi32, #tpu.memory_space<vmem>>, vector<16xi32>,
    %add3A_1793 = arith.constant 2400000 : i32
    %add3A_1794 = vector.broadcast %add3A_1793 : i32 to vector<16xi32>
    %add3A_1795 = arith.addi %get3A_1792, %add3A_1794 : vector<16xi32>
    %swap3A_1796 = arith.constant 3072 : index
    %swap3A_1797 = tpu.vector_load %arg7[%swap3A_1796] {strides = array<i32>} : memref<3328xi32, #tpu.memory_space<vmem>>, vector<16xi32>,
    tpu.vector_store %arg7[%swap3A_1796], %add3A_1795 {strides = array<i32>} : memref<3328xi32, #tpu.memory_space<vmem>>, vector<16xi32>,
    %get3A_1798 = arith.constant 24 : i32
    %get3A_1799 = arith.index_cast %get3A_1798 : i32 to index
    %get3A_1800 = arith.constant 16 : index
    %get3A_1801 = tpu.vector_load %arg6[%get3A_1799, %get3A_1800] {strides = array<i32>} : memref<26x128xi32, #tpu.memory_space<vmem>>, vector<16xi32>,
    %add3A_1802 = arith.constant 2400000 : i32
    %add3A_1803 = vector.broadcast %add3A_1802 : i32 to vector<16xi32>
    %add3A_1804 = arith.addi %get3A_1801, %add3A_1803 : vector<16xi32>
    %swap3A_1805 = arith.constant 3088 : index
    %swap3A_1806 = tpu.vector_load %arg7[%swap3A_1805] {strides = array<i32>} : memref<3328xi32, #tpu.memory_space<vmem>>, vector<16xi32>,
    tpu.vector_store %arg7[%swap3A_1805], %add3A_1804 {strides = array<i32>} : memref<3328xi32, #tpu.memory_space<vmem>>, vector<16xi32>,
    %get3A_1807 = arith.constant 24 : i32
    %get3A_1808 = arith.index_cast %get3A_1807 : i32 to index
    %get3A_1809 = arith.constant 32 : index
    %get3A_1810 = tpu.vector_load %arg6[%get3A_1808, %get3A_1809] {strides = array<i32>} : memref<26x128xi32, #tpu.memory_space<vmem>>, vector<16xi32>,
    %add3A_1811 = arith.constant 2400000 : i32
    %add3A_1812 = vector.broadcast %add3A_1811 : i32 to vector<16xi32>
    %add3A_1813 = arith.addi %get3A_1810, %add3A_1812 : vector<16xi32>
    %swap3A_1814 = arith.constant 3104 : index
    %swap3A_1815 = tpu.vector_load %arg7[%swap3A_1814] {strides = array<i32>} : memref<3328xi32, #tpu.memory_space<vmem>>, vector<16xi32>,
    tpu.vector_store %arg7[%swap3A_1814], %add3A_1813 {strides = array<i32>} : memref<3328xi32, #tpu.memory_space<vmem>>, vector<16xi32>,
    %get3A_1816 = arith.constant 24 : i32
    %get3A_1817 = arith.index_cast %get3A_1816 : i32 to index
    %get3A_1818 = arith.constant 48 : index
    %get3A_1819 = tpu.vector_load %arg6[%get3A_1817, %get3A_1818] {strides = array<i32>} : memref<26x128xi32, #tpu.memory_space<vmem>>, vector<16xi32>,
    %add3A_1820 = arith.constant 2400000 : i32
    %add3A_1821 = vector.broadcast %add3A_1820 : i32 to vector<16xi32>
    %add3A_1822 = arith.addi %get3A_1819, %add3A_1821 : vector<16xi32>
    %swap3A_1823 = arith.constant 3120 : index
    %swap3A_1824 = tpu.vector_load %arg7[%swap3A_1823] {strides = array<i32>} : memref<3328xi32, #tpu.memory_space<vmem>>, vector<16xi32>,
    tpu.vector_store %arg7[%swap3A_1823], %add3A_1822 {strides = array<i32>} : memref<3328xi32, #tpu.memory_space<vmem>>, vector<16xi32>,
    %get3A_1825 = arith.constant 24 : i32
    %get3A_1826 = arith.index_cast %get3A_1825 : i32 to index
    %get3A_1827 = arith.constant 64 : index
    %get3A_1828 = tpu.vector_load %arg6[%get3A_1826, %get3A_1827] {strides = array<i32>} : memref<26x128xi32, #tpu.memory_space<vmem>>, vector<16xi32>,
    %add3A_1829 = arith.constant 2400000 : i32
    %add3A_1830 = vector.broadcast %add3A_1829 : i32 to vector<16xi32>
    %add3A_1831 = arith.addi %get3A_1828, %add3A_1830 : vector<16xi32>
    %swap3A_1832 = arith.constant 3136 : index
    %swap3A_1833 = tpu.vector_load %arg7[%swap3A_1832] {strides = array<i32>} : memref<3328xi32, #tpu.memory_space<vmem>>, vector<16xi32>,
    tpu.vector_store %arg7[%swap3A_1832], %add3A_1831 {strides = array<i32>} : memref<3328xi32, #tpu.memory_space<vmem>>, vector<16xi32>,
    %get3A_1834 = arith.constant 24 : i32
    %get3A_1835 = arith.index_cast %get3A_1834 : i32 to index
    %get3A_1836 = arith.constant 80 : index
    %get3A_1837 = tpu.vector_load %arg6[%get3A_1835, %get3A_1836] {strides = array<i32>} : memref<26x128xi32, #tpu.memory_space<vmem>>, vector<16xi32>,
    %add3A_1838 = arith.constant 2400000 : i32
    %add3A_1839 = vector.broadcast %add3A_1838 : i32 to vector<16xi32>
    %add3A_1840 = arith.addi %get3A_1837, %add3A_1839 : vector<16xi32>
    %swap3A_1841 = arith.constant 3152 : index
    %swap3A_1842 = tpu.vector_load %arg7[%swap3A_1841] {strides = array<i32>} : memref<3328xi32, #tpu.memory_space<vmem>>, vector<16xi32>,
    tpu.vector_store %arg7[%swap3A_1841], %add3A_1840 {strides = array<i32>} : memref<3328xi32, #tpu.memory_space<vmem>>, vector<16xi32>,
    %get3A_1843 = arith.constant 24 : i32
    %get3A_1844 = arith.index_cast %get3A_1843 : i32 to index
    %get3A_1845 = arith.constant 96 : index
    %get3A_1846 = tpu.vector_load %arg6[%get3A_1844, %get3A_1845] {strides = array<i32>} : memref<26x128xi32, #tpu.memory_space<vmem>>, vector<16xi32>,
    %add3A_1847 = arith.constant 2400000 : i32
    %add3A_1848 = vector.broadcast %add3A_1847 : i32 to vector<16xi32>
    %add3A_1849 = arith.addi %get3A_1846, %add3A_1848 : vector<16xi32>
    %swap3A_1850 = arith.constant 3168 : index
    %swap3A_1851 = tpu.vector_load %arg7[%swap3A_1850] {strides = array<i32>} : memref<3328xi32, #tpu.memory_space<vmem>>, vector<16xi32>,
    tpu.vector_store %arg7[%swap3A_1850], %add3A_1849 {strides = array<i32>} : memref<3328xi32, #tpu.memory_space<vmem>>, vector<16xi32>,
    %get3A_1852 = arith.constant 24 : i32
    %get3A_1853 = arith.index_cast %get3A_1852 : i32 to index
    %get3A_1854 = arith.constant 112 : index
    %get3A_1855 = tpu.vector_load %arg6[%get3A_1853, %get3A_1854] {strides = array<i32>} : memref<26x128xi32, #tpu.memory_space<vmem>>, vector<16xi32>,
    %add3A_1856 = arith.constant 2400000 : i32
    %add3A_1857 = vector.broadcast %add3A_1856 : i32 to vector<16xi32>
    %add3A_1858 = arith.addi %get3A_1855, %add3A_1857 : vector<16xi32>
    %swap3A_1859 = arith.constant 3184 : index
    %swap3A_1860 = tpu.vector_load %arg7[%swap3A_1859] {strides = array<i32>} : memref<3328xi32, #tpu.memory_space<vmem>>, vector<16xi32>,
    tpu.vector_store %arg7[%swap3A_1859], %add3A_1858 {strides = array<i32>} : memref<3328xi32, #tpu.memory_space<vmem>>, vector<16xi32>,
    %get3A_1861 = arith.constant 25 : i32
    %get3A_1862 = arith.index_cast %get3A_1861 : i32 to index
    %get3A_1863 = arith.constant 0 : index
    %get3A_1864 = tpu.vector_load %arg6[%get3A_1862, %get3A_1863] {strides = array<i32>} : memref<26x128xi32, #tpu.memory_space<vmem>>, vector<16xi32>,
    %add3A_1865 = arith.constant 2500000 : i32
    %add3A_1866 = vector.broadcast %add3A_1865 : i32 to vector<16xi32>
    %add3A_1867 = arith.addi %get3A_1864, %add3A_1866 : vector<16xi32>
    %swap3A_1868 = arith.constant 3200 : index
    %swap3A_1869 = tpu.vector_load %arg7[%swap3A_1868] {strides = array<i32>} : memref<3328xi32, #tpu.memory_space<vmem>>, vector<16xi32>,
    tpu.vector_store %arg7[%swap3A_1868], %add3A_1867 {strides = array<i32>} : memref<3328xi32, #tpu.memory_space<vmem>>, vector<16xi32>,
    %get3A_1870 = arith.constant 25 : i32
    %get3A_1871 = arith.index_cast %get3A_1870 : i32 to index
    %get3A_1872 = arith.constant 16 : index
    %get3A_1873 = tpu.vector_load %arg6[%get3A_1871, %get3A_1872] {strides = array<i32>} : memref<26x128xi32, #tpu.memory_space<vmem>>, vector<16xi32>,
    %add3A_1874 = arith.constant 2500000 : i32
    %add3A_1875 = vector.broadcast %add3A_1874 : i32 to vector<16xi32>
    %add3A_1876 = arith.addi %get3A_1873, %add3A_1875 : vector<16xi32>
    %swap3A_1877 = arith.constant 3216 : index
    %swap3A_1878 = tpu.vector_load %arg7[%swap3A_1877] {strides = array<i32>} : memref<3328xi32, #tpu.memory_space<vmem>>, vector<16xi32>,
    tpu.vector_store %arg7[%swap3A_1877], %add3A_1876 {strides = array<i32>} : memref<3328xi32, #tpu.memory_space<vmem>>, vector<16xi32>,
    %get3A_1879 = arith.constant 25 : i32
    %get3A_1880 = arith.index_cast %get3A_1879 : i32 to index
    %get3A_1881 = arith.constant 32 : index
    %get3A_1882 = tpu.vector_load %arg6[%get3A_1880, %get3A_1881] {strides = array<i32>} : memref<26x128xi32, #tpu.memory_space<vmem>>, vector<16xi32>,
    %add3A_1883 = arith.constant 2500000 : i32
    %add3A_1884 = vector.broadcast %add3A_1883 : i32 to vector<16xi32>
    %add3A_1885 = arith.addi %get3A_1882, %add3A_1884 : vector<16xi32>
    %swap3A_1886 = arith.constant 3232 : index
    %swap3A_1887 = tpu.vector_load %arg7[%swap3A_1886] {strides = array<i32>} : memref<3328xi32, #tpu.memory_space<vmem>>, vector<16xi32>,
    tpu.vector_store %arg7[%swap3A_1886], %add3A_1885 {strides = array<i32>} : memref<3328xi32, #tpu.memory_space<vmem>>, vector<16xi32>,
    %get3A_1888 = arith.constant 25 : i32
    %get3A_1889 = arith.index_cast %get3A_1888 : i32 to index
    %get3A_1890 = arith.constant 48 : index
    %get3A_1891 = tpu.vector_load %arg6[%get3A_1889, %get3A_1890] {strides = array<i32>} : memref<26x128xi32, #tpu.memory_space<vmem>>, vector<16xi32>,
    %add3A_1892 = arith.constant 2500000 : i32
    %add3A_1893 = vector.broadcast %add3A_1892 : i32 to vector<16xi32>
    %add3A_1894 = arith.addi %get3A_1891, %add3A_1893 : vector<16xi32>
    %swap3A_1895 = arith.constant 3248 : index
    %swap3A_1896 = tpu.vector_load %arg7[%swap3A_1895] {strides = array<i32>} : memref<3328xi32, #tpu.memory_space<vmem>>, vector<16xi32>,
    tpu.vector_store %arg7[%swap3A_1895], %add3A_1894 {strides = array<i32>} : memref<3328xi32, #tpu.memory_space<vmem>>, vector<16xi32>,
    %get3A_1897 = arith.constant 25 : i32
    %get3A_1898 = arith.index_cast %get3A_1897 : i32 to index
    %get3A_1899 = arith.constant 64 : index
    %get3A_1900 = tpu.vector_load %arg6[%get3A_1898, %get3A_1899] {strides = array<i32>} : memref<26x128xi32, #tpu.memory_space<vmem>>, vector<16xi32>,
    %add3A_1901 = arith.constant 2500000 : i32
    %add3A_1902 = vector.broadcast %add3A_1901 : i32 to vector<16xi32>
    %add3A_1903 = arith.addi %get3A_1900, %add3A_1902 : vector<16xi32>
    %swap3A_1904 = arith.constant 3264 : index
    %swap3A_1905 = tpu.vector_load %arg7[%swap3A_1904] {strides = array<i32>} : memref<3328xi32, #tpu.memory_space<vmem>>, vector<16xi32>,
    tpu.vector_store %arg7[%swap3A_1904], %add3A_1903 {strides = array<i32>} : memref<3328xi32, #tpu.memory_space<vmem>>, vector<16xi32>,
    %get3A_1906 = arith.constant 25 : i32
    %get3A_1907 = arith.index_cast %get3A_1906 : i32 to index
    %get3A_1908 = arith.constant 80 : index
    %get3A_1909 = tpu.vector_load %arg6[%get3A_1907, %get3A_1908] {strides = array<i32>} : memref<26x128xi32, #tpu.memory_space<vmem>>, vector<16xi32>,
    %add3A_1910 = arith.constant 2500000 : i32
    %add3A_1911 = vector.broadcast %add3A_1910 : i32 to vector<16xi32>
    %add3A_1912 = arith.addi %get3A_1909, %add3A_1911 : vector<16xi32>
    %swap3A_1913 = arith.constant 3280 : index
    %swap3A_1914 = tpu.vector_load %arg7[%swap3A_1913] {strides = array<i32>} : memref<3328xi32, #tpu.memory_space<vmem>>, vector<16xi32>,
    tpu.vector_store %arg7[%swap3A_1913], %add3A_1912 {strides = array<i32>} : memref<3328xi32, #tpu.memory_space<vmem>>, vector<16xi32>,
    %get3A_1915 = arith.constant 25 : i32
    %get3A_1916 = arith.index_cast %get3A_1915 : i32 to index
    %get3A_1917 = arith.constant 96 : index
    %get3A_1918 = tpu.vector_load %arg6[%get3A_1916, %get3A_1917] {strides = array<i32>} : memref<26x128xi32, #tpu.memory_space<vmem>>, vector<16xi32>,
    %add3A_1919 = arith.constant 2500000 : i32
    %add3A_1920 = vector.broadcast %add3A_1919 : i32 to vector<16xi32>
    %add3A_1921 = arith.addi %get3A_1918, %add3A_1920 : vector<16xi32>
    %swap3A_1922 = arith.constant 3296 : index
    %swap3A_1923 = tpu.vector_load %arg7[%swap3A_1922] {strides = array<i32>} : memref<3328xi32, #tpu.memory_space<vmem>>, vector<16xi32>,
    tpu.vector_store %arg7[%swap3A_1922], %add3A_1921 {strides = array<i32>} : memref<3328xi32, #tpu.memory_space<vmem>>, vector<16xi32>,
    %get3A_1924 = arith.constant 25 : i32
    %get3A_1925 = arith.index_cast %get3A_1924 : i32 to index
    %get3A_1926 = arith.constant 112 : index
    %get3A_1927 = tpu.vector_load %arg6[%get3A_1925, %get3A_1926] {strides = array<i32>} : memref<26x128xi32, #tpu.memory_space<vmem>>, vector<16xi32>,
    %add3A_1928 = arith.constant 2500000 : i32
    %add3A_1929 = vector.broadcast %add3A_1928 : i32 to vector<16xi32>
    %add3A_1930 = arith.addi %get3A_1927, %add3A_1929 : vector<16xi32>
    %swap3A_1931 = arith.constant 3312 : index
    %swap3A_1932 = tpu.vector_load %arg7[%swap3A_1931] {strides = array<i32>} : memref<3328xi32, #tpu.memory_space<vmem>>, vector<16xi32>,
    tpu.vector_store %arg7[%swap3A_1931], %add3A_1930 {strides = array<i32>} : memref<3328xi32, #tpu.memory_space<vmem>>, vector<16xi32>,
    %dma_start3A_1933 = arith.constant 0 : i32
    %dma_start3A_1934 = arith.constant 2048 : i32
    %dma_start3A_1935 = tpu.memref_slice %arg8[%dma_start3A_1934] : memref<3328xf32, #tpu.memory_space<vmem>> -> memref<1280xf32, #tpu.memory_space<vmem>>
    %dma_start3A_1936 = arith.constant 2048 : i32
    %dma_start3A_1937 = tpu.memref_slice %arg7[%dma_start3A_1936] : memref<3328xi32, #tpu.memory_space<vmem>> -> memref<1280xi32, #tpu.memory_space<vmem>>
    %dma_start3A_1938 = arith.constant 0 : i32
    %dma_start3A_1939 = tpu.memref_slice %arg3[%dma_start3A_1933, %dma_start3A_1938] : memref<1x2600000xf32, #tpu.memory_space<hbm>> -> memref<1x2600000xf32, #tpu.memory_space<hbm>>
    %dma_start3A_1940 = tpu.memref_squeeze %dma_start3A_1939 : memref<1x2600000xf32, #tpu.memory_space<hbm>> -> memref<2600000xf32, #tpu.memory_space<hbm>>
    %dma_start3A_1941 = arith.constant 0 : i32
    %dma_start3A_1942 = tpu.memref_slice %dma_start3A_1940[%dma_start3A_1941] : memref<2600000xf32, #tpu.memory_space<hbm>> -> memref<2600000xf32, #tpu.memory_space<hbm>>
    tpu.enqueue_indirect_dma source(%dma_start3A_1942 : memref<2600000xf32, #tpu.memory_space<hbm>>) target(%dma_start3A_1935 : memref<1280xf32, #tpu.memory_space<vmem>>) offsets(%dma_start3A_1937 : memref<1280xi32, #tpu.memory_space<vmem>>) semaphore(%arg15 : memref<!tpu.dma_semaphore, #tpu.memory_space<semaphore_mem>>)
    %dma_wait3A_1943 = arith.constant 0 : i32
    %dma_wait3A_1944 = arith.constant 0 : i32
    %dma_wait3A_1945 = tpu.memref_slice %arg8[%dma_wait3A_1944] : memref<3328xf32, #tpu.memory_space<vmem>> -> memref<1024xf32, #tpu.memory_space<vmem>>
    %dma_wait3A_1946 = arith.constant 0 : i32
    %dma_wait3A_1947 = tpu.memref_slice %arg7[%dma_wait3A_1946] : memref<3328xi32, #tpu.memory_space<vmem>> -> memref<1024xi32, #tpu.memory_space<vmem>>
    %dma_wait3A_1948 = arith.constant 0 : i32
    %dma_wait3A_1949 = tpu.memref_slice %arg3[%dma_wait3A_1943, %dma_wait3A_1948] : memref<1x2600000xf32, #tpu.memory_space<hbm>> -> memref<1x2600000xf32, #tpu.memory_space<hbm>>
    %dma_wait3A_1950 = tpu.memref_squeeze %dma_wait3A_1949 : memref<1x2600000xf32, #tpu.memory_space<hbm>> -> memref<2600000xf32, #tpu.memory_space<hbm>>
    %dma_wait3A_1951 = arith.constant 0 : i32
    %dma_wait3A_1952 = tpu.memref_slice %dma_wait3A_1950[%dma_wait3A_1951] : memref<2600000xf32, #tpu.memory_space<hbm>> -> memref<2600000xf32, #tpu.memory_space<hbm>>
    tpu.wait_indirect_dma semaphore(%arg13 : memref<!tpu.dma_semaphore, #tpu.memory_space<semaphore_mem>>) src(%dma_wait3A_1952 : memref<2600000xf32, #tpu.memory_space<hbm>>) dst(%dma_wait3A_1945 : memref<1024xf32, #tpu.memory_space<vmem>>)
    %get3A_1953 = arith.constant 0 : index
    %get3A_1954 = tpu.vector_load %arg8[%get3A_1953] {strides = array<i32>} : memref<3328xf32, #tpu.memory_space<vmem>>, vector<16xf32>,
    %add3A_1955 = arith.addf %broadcast_in_dim3A, %get3A_1954 : vector<16xf32>
    %get3A_1956 = arith.constant 128 : index
    %get3A_1957 = tpu.vector_load %arg8[%get3A_1956] {strides = array<i32>} : memref<3328xf32, #tpu.memory_space<vmem>>, vector<16xf32>,
    %add3A_1958 = arith.addf %add3A_1955, %get3A_1957 : vector<16xf32>
    %get3A_1959 = arith.constant 256 : index
    %get3A_1960 = tpu.vector_load %arg8[%get3A_1959] {strides = array<i32>} : memref<3328xf32, #tpu.memory_space<vmem>>, vector<16xf32>,
    %add3A_1961 = arith.addf %add3A_1958, %get3A_1960 : vector<16xf32>
    %get3A_1962 = arith.constant 384 : index
    %get3A_1963 = tpu.vector_load %arg8[%get3A_1962] {strides = array<i32>} : memref<3328xf32, #tpu.memory_space<vmem>>, vector<16xf32>,
    %add3A_1964 = arith.addf %add3A_1961, %get3A_1963 : vector<16xf32>
    %get3A_1965 = arith.constant 512 : index
    %get3A_1966 = tpu.vector_load %arg8[%get3A_1965] {strides = array<i32>} : memref<3328xf32, #tpu.memory_space<vmem>>, vector<16xf32>,
    %add3A_1967 = arith.addf %add3A_1964, %get3A_1966 : vector<16xf32>
    %get3A_1968 = arith.constant 640 : index
    %get3A_1969 = tpu.vector_load %arg8[%get3A_1968] {strides = array<i32>} : memref<3328xf32, #tpu.memory_space<vmem>>, vector<16xf32>,
    %add3A_1970 = arith.addf %add3A_1967, %get3A_1969 : vector<16xf32>
    %get3A_1971 = arith.constant 768 : index
    %get3A_1972 = tpu.vector_load %arg8[%get3A_1971] {strides = array<i32>} : memref<3328xf32, #tpu.memory_space<vmem>>, vector<16xf32>,
    %add3A_1973 = arith.addf %add3A_1970, %get3A_1972 : vector<16xf32>
    %get3A_1974 = arith.constant 896 : index
    %get3A_1975 = tpu.vector_load %arg8[%get3A_1974] {strides = array<i32>} : memref<3328xf32, #tpu.memory_space<vmem>>, vector<16xf32>,
    %add3A_1976 = arith.addf %add3A_1973, %get3A_1975 : vector<16xf32>
    %swap3A_1977 = arith.constant 0 : index
    %swap3A_1978 = tpu.vector_load %arg9[%swap3A_1977] {strides = array<i32>} : memref<128xf32, #tpu.memory_space<vmem>>, vector<16xf32>,
    tpu.vector_store %arg9[%swap3A_1977], %add3A_1976 {strides = array<i32>} : memref<128xf32, #tpu.memory_space<vmem>>, vector<16xf32>,
    %get3A_1979 = arith.constant 16 : index
    %get3A_1980 = tpu.vector_load %arg8[%get3A_1979] {strides = array<i32>} : memref<3328xf32, #tpu.memory_space<vmem>>, vector<16xf32>,
    %add3A_1981 = arith.addf %broadcast_in_dim3A, %get3A_1980 : vector<16xf32>
    %get3A_1982 = arith.constant 144 : index
    %get3A_1983 = tpu.vector_load %arg8[%get3A_1982] {strides = array<i32>} : memref<3328xf32, #tpu.memory_space<vmem>>, vector<16xf32>,
    %add3A_1984 = arith.addf %add3A_1981, %get3A_1983 : vector<16xf32>
    %get3A_1985 = arith.constant 272 : index
    %get3A_1986 = tpu.vector_load %arg8[%get3A_1985] {strides = array<i32>} : memref<3328xf32, #tpu.memory_space<vmem>>, vector<16xf32>,
    %add3A_1987 = arith.addf %add3A_1984, %get3A_1986 : vector<16xf32>
    %get3A_1988 = arith.constant 400 : index
    %get3A_1989 = tpu.vector_load %arg8[%get3A_1988] {strides = array<i32>} : memref<3328xf32, #tpu.memory_space<vmem>>, vector<16xf32>,
    %add3A_1990 = arith.addf %add3A_1987, %get3A_1989 : vector<16xf32>
    %get3A_1991 = arith.constant 528 : index
    %get3A_1992 = tpu.vector_load %arg8[%get3A_1991] {strides = array<i32>} : memref<3328xf32, #tpu.memory_space<vmem>>, vector<16xf32>,
    %add3A_1993 = arith.addf %add3A_1990, %get3A_1992 : vector<16xf32>
    %get3A_1994 = arith.constant 656 : index
    %get3A_1995 = tpu.vector_load %arg8[%get3A_1994] {strides = array<i32>} : memref<3328xf32, #tpu.memory_space<vmem>>, vector<16xf32>,
    %add3A_1996 = arith.addf %add3A_1993, %get3A_1995 : vector<16xf32>
    %get3A_1997 = arith.constant 784 : index
    %get3A_1998 = tpu.vector_load %arg8[%get3A_1997] {strides = array<i32>} : memref<3328xf32, #tpu.memory_space<vmem>>, vector<16xf32>,
    %add3A_1999 = arith.addf %add3A_1996, %get3A_1998 : vector<16xf32>
    %get3A_2000 = arith.constant 912 : index
    %get3A_2001 = tpu.vector_load %arg8[%get3A_2000] {strides = array<i32>} : memref<3328xf32, #tpu.memory_space<vmem>>, vector<16xf32>,
    %add3A_2002 = arith.addf %add3A_1999, %get3A_2001 : vector<16xf32>
    %swap3A_2003 = arith.constant 16 : index
    %swap3A_2004 = tpu.vector_load %arg9[%swap3A_2003] {strides = array<i32>} : memref<128xf32, #tpu.memory_space<vmem>>, vector<16xf32>,
    tpu.vector_store %arg9[%swap3A_2003], %add3A_2002 {strides = array<i32>} : memref<128xf32, #tpu.memory_space<vmem>>, vector<16xf32>,
    %get3A_2005 = arith.constant 32 : index
    %get3A_2006 = tpu.vector_load %arg8[%get3A_2005] {strides = array<i32>} : memref<3328xf32, #tpu.memory_space<vmem>>, vector<16xf32>,
    %add3A_2007 = arith.addf %broadcast_in_dim3A, %get3A_2006 : vector<16xf32>
    %get3A_2008 = arith.constant 160 : index
    %get3A_2009 = tpu.vector_load %arg8[%get3A_2008] {strides = array<i32>} : memref<3328xf32, #tpu.memory_space<vmem>>, vector<16xf32>,
    %add3A_2010 = arith.addf %add3A_2007, %get3A_2009 : vector<16xf32>
    %get3A_2011 = arith.constant 288 : index
    %get3A_2012 = tpu.vector_load %arg8[%get3A_2011] {strides = array<i32>} : memref<3328xf32, #tpu.memory_space<vmem>>, vector<16xf32>,
    %add3A_2013 = arith.addf %add3A_2010, %get3A_2012 : vector<16xf32>
    %get3A_2014 = arith.constant 416 : index
    %get3A_2015 = tpu.vector_load %arg8[%get3A_2014] {strides = array<i32>} : memref<3328xf32, #tpu.memory_space<vmem>>, vector<16xf32>,
    %add3A_2016 = arith.addf %add3A_2013, %get3A_2015 : vector<16xf32>
    %get3A_2017 = arith.constant 544 : index
    %get3A_2018 = tpu.vector_load %arg8[%get3A_2017] {strides = array<i32>} : memref<3328xf32, #tpu.memory_space<vmem>>, vector<16xf32>,
    %add3A_2019 = arith.addf %add3A_2016, %get3A_2018 : vector<16xf32>
    %get3A_2020 = arith.constant 672 : index
    %get3A_2021 = tpu.vector_load %arg8[%get3A_2020] {strides = array<i32>} : memref<3328xf32, #tpu.memory_space<vmem>>, vector<16xf32>,
    %add3A_2022 = arith.addf %add3A_2019, %get3A_2021 : vector<16xf32>
    %get3A_2023 = arith.constant 800 : index
    %get3A_2024 = tpu.vector_load %arg8[%get3A_2023] {strides = array<i32>} : memref<3328xf32, #tpu.memory_space<vmem>>, vector<16xf32>,
    %add3A_2025 = arith.addf %add3A_2022, %get3A_2024 : vector<16xf32>
    %get3A_2026 = arith.constant 928 : index
    %get3A_2027 = tpu.vector_load %arg8[%get3A_2026] {strides = array<i32>} : memref<3328xf32, #tpu.memory_space<vmem>>, vector<16xf32>,
    %add3A_2028 = arith.addf %add3A_2025, %get3A_2027 : vector<16xf32>
    %swap3A_2029 = arith.constant 32 : index
    %swap3A_2030 = tpu.vector_load %arg9[%swap3A_2029] {strides = array<i32>} : memref<128xf32, #tpu.memory_space<vmem>>, vector<16xf32>,
    tpu.vector_store %arg9[%swap3A_2029], %add3A_2028 {strides = array<i32>} : memref<128xf32, #tpu.memory_space<vmem>>, vector<16xf32>,
    %get3A_2031 = arith.constant 48 : index
    %get3A_2032 = tpu.vector_load %arg8[%get3A_2031] {strides = array<i32>} : memref<3328xf32, #tpu.memory_space<vmem>>, vector<16xf32>,
    %add3A_2033 = arith.addf %broadcast_in_dim3A, %get3A_2032 : vector<16xf32>
    %get3A_2034 = arith.constant 176 : index
    %get3A_2035 = tpu.vector_load %arg8[%get3A_2034] {strides = array<i32>} : memref<3328xf32, #tpu.memory_space<vmem>>, vector<16xf32>,
    %add3A_2036 = arith.addf %add3A_2033, %get3A_2035 : vector<16xf32>
    %get3A_2037 = arith.constant 304 : index
    %get3A_2038 = tpu.vector_load %arg8[%get3A_2037] {strides = array<i32>} : memref<3328xf32, #tpu.memory_space<vmem>>, vector<16xf32>,
    %add3A_2039 = arith.addf %add3A_2036, %get3A_2038 : vector<16xf32>
    %get3A_2040 = arith.constant 432 : index
    %get3A_2041 = tpu.vector_load %arg8[%get3A_2040] {strides = array<i32>} : memref<3328xf32, #tpu.memory_space<vmem>>, vector<16xf32>,
    %add3A_2042 = arith.addf %add3A_2039, %get3A_2041 : vector<16xf32>
    %get3A_2043 = arith.constant 560 : index
    %get3A_2044 = tpu.vector_load %arg8[%get3A_2043] {strides = array<i32>} : memref<3328xf32, #tpu.memory_space<vmem>>, vector<16xf32>,
    %add3A_2045 = arith.addf %add3A_2042, %get3A_2044 : vector<16xf32>
    %get3A_2046 = arith.constant 688 : index
    %get3A_2047 = tpu.vector_load %arg8[%get3A_2046] {strides = array<i32>} : memref<3328xf32, #tpu.memory_space<vmem>>, vector<16xf32>,
    %add3A_2048 = arith.addf %add3A_2045, %get3A_2047 : vector<16xf32>
    %get3A_2049 = arith.constant 816 : index
    %get3A_2050 = tpu.vector_load %arg8[%get3A_2049] {strides = array<i32>} : memref<3328xf32, #tpu.memory_space<vmem>>, vector<16xf32>,
    %add3A_2051 = arith.addf %add3A_2048, %get3A_2050 : vector<16xf32>
    %get3A_2052 = arith.constant 944 : index
    %get3A_2053 = tpu.vector_load %arg8[%get3A_2052] {strides = array<i32>} : memref<3328xf32, #tpu.memory_space<vmem>>, vector<16xf32>,
    %add3A_2054 = arith.addf %add3A_2051, %get3A_2053 : vector<16xf32>
    %swap3A_2055 = arith.constant 48 : index
    %swap3A_2056 = tpu.vector_load %arg9[%swap3A_2055] {strides = array<i32>} : memref<128xf32, #tpu.memory_space<vmem>>, vector<16xf32>,
    tpu.vector_store %arg9[%swap3A_2055], %add3A_2054 {strides = array<i32>} : memref<128xf32, #tpu.memory_space<vmem>>, vector<16xf32>,
    %get3A_2057 = arith.constant 64 : index
    %get3A_2058 = tpu.vector_load %arg8[%get3A_2057] {strides = array<i32>} : memref<3328xf32, #tpu.memory_space<vmem>>, vector<16xf32>,
    %add3A_2059 = arith.addf %broadcast_in_dim3A, %get3A_2058 : vector<16xf32>
    %get3A_2060 = arith.constant 192 : index
    %get3A_2061 = tpu.vector_load %arg8[%get3A_2060] {strides = array<i32>} : memref<3328xf32, #tpu.memory_space<vmem>>, vector<16xf32>,
    %add3A_2062 = arith.addf %add3A_2059, %get3A_2061 : vector<16xf32>
    %get3A_2063 = arith.constant 320 : index
    %get3A_2064 = tpu.vector_load %arg8[%get3A_2063] {strides = array<i32>} : memref<3328xf32, #tpu.memory_space<vmem>>, vector<16xf32>,
    %add3A_2065 = arith.addf %add3A_2062, %get3A_2064 : vector<16xf32>
    %get3A_2066 = arith.constant 448 : index
    %get3A_2067 = tpu.vector_load %arg8[%get3A_2066] {strides = array<i32>} : memref<3328xf32, #tpu.memory_space<vmem>>, vector<16xf32>,
    %add3A_2068 = arith.addf %add3A_2065, %get3A_2067 : vector<16xf32>
    %get3A_2069 = arith.constant 576 : index
    %get3A_2070 = tpu.vector_load %arg8[%get3A_2069] {strides = array<i32>} : memref<3328xf32, #tpu.memory_space<vmem>>, vector<16xf32>,
    %add3A_2071 = arith.addf %add3A_2068, %get3A_2070 : vector<16xf32>
    %get3A_2072 = arith.constant 704 : index
    %get3A_2073 = tpu.vector_load %arg8[%get3A_2072] {strides = array<i32>} : memref<3328xf32, #tpu.memory_space<vmem>>, vector<16xf32>,
    %add3A_2074 = arith.addf %add3A_2071, %get3A_2073 : vector<16xf32>
    %get3A_2075 = arith.constant 832 : index
    %get3A_2076 = tpu.vector_load %arg8[%get3A_2075] {strides = array<i32>} : memref<3328xf32, #tpu.memory_space<vmem>>, vector<16xf32>,
    %add3A_2077 = arith.addf %add3A_2074, %get3A_2076 : vector<16xf32>
    %get3A_2078 = arith.constant 960 : index
    %get3A_2079 = tpu.vector_load %arg8[%get3A_2078] {strides = array<i32>} : memref<3328xf32, #tpu.memory_space<vmem>>, vector<16xf32>,
    %add3A_2080 = arith.addf %add3A_2077, %get3A_2079 : vector<16xf32>
    %swap3A_2081 = arith.constant 64 : index
    %swap3A_2082 = tpu.vector_load %arg9[%swap3A_2081] {strides = array<i32>} : memref<128xf32, #tpu.memory_space<vmem>>, vector<16xf32>,
    tpu.vector_store %arg9[%swap3A_2081], %add3A_2080 {strides = array<i32>} : memref<128xf32, #tpu.memory_space<vmem>>, vector<16xf32>,
    %get3A_2083 = arith.constant 80 : index
    %get3A_2084 = tpu.vector_load %arg8[%get3A_2083] {strides = array<i32>} : memref<3328xf32, #tpu.memory_space<vmem>>, vector<16xf32>,
    %add3A_2085 = arith.addf %broadcast_in_dim3A, %get3A_2084 : vector<16xf32>
    %get3A_2086 = arith.constant 208 : index
    %get3A_2087 = tpu.vector_load %arg8[%get3A_2086] {strides = array<i32>} : memref<3328xf32, #tpu.memory_space<vmem>>, vector<16xf32>,
    %add3A_2088 = arith.addf %add3A_2085, %get3A_2087 : vector<16xf32>
    %get3A_2089 = arith.constant 336 : index
    %get3A_2090 = tpu.vector_load %arg8[%get3A_2089] {strides = array<i32>} : memref<3328xf32, #tpu.memory_space<vmem>>, vector<16xf32>,
    %add3A_2091 = arith.addf %add3A_2088, %get3A_2090 : vector<16xf32>
    %get3A_2092 = arith.constant 464 : index
    %get3A_2093 = tpu.vector_load %arg8[%get3A_2092] {strides = array<i32>} : memref<3328xf32, #tpu.memory_space<vmem>>, vector<16xf32>,
    %add3A_2094 = arith.addf %add3A_2091, %get3A_2093 : vector<16xf32>
    %get3A_2095 = arith.constant 592 : index
    %get3A_2096 = tpu.vector_load %arg8[%get3A_2095] {strides = array<i32>} : memref<3328xf32, #tpu.memory_space<vmem>>, vector<16xf32>,
    %add3A_2097 = arith.addf %add3A_2094, %get3A_2096 : vector<16xf32>
    %get3A_2098 = arith.constant 720 : index
    %get3A_2099 = tpu.vector_load %arg8[%get3A_2098] {strides = array<i32>} : memref<3328xf32, #tpu.memory_space<vmem>>, vector<16xf32>,
    %add3A_2100 = arith.addf %add3A_2097, %get3A_2099 : vector<16xf32>
    %get3A_2101 = arith.constant 848 : index
    %get3A_2102 = tpu.vector_load %arg8[%get3A_2101] {strides = array<i32>} : memref<3328xf32, #tpu.memory_space<vmem>>, vector<16xf32>,
    %add3A_2103 = arith.addf %add3A_2100, %get3A_2102 : vector<16xf32>
    %get3A_2104 = arith.constant 976 : index
    %get3A_2105 = tpu.vector_load %arg8[%get3A_2104] {strides = array<i32>} : memref<3328xf32, #tpu.memory_space<vmem>>, vector<16xf32>,
    %add3A_2106 = arith.addf %add3A_2103, %get3A_2105 : vector<16xf32>
    %swap3A_2107 = arith.constant 80 : index
    %swap3A_2108 = tpu.vector_load %arg9[%swap3A_2107] {strides = array<i32>} : memref<128xf32, #tpu.memory_space<vmem>>, vector<16xf32>,
    tpu.vector_store %arg9[%swap3A_2107], %add3A_2106 {strides = array<i32>} : memref<128xf32, #tpu.memory_space<vmem>>, vector<16xf32>,
    %get3A_2109 = arith.constant 96 : index
    %get3A_2110 = tpu.vector_load %arg8[%get3A_2109] {strides = array<i32>} : memref<3328xf32, #tpu.memory_space<vmem>>, vector<16xf32>,
    %add3A_2111 = arith.addf %broadcast_in_dim3A, %get3A_2110 : vector<16xf32>
    %get3A_2112 = arith.constant 224 : index
    %get3A_2113 = tpu.vector_load %arg8[%get3A_2112] {strides = array<i32>} : memref<3328xf32, #tpu.memory_space<vmem>>, vector<16xf32>,
    %add3A_2114 = arith.addf %add3A_2111, %get3A_2113 : vector<16xf32>
    %get3A_2115 = arith.constant 352 : index
    %get3A_2116 = tpu.vector_load %arg8[%get3A_2115] {strides = array<i32>} : memref<3328xf32, #tpu.memory_space<vmem>>, vector<16xf32>,
    %add3A_2117 = arith.addf %add3A_2114, %get3A_2116 : vector<16xf32>
    %get3A_2118 = arith.constant 480 : index
    %get3A_2119 = tpu.vector_load %arg8[%get3A_2118] {strides = array<i32>} : memref<3328xf32, #tpu.memory_space<vmem>>, vector<16xf32>,
    %add3A_2120 = arith.addf %add3A_2117, %get3A_2119 : vector<16xf32>
    %get3A_2121 = arith.constant 608 : index
    %get3A_2122 = tpu.vector_load %arg8[%get3A_2121] {strides = array<i32>} : memref<3328xf32, #tpu.memory_space<vmem>>, vector<16xf32>,
    %add3A_2123 = arith.addf %add3A_2120, %get3A_2122 : vector<16xf32>
    %get3A_2124 = arith.constant 736 : index
    %get3A_2125 = tpu.vector_load %arg8[%get3A_2124] {strides = array<i32>} : memref<3328xf32, #tpu.memory_space<vmem>>, vector<16xf32>,
    %add3A_2126 = arith.addf %add3A_2123, %get3A_2125 : vector<16xf32>
    %get3A_2127 = arith.constant 864 : index
    %get3A_2128 = tpu.vector_load %arg8[%get3A_2127] {strides = array<i32>} : memref<3328xf32, #tpu.memory_space<vmem>>, vector<16xf32>,
    %add3A_2129 = arith.addf %add3A_2126, %get3A_2128 : vector<16xf32>
    %get3A_2130 = arith.constant 992 : index
    %get3A_2131 = tpu.vector_load %arg8[%get3A_2130] {strides = array<i32>} : memref<3328xf32, #tpu.memory_space<vmem>>, vector<16xf32>,
    %add3A_2132 = arith.addf %add3A_2129, %get3A_2131 : vector<16xf32>
    %swap3A_2133 = arith.constant 96 : index
    %swap3A_2134 = tpu.vector_load %arg9[%swap3A_2133] {strides = array<i32>} : memref<128xf32, #tpu.memory_space<vmem>>, vector<16xf32>,
    tpu.vector_store %arg9[%swap3A_2133], %add3A_2132 {strides = array<i32>} : memref<128xf32, #tpu.memory_space<vmem>>, vector<16xf32>,
    %get3A_2135 = arith.constant 112 : index
    %get3A_2136 = tpu.vector_load %arg8[%get3A_2135] {strides = array<i32>} : memref<3328xf32, #tpu.memory_space<vmem>>, vector<16xf32>,
    %add3A_2137 = arith.addf %broadcast_in_dim3A, %get3A_2136 : vector<16xf32>
    %get3A_2138 = arith.constant 240 : index
    %get3A_2139 = tpu.vector_load %arg8[%get3A_2138] {strides = array<i32>} : memref<3328xf32, #tpu.memory_space<vmem>>, vector<16xf32>,
    %add3A_2140 = arith.addf %add3A_2137, %get3A_2139 : vector<16xf32>
    %get3A_2141 = arith.constant 368 : index
    %get3A_2142 = tpu.vector_load %arg8[%get3A_2141] {strides = array<i32>} : memref<3328xf32, #tpu.memory_space<vmem>>, vector<16xf32>,
    %add3A_2143 = arith.addf %add3A_2140, %get3A_2142 : vector<16xf32>
    %get3A_2144 = arith.constant 496 : index
    %get3A_2145 = tpu.vector_load %arg8[%get3A_2144] {strides = array<i32>} : memref<3328xf32, #tpu.memory_space<vmem>>, vector<16xf32>,
    %add3A_2146 = arith.addf %add3A_2143, %get3A_2145 : vector<16xf32>
    %get3A_2147 = arith.constant 624 : index
    %get3A_2148 = tpu.vector_load %arg8[%get3A_2147] {strides = array<i32>} : memref<3328xf32, #tpu.memory_space<vmem>>, vector<16xf32>,
    %add3A_2149 = arith.addf %add3A_2146, %get3A_2148 : vector<16xf32>
    %get3A_2150 = arith.constant 752 : index
    %get3A_2151 = tpu.vector_load %arg8[%get3A_2150] {strides = array<i32>} : memref<3328xf32, #tpu.memory_space<vmem>>, vector<16xf32>,
    %add3A_2152 = arith.addf %add3A_2149, %get3A_2151 : vector<16xf32>
    %get3A_2153 = arith.constant 880 : index
    %get3A_2154 = tpu.vector_load %arg8[%get3A_2153] {strides = array<i32>} : memref<3328xf32, #tpu.memory_space<vmem>>, vector<16xf32>,
    %add3A_2155 = arith.addf %add3A_2152, %get3A_2154 : vector<16xf32>
    %get3A_2156 = arith.constant 1008 : index
    %get3A_2157 = tpu.vector_load %arg8[%get3A_2156] {strides = array<i32>} : memref<3328xf32, #tpu.memory_space<vmem>>, vector<16xf32>,
    %add3A_2158 = arith.addf %add3A_2155, %get3A_2157 : vector<16xf32>
    %swap3A_2159 = arith.constant 112 : index
    %swap3A_2160 = tpu.vector_load %arg9[%swap3A_2159] {strides = array<i32>} : memref<128xf32, #tpu.memory_space<vmem>>, vector<16xf32>,
    tpu.vector_store %arg9[%swap3A_2159], %add3A_2158 {strides = array<i32>} : memref<128xf32, #tpu.memory_space<vmem>>, vector<16xf32>,
    %dma_wait3A_2161 = arith.constant 0 : i32
    %dma_wait3A_2162 = arith.constant 1024 : i32
    %dma_wait3A_2163 = tpu.memref_slice %arg8[%dma_wait3A_2162] : memref<3328xf32, #tpu.memory_space<vmem>> -> memref<1024xf32, #tpu.memory_space<vmem>>
    %dma_wait3A_2164 = arith.constant 1024 : i32
    %dma_wait3A_2165 = tpu.memref_slice %arg7[%dma_wait3A_2164] : memref<3328xi32, #tpu.memory_space<vmem>> -> memref<1024xi32, #tpu.memory_space<vmem>>
    %dma_wait3A_2166 = arith.constant 0 : i32
    %dma_wait3A_2167 = tpu.memref_slice %arg3[%dma_wait3A_2161, %dma_wait3A_2166] : memref<1x2600000xf32, #tpu.memory_space<hbm>> -> memref<1x2600000xf32, #tpu.memory_space<hbm>>
    %dma_wait3A_2168 = tpu.memref_squeeze %dma_wait3A_2167 : memref<1x2600000xf32, #tpu.memory_space<hbm>> -> memref<2600000xf32, #tpu.memory_space<hbm>>
    %dma_wait3A_2169 = arith.constant 0 : i32
    %dma_wait3A_2170 = tpu.memref_slice %dma_wait3A_2168[%dma_wait3A_2169] : memref<2600000xf32, #tpu.memory_space<hbm>> -> memref<2600000xf32, #tpu.memory_space<hbm>>
    tpu.wait_indirect_dma semaphore(%arg14 : memref<!tpu.dma_semaphore, #tpu.memory_space<semaphore_mem>>) src(%dma_wait3A_2170 : memref<2600000xf32, #tpu.memory_space<hbm>>) dst(%dma_wait3A_2163 : memref<1024xf32, #tpu.memory_space<vmem>>)
    %get3A_2171 = arith.constant 0 : index
    %get3A_2172 = tpu.vector_load %arg9[%get3A_2171] {strides = array<i32>} : memref<128xf32, #tpu.memory_space<vmem>>, vector<16xf32>,
    %get3A_2173 = arith.constant 1024 : index
    %get3A_2174 = tpu.vector_load %arg8[%get3A_2173] {strides = array<i32>} : memref<3328xf32, #tpu.memory_space<vmem>>, vector<16xf32>,
    %add3A_2175 = arith.addf %get3A_2172, %get3A_2174 : vector<16xf32>
    %get3A_2176 = arith.constant 1152 : index
    %get3A_2177 = tpu.vector_load %arg8[%get3A_2176] {strides = array<i32>} : memref<3328xf32, #tpu.memory_space<vmem>>, vector<16xf32>,
    %add3A_2178 = arith.addf %add3A_2175, %get3A_2177 : vector<16xf32>
    %get3A_2179 = arith.constant 1280 : index
    %get3A_2180 = tpu.vector_load %arg8[%get3A_2179] {strides = array<i32>} : memref<3328xf32, #tpu.memory_space<vmem>>, vector<16xf32>,
    %add3A_2181 = arith.addf %add3A_2178, %get3A_2180 : vector<16xf32>
    %get3A_2182 = arith.constant 1408 : index
    %get3A_2183 = tpu.vector_load %arg8[%get3A_2182] {strides = array<i32>} : memref<3328xf32, #tpu.memory_space<vmem>>, vector<16xf32>,
    %add3A_2184 = arith.addf %add3A_2181, %get3A_2183 : vector<16xf32>
    %get3A_2185 = arith.constant 1536 : index
    %get3A_2186 = tpu.vector_load %arg8[%get3A_2185] {strides = array<i32>} : memref<3328xf32, #tpu.memory_space<vmem>>, vector<16xf32>,
    %add3A_2187 = arith.addf %add3A_2184, %get3A_2186 : vector<16xf32>
    %get3A_2188 = arith.constant 1664 : index
    %get3A_2189 = tpu.vector_load %arg8[%get3A_2188] {strides = array<i32>} : memref<3328xf32, #tpu.memory_space<vmem>>, vector<16xf32>,
    %add3A_2190 = arith.addf %add3A_2187, %get3A_2189 : vector<16xf32>
    %get3A_2191 = arith.constant 1792 : index
    %get3A_2192 = tpu.vector_load %arg8[%get3A_2191] {strides = array<i32>} : memref<3328xf32, #tpu.memory_space<vmem>>, vector<16xf32>,
    %add3A_2193 = arith.addf %add3A_2190, %get3A_2192 : vector<16xf32>
    %get3A_2194 = arith.constant 1920 : index
    %get3A_2195 = tpu.vector_load %arg8[%get3A_2194] {strides = array<i32>} : memref<3328xf32, #tpu.memory_space<vmem>>, vector<16xf32>,
    %add3A_2196 = arith.addf %add3A_2193, %get3A_2195 : vector<16xf32>
    %swap3A_2197 = arith.constant 0 : index
    %swap3A_2198 = tpu.vector_load %arg9[%swap3A_2197] {strides = array<i32>} : memref<128xf32, #tpu.memory_space<vmem>>, vector<16xf32>,
    tpu.vector_store %arg9[%swap3A_2197], %add3A_2196 {strides = array<i32>} : memref<128xf32, #tpu.memory_space<vmem>>, vector<16xf32>,
    %get3A_2199 = arith.constant 16 : index
    %get3A_2200 = tpu.vector_load %arg9[%get3A_2199] {strides = array<i32>} : memref<128xf32, #tpu.memory_space<vmem>>, vector<16xf32>,
    %get3A_2201 = arith.constant 1040 : index
    %get3A_2202 = tpu.vector_load %arg8[%get3A_2201] {strides = array<i32>} : memref<3328xf32, #tpu.memory_space<vmem>>, vector<16xf32>,
    %add3A_2203 = arith.addf %get3A_2200, %get3A_2202 : vector<16xf32>
    %get3A_2204 = arith.constant 1168 : index
    %get3A_2205 = tpu.vector_load %arg8[%get3A_2204] {strides = array<i32>} : memref<3328xf32, #tpu.memory_space<vmem>>, vector<16xf32>,
    %add3A_2206 = arith.addf %add3A_2203, %get3A_2205 : vector<16xf32>
    %get3A_2207 = arith.constant 1296 : index
    %get3A_2208 = tpu.vector_load %arg8[%get3A_2207] {strides = array<i32>} : memref<3328xf32, #tpu.memory_space<vmem>>, vector<16xf32>,
    %add3A_2209 = arith.addf %add3A_2206, %get3A_2208 : vector<16xf32>
    %get3A_2210 = arith.constant 1424 : index
    %get3A_2211 = tpu.vector_load %arg8[%get3A_2210] {strides = array<i32>} : memref<3328xf32, #tpu.memory_space<vmem>>, vector<16xf32>,
    %add3A_2212 = arith.addf %add3A_2209, %get3A_2211 : vector<16xf32>
    %get3A_2213 = arith.constant 1552 : index
    %get3A_2214 = tpu.vector_load %arg8[%get3A_2213] {strides = array<i32>} : memref<3328xf32, #tpu.memory_space<vmem>>, vector<16xf32>,
    %add3A_2215 = arith.addf %add3A_2212, %get3A_2214 : vector<16xf32>
    %get3A_2216 = arith.constant 1680 : index
    %get3A_2217 = tpu.vector_load %arg8[%get3A_2216] {strides = array<i32>} : memref<3328xf32, #tpu.memory_space<vmem>>, vector<16xf32>,
    %add3A_2218 = arith.addf %add3A_2215, %get3A_2217 : vector<16xf32>
    %get3A_2219 = arith.constant 1808 : index
    %get3A_2220 = tpu.vector_load %arg8[%get3A_2219] {strides = array<i32>} : memref<3328xf32, #tpu.memory_space<vmem>>, vector<16xf32>,
    %add3A_2221 = arith.addf %add3A_2218, %get3A_2220 : vector<16xf32>
    %get3A_2222 = arith.constant 1936 : index
    %get3A_2223 = tpu.vector_load %arg8[%get3A_2222] {strides = array<i32>} : memref<3328xf32, #tpu.memory_space<vmem>>, vector<16xf32>,
    %add3A_2224 = arith.addf %add3A_2221, %get3A_2223 : vector<16xf32>
    %swap3A_2225 = arith.constant 16 : index
    %swap3A_2226 = tpu.vector_load %arg9[%swap3A_2225] {strides = array<i32>} : memref<128xf32, #tpu.memory_space<vmem>>, vector<16xf32>,
    tpu.vector_store %arg9[%swap3A_2225], %add3A_2224 {strides = array<i32>} : memref<128xf32, #tpu.memory_space<vmem>>, vector<16xf32>,
    %get3A_2227 = arith.constant 32 : index
    %get3A_2228 = tpu.vector_load %arg9[%get3A_2227] {strides = array<i32>} : memref<128xf32, #tpu.memory_space<vmem>>, vector<16xf32>,
    %get3A_2229 = arith.constant 1056 : index
    %get3A_2230 = tpu.vector_load %arg8[%get3A_2229] {strides = array<i32>} : memref<3328xf32, #tpu.memory_space<vmem>>, vector<16xf32>,
    %add3A_2231 = arith.addf %get3A_2228, %get3A_2230 : vector<16xf32>
    %get3A_2232 = arith.constant 1184 : index
    %get3A_2233 = tpu.vector_load %arg8[%get3A_2232] {strides = array<i32>} : memref<3328xf32, #tpu.memory_space<vmem>>, vector<16xf32>,
    %add3A_2234 = arith.addf %add3A_2231, %get3A_2233 : vector<16xf32>
    %get3A_2235 = arith.constant 1312 : index
    %get3A_2236 = tpu.vector_load %arg8[%get3A_2235] {strides = array<i32>} : memref<3328xf32, #tpu.memory_space<vmem>>, vector<16xf32>,
    %add3A_2237 = arith.addf %add3A_2234, %get3A_2236 : vector<16xf32>
    %get3A_2238 = arith.constant 1440 : index
    %get3A_2239 = tpu.vector_load %arg8[%get3A_2238] {strides = array<i32>} : memref<3328xf32, #tpu.memory_space<vmem>>, vector<16xf32>,
    %add3A_2240 = arith.addf %add3A_2237, %get3A_2239 : vector<16xf32>
    %get3A_2241 = arith.constant 1568 : index
    %get3A_2242 = tpu.vector_load %arg8[%get3A_2241] {strides = array<i32>} : memref<3328xf32, #tpu.memory_space<vmem>>, vector<16xf32>,
    %add3A_2243 = arith.addf %add3A_2240, %get3A_2242 : vector<16xf32>
    %get3A_2244 = arith.constant 1696 : index
    %get3A_2245 = tpu.vector_load %arg8[%get3A_2244] {strides = array<i32>} : memref<3328xf32, #tpu.memory_space<vmem>>, vector<16xf32>,
    %add3A_2246 = arith.addf %add3A_2243, %get3A_2245 : vector<16xf32>
    %get3A_2247 = arith.constant 1824 : index
    %get3A_2248 = tpu.vector_load %arg8[%get3A_2247] {strides = array<i32>} : memref<3328xf32, #tpu.memory_space<vmem>>, vector<16xf32>,
    %add3A_2249 = arith.addf %add3A_2246, %get3A_2248 : vector<16xf32>
    %get3A_2250 = arith.constant 1952 : index
    %get3A_2251 = tpu.vector_load %arg8[%get3A_2250] {strides = array<i32>} : memref<3328xf32, #tpu.memory_space<vmem>>, vector<16xf32>,
    %add3A_2252 = arith.addf %add3A_2249, %get3A_2251 : vector<16xf32>
    %swap3A_2253 = arith.constant 32 : index
    %swap3A_2254 = tpu.vector_load %arg9[%swap3A_2253] {strides = array<i32>} : memref<128xf32, #tpu.memory_space<vmem>>, vector<16xf32>,
    tpu.vector_store %arg9[%swap3A_2253], %add3A_2252 {strides = array<i32>} : memref<128xf32, #tpu.memory_space<vmem>>, vector<16xf32>,
    %get3A_2255 = arith.constant 48 : index
    %get3A_2256 = tpu.vector_load %arg9[%get3A_2255] {strides = array<i32>} : memref<128xf32, #tpu.memory_space<vmem>>, vector<16xf32>,
    %get3A_2257 = arith.constant 1072 : index
    %get3A_2258 = tpu.vector_load %arg8[%get3A_2257] {strides = array<i32>} : memref<3328xf32, #tpu.memory_space<vmem>>, vector<16xf32>,
    %add3A_2259 = arith.addf %get3A_2256, %get3A_2258 : vector<16xf32>
    %get3A_2260 = arith.constant 1200 : index
    %get3A_2261 = tpu.vector_load %arg8[%get3A_2260] {strides = array<i32>} : memref<3328xf32, #tpu.memory_space<vmem>>, vector<16xf32>,
    %add3A_2262 = arith.addf %add3A_2259, %get3A_2261 : vector<16xf32>
    %get3A_2263 = arith.constant 1328 : index
    %get3A_2264 = tpu.vector_load %arg8[%get3A_2263] {strides = array<i32>} : memref<3328xf32, #tpu.memory_space<vmem>>, vector<16xf32>,
    %add3A_2265 = arith.addf %add3A_2262, %get3A_2264 : vector<16xf32>
    %get3A_2266 = arith.constant 1456 : index
    %get3A_2267 = tpu.vector_load %arg8[%get3A_2266] {strides = array<i32>} : memref<3328xf32, #tpu.memory_space<vmem>>, vector<16xf32>,
    %add3A_2268 = arith.addf %add3A_2265, %get3A_2267 : vector<16xf32>
    %get3A_2269 = arith.constant 1584 : index
    %get3A_2270 = tpu.vector_load %arg8[%get3A_2269] {strides = array<i32>} : memref<3328xf32, #tpu.memory_space<vmem>>, vector<16xf32>,
    %add3A_2271 = arith.addf %add3A_2268, %get3A_2270 : vector<16xf32>
    %get3A_2272 = arith.constant 1712 : index
    %get3A_2273 = tpu.vector_load %arg8[%get3A_2272] {strides = array<i32>} : memref<3328xf32, #tpu.memory_space<vmem>>, vector<16xf32>,
    %add3A_2274 = arith.addf %add3A_2271, %get3A_2273 : vector<16xf32>
    %get3A_2275 = arith.constant 1840 : index
    %get3A_2276 = tpu.vector_load %arg8[%get3A_2275] {strides = array<i32>} : memref<3328xf32, #tpu.memory_space<vmem>>, vector<16xf32>,
    %add3A_2277 = arith.addf %add3A_2274, %get3A_2276 : vector<16xf32>
    %get3A_2278 = arith.constant 1968 : index
    %get3A_2279 = tpu.vector_load %arg8[%get3A_2278] {strides = array<i32>} : memref<3328xf32, #tpu.memory_space<vmem>>, vector<16xf32>,
    %add3A_2280 = arith.addf %add3A_2277, %get3A_2279 : vector<16xf32>
    %swap3A_2281 = arith.constant 48 : index
    %swap3A_2282 = tpu.vector_load %arg9[%swap3A_2281] {strides = array<i32>} : memref<128xf32, #tpu.memory_space<vmem>>, vector<16xf32>,
    tpu.vector_store %arg9[%swap3A_2281], %add3A_2280 {strides = array<i32>} : memref<128xf32, #tpu.memory_space<vmem>>, vector<16xf32>,
    %get3A_2283 = arith.constant 64 : index
    %get3A_2284 = tpu.vector_load %arg9[%get3A_2283] {strides = array<i32>} : memref<128xf32, #tpu.memory_space<vmem>>, vector<16xf32>,
    %get3A_2285 = arith.constant 1088 : index
    %get3A_2286 = tpu.vector_load %arg8[%get3A_2285] {strides = array<i32>} : memref<3328xf32, #tpu.memory_space<vmem>>, vector<16xf32>,
    %add3A_2287 = arith.addf %get3A_2284, %get3A_2286 : vector<16xf32>
    %get3A_2288 = arith.constant 1216 : index
    %get3A_2289 = tpu.vector_load %arg8[%get3A_2288] {strides = array<i32>} : memref<3328xf32, #tpu.memory_space<vmem>>, vector<16xf32>,
    %add3A_2290 = arith.addf %add3A_2287, %get3A_2289 : vector<16xf32>
    %get3A_2291 = arith.constant 1344 : index
    %get3A_2292 = tpu.vector_load %arg8[%get3A_2291] {strides = array<i32>} : memref<3328xf32, #tpu.memory_space<vmem>>, vector<16xf32>,
    %add3A_2293 = arith.addf %add3A_2290, %get3A_2292 : vector<16xf32>
    %get3A_2294 = arith.constant 1472 : index
    %get3A_2295 = tpu.vector_load %arg8[%get3A_2294] {strides = array<i32>} : memref<3328xf32, #tpu.memory_space<vmem>>, vector<16xf32>,
    %add3A_2296 = arith.addf %add3A_2293, %get3A_2295 : vector<16xf32>
    %get3A_2297 = arith.constant 1600 : index
    %get3A_2298 = tpu.vector_load %arg8[%get3A_2297] {strides = array<i32>} : memref<3328xf32, #tpu.memory_space<vmem>>, vector<16xf32>,
    %add3A_2299 = arith.addf %add3A_2296, %get3A_2298 : vector<16xf32>
    %get3A_2300 = arith.constant 1728 : index
    %get3A_2301 = tpu.vector_load %arg8[%get3A_2300] {strides = array<i32>} : memref<3328xf32, #tpu.memory_space<vmem>>, vector<16xf32>,
    %add3A_2302 = arith.addf %add3A_2299, %get3A_2301 : vector<16xf32>
    %get3A_2303 = arith.constant 1856 : index
    %get3A_2304 = tpu.vector_load %arg8[%get3A_2303] {strides = array<i32>} : memref<3328xf32, #tpu.memory_space<vmem>>, vector<16xf32>,
    %add3A_2305 = arith.addf %add3A_2302, %get3A_2304 : vector<16xf32>
    %get3A_2306 = arith.constant 1984 : index
    %get3A_2307 = tpu.vector_load %arg8[%get3A_2306] {strides = array<i32>} : memref<3328xf32, #tpu.memory_space<vmem>>, vector<16xf32>,
    %add3A_2308 = arith.addf %add3A_2305, %get3A_2307 : vector<16xf32>
    %swap3A_2309 = arith.constant 64 : index
    %swap3A_2310 = tpu.vector_load %arg9[%swap3A_2309] {strides = array<i32>} : memref<128xf32, #tpu.memory_space<vmem>>, vector<16xf32>,
    tpu.vector_store %arg9[%swap3A_2309], %add3A_2308 {strides = array<i32>} : memref<128xf32, #tpu.memory_space<vmem>>, vector<16xf32>,
    %get3A_2311 = arith.constant 80 : index
    %get3A_2312 = tpu.vector_load %arg9[%get3A_2311] {strides = array<i32>} : memref<128xf32, #tpu.memory_space<vmem>>, vector<16xf32>,
    %get3A_2313 = arith.constant 1104 : index
    %get3A_2314 = tpu.vector_load %arg8[%get3A_2313] {strides = array<i32>} : memref<3328xf32, #tpu.memory_space<vmem>>, vector<16xf32>,
    %add3A_2315 = arith.addf %get3A_2312, %get3A_2314 : vector<16xf32>
    %get3A_2316 = arith.constant 1232 : index
    %get3A_2317 = tpu.vector_load %arg8[%get3A_2316] {strides = array<i32>} : memref<3328xf32, #tpu.memory_space<vmem>>, vector<16xf32>,
    %add3A_2318 = arith.addf %add3A_2315, %get3A_2317 : vector<16xf32>
    %get3A_2319 = arith.constant 1360 : index
    %get3A_2320 = tpu.vector_load %arg8[%get3A_2319] {strides = array<i32>} : memref<3328xf32, #tpu.memory_space<vmem>>, vector<16xf32>,
    %add3A_2321 = arith.addf %add3A_2318, %get3A_2320 : vector<16xf32>
    %get3A_2322 = arith.constant 1488 : index
    %get3A_2323 = tpu.vector_load %arg8[%get3A_2322] {strides = array<i32>} : memref<3328xf32, #tpu.memory_space<vmem>>, vector<16xf32>,
    %add3A_2324 = arith.addf %add3A_2321, %get3A_2323 : vector<16xf32>
    %get3A_2325 = arith.constant 1616 : index
    %get3A_2326 = tpu.vector_load %arg8[%get3A_2325] {strides = array<i32>} : memref<3328xf32, #tpu.memory_space<vmem>>, vector<16xf32>,
    %add3A_2327 = arith.addf %add3A_2324, %get3A_2326 : vector<16xf32>
    %get3A_2328 = arith.constant 1744 : index
    %get3A_2329 = tpu.vector_load %arg8[%get3A_2328] {strides = array<i32>} : memref<3328xf32, #tpu.memory_space<vmem>>, vector<16xf32>,
    %add3A_2330 = arith.addf %add3A_2327, %get3A_2329 : vector<16xf32>
    %get3A_2331 = arith.constant 1872 : index
    %get3A_2332 = tpu.vector_load %arg8[%get3A_2331] {strides = array<i32>} : memref<3328xf32, #tpu.memory_space<vmem>>, vector<16xf32>,
    %add3A_2333 = arith.addf %add3A_2330, %get3A_2332 : vector<16xf32>
    %get3A_2334 = arith.constant 2000 : index
    %get3A_2335 = tpu.vector_load %arg8[%get3A_2334] {strides = array<i32>} : memref<3328xf32, #tpu.memory_space<vmem>>, vector<16xf32>,
    %add3A_2336 = arith.addf %add3A_2333, %get3A_2335 : vector<16xf32>
    %swap3A_2337 = arith.constant 80 : index
    %swap3A_2338 = tpu.vector_load %arg9[%swap3A_2337] {strides = array<i32>} : memref<128xf32, #tpu.memory_space<vmem>>, vector<16xf32>,
    tpu.vector_store %arg9[%swap3A_2337], %add3A_2336 {strides = array<i32>} : memref<128xf32, #tpu.memory_space<vmem>>, vector<16xf32>,
    %get3A_2339 = arith.constant 96 : index
    %get3A_2340 = tpu.vector_load %arg9[%get3A_2339] {strides = array<i32>} : memref<128xf32, #tpu.memory_space<vmem>>, vector<16xf32>,
    %get3A_2341 = arith.constant 1120 : index
    %get3A_2342 = tpu.vector_load %arg8[%get3A_2341] {strides = array<i32>} : memref<3328xf32, #tpu.memory_space<vmem>>, vector<16xf32>,
    %add3A_2343 = arith.addf %get3A_2340, %get3A_2342 : vector<16xf32>
    %get3A_2344 = arith.constant 1248 : index
    %get3A_2345 = tpu.vector_load %arg8[%get3A_2344] {strides = array<i32>} : memref<3328xf32, #tpu.memory_space<vmem>>, vector<16xf32>,
    %add3A_2346 = arith.addf %add3A_2343, %get3A_2345 : vector<16xf32>
    %get3A_2347 = arith.constant 1376 : index
    %get3A_2348 = tpu.vector_load %arg8[%get3A_2347] {strides = array<i32>} : memref<3328xf32, #tpu.memory_space<vmem>>, vector<16xf32>,
    %add3A_2349 = arith.addf %add3A_2346, %get3A_2348 : vector<16xf32>
    %get3A_2350 = arith.constant 1504 : index
    %get3A_2351 = tpu.vector_load %arg8[%get3A_2350] {strides = array<i32>} : memref<3328xf32, #tpu.memory_space<vmem>>, vector<16xf32>,
    %add3A_2352 = arith.addf %add3A_2349, %get3A_2351 : vector<16xf32>
    %get3A_2353 = arith.constant 1632 : index
    %get3A_2354 = tpu.vector_load %arg8[%get3A_2353] {strides = array<i32>} : memref<3328xf32, #tpu.memory_space<vmem>>, vector<16xf32>,
    %add3A_2355 = arith.addf %add3A_2352, %get3A_2354 : vector<16xf32>
    %get3A_2356 = arith.constant 1760 : index
    %get3A_2357 = tpu.vector_load %arg8[%get3A_2356] {strides = array<i32>} : memref<3328xf32, #tpu.memory_space<vmem>>, vector<16xf32>,
    %add3A_2358 = arith.addf %add3A_2355, %get3A_2357 : vector<16xf32>
    %get3A_2359 = arith.constant 1888 : index
    %get3A_2360 = tpu.vector_load %arg8[%get3A_2359] {strides = array<i32>} : memref<3328xf32, #tpu.memory_space<vmem>>, vector<16xf32>,
    %add3A_2361 = arith.addf %add3A_2358, %get3A_2360 : vector<16xf32>
    %get3A_2362 = arith.constant 2016 : index
    %get3A_2363 = tpu.vector_load %arg8[%get3A_2362] {strides = array<i32>} : memref<3328xf32, #tpu.memory_space<vmem>>, vector<16xf32>,
    %add3A_2364 = arith.addf %add3A_2361, %get3A_2363 : vector<16xf32>
    %swap3A_2365 = arith.constant 96 : index
    %swap3A_2366 = tpu.vector_load %arg9[%swap3A_2365] {strides = array<i32>} : memref<128xf32, #tpu.memory_space<vmem>>, vector<16xf32>,
    tpu.vector_store %arg9[%swap3A_2365], %add3A_2364 {strides = array<i32>} : memref<128xf32, #tpu.memory_space<vmem>>, vector<16xf32>,
    %get3A_2367 = arith.constant 112 : index
    %get3A_2368 = tpu.vector_load %arg9[%get3A_2367] {strides = array<i32>} : memref<128xf32, #tpu.memory_space<vmem>>, vector<16xf32>,
    %get3A_2369 = arith.constant 1136 : index
    %get3A_2370 = tpu.vector_load %arg8[%get3A_2369] {strides = array<i32>} : memref<3328xf32, #tpu.memory_space<vmem>>, vector<16xf32>,
    %add3A_2371 = arith.addf %get3A_2368, %get3A_2370 : vector<16xf32>
    %get3A_2372 = arith.constant 1264 : index
    %get3A_2373 = tpu.vector_load %arg8[%get3A_2372] {strides = array<i32>} : memref<3328xf32, #tpu.memory_space<vmem>>, vector<16xf32>,
    %add3A_2374 = arith.addf %add3A_2371, %get3A_2373 : vector<16xf32>
    %get3A_2375 = arith.constant 1392 : index
    %get3A_2376 = tpu.vector_load %arg8[%get3A_2375] {strides = array<i32>} : memref<3328xf32, #tpu.memory_space<vmem>>, vector<16xf32>,
    %add3A_2377 = arith.addf %add3A_2374, %get3A_2376 : vector<16xf32>
    %get3A_2378 = arith.constant 1520 : index
    %get3A_2379 = tpu.vector_load %arg8[%get3A_2378] {strides = array<i32>} : memref<3328xf32, #tpu.memory_space<vmem>>, vector<16xf32>,
    %add3A_2380 = arith.addf %add3A_2377, %get3A_2379 : vector<16xf32>
    %get3A_2381 = arith.constant 1648 : index
    %get3A_2382 = tpu.vector_load %arg8[%get3A_2381] {strides = array<i32>} : memref<3328xf32, #tpu.memory_space<vmem>>, vector<16xf32>,
    %add3A_2383 = arith.addf %add3A_2380, %get3A_2382 : vector<16xf32>
    %get3A_2384 = arith.constant 1776 : index
    %get3A_2385 = tpu.vector_load %arg8[%get3A_2384] {strides = array<i32>} : memref<3328xf32, #tpu.memory_space<vmem>>, vector<16xf32>,
    %add3A_2386 = arith.addf %add3A_2383, %get3A_2385 : vector<16xf32>
    %get3A_2387 = arith.constant 1904 : index
    %get3A_2388 = tpu.vector_load %arg8[%get3A_2387] {strides = array<i32>} : memref<3328xf32, #tpu.memory_space<vmem>>, vector<16xf32>,
    %add3A_2389 = arith.addf %add3A_2386, %get3A_2388 : vector<16xf32>
    %get3A_2390 = arith.constant 2032 : index
    %get3A_2391 = tpu.vector_load %arg8[%get3A_2390] {strides = array<i32>} : memref<3328xf32, #tpu.memory_space<vmem>>, vector<16xf32>,
    %add3A_2392 = arith.addf %add3A_2389, %get3A_2391 : vector<16xf32>
    %swap3A_2393 = arith.constant 112 : index
    %swap3A_2394 = tpu.vector_load %arg9[%swap3A_2393] {strides = array<i32>} : memref<128xf32, #tpu.memory_space<vmem>>, vector<16xf32>,
    tpu.vector_store %arg9[%swap3A_2393], %add3A_2392 {strides = array<i32>} : memref<128xf32, #tpu.memory_space<vmem>>, vector<16xf32>,
    %dma_wait3A_2395 = arith.constant 0 : i32
    %dma_wait3A_2396 = arith.constant 2048 : i32
    %dma_wait3A_2397 = tpu.memref_slice %arg8[%dma_wait3A_2396] : memref<3328xf32, #tpu.memory_space<vmem>> -> memref<1280xf32, #tpu.memory_space<vmem>>
    %dma_wait3A_2398 = arith.constant 2048 : i32
    %dma_wait3A_2399 = tpu.memref_slice %arg7[%dma_wait3A_2398] : memref<3328xi32, #tpu.memory_space<vmem>> -> memref<1280xi32, #tpu.memory_space<vmem>>
    %dma_wait3A_2400 = arith.constant 0 : i32
    %dma_wait3A_2401 = tpu.memref_slice %arg3[%dma_wait3A_2395, %dma_wait3A_2400] : memref<1x2600000xf32, #tpu.memory_space<hbm>> -> memref<1x2600000xf32, #tpu.memory_space<hbm>>
    %dma_wait3A_2402 = tpu.memref_squeeze %dma_wait3A_2401 : memref<1x2600000xf32, #tpu.memory_space<hbm>> -> memref<2600000xf32, #tpu.memory_space<hbm>>
    %dma_wait3A_2403 = arith.constant 0 : i32
    %dma_wait3A_2404 = tpu.memref_slice %dma_wait3A_2402[%dma_wait3A_2403] : memref<2600000xf32, #tpu.memory_space<hbm>> -> memref<2600000xf32, #tpu.memory_space<hbm>>
    tpu.wait_indirect_dma semaphore(%arg15 : memref<!tpu.dma_semaphore, #tpu.memory_space<semaphore_mem>>) src(%dma_wait3A_2404 : memref<2600000xf32, #tpu.memory_space<hbm>>) dst(%dma_wait3A_2397 : memref<1280xf32, #tpu.memory_space<vmem>>)
    %get3A_2405 = arith.constant 0 : index
    %get3A_2406 = tpu.vector_load %arg9[%get3A_2405] {strides = array<i32>} : memref<128xf32, #tpu.memory_space<vmem>>, vector<16xf32>,
    %get3A_2407 = arith.constant 2048 : index
    %get3A_2408 = tpu.vector_load %arg8[%get3A_2407] {strides = array<i32>} : memref<3328xf32, #tpu.memory_space<vmem>>, vector<16xf32>,
    %add3A_2409 = arith.addf %get3A_2406, %get3A_2408 : vector<16xf32>
    %get3A_2410 = arith.constant 2176 : index
    %get3A_2411 = tpu.vector_load %arg8[%get3A_2410] {strides = array<i32>} : memref<3328xf32, #tpu.memory_space<vmem>>, vector<16xf32>,
    %add3A_2412 = arith.addf %add3A_2409, %get3A_2411 : vector<16xf32>
    %get3A_2413 = arith.constant 2304 : index
    %get3A_2414 = tpu.vector_load %arg8[%get3A_2413] {strides = array<i32>} : memref<3328xf32, #tpu.memory_space<vmem>>, vector<16xf32>,
    %add3A_2415 = arith.addf %add3A_2412, %get3A_2414 : vector<16xf32>
    %get3A_2416 = arith.constant 2432 : index
    %get3A_2417 = tpu.vector_load %arg8[%get3A_2416] {strides = array<i32>} : memref<3328xf32, #tpu.memory_space<vmem>>, vector<16xf32>,
    %add3A_2418 = arith.addf %add3A_2415, %get3A_2417 : vector<16xf32>
    %get3A_2419 = arith.constant 2560 : index
    %get3A_2420 = tpu.vector_load %arg8[%get3A_2419] {strides = array<i32>} : memref<3328xf32, #tpu.memory_space<vmem>>, vector<16xf32>,
    %add3A_2421 = arith.addf %add3A_2418, %get3A_2420 : vector<16xf32>
    %get3A_2422 = arith.constant 2688 : index
    %get3A_2423 = tpu.vector_load %arg8[%get3A_2422] {strides = array<i32>} : memref<3328xf32, #tpu.memory_space<vmem>>, vector<16xf32>,
    %add3A_2424 = arith.addf %add3A_2421, %get3A_2423 : vector<16xf32>
    %get3A_2425 = arith.constant 2816 : index
    %get3A_2426 = tpu.vector_load %arg8[%get3A_2425] {strides = array<i32>} : memref<3328xf32, #tpu.memory_space<vmem>>, vector<16xf32>,
    %add3A_2427 = arith.addf %add3A_2424, %get3A_2426 : vector<16xf32>
    %get3A_2428 = arith.constant 2944 : index
    %get3A_2429 = tpu.vector_load %arg8[%get3A_2428] {strides = array<i32>} : memref<3328xf32, #tpu.memory_space<vmem>>, vector<16xf32>,
    %add3A_2430 = arith.addf %add3A_2427, %get3A_2429 : vector<16xf32>
    %get3A_2431 = arith.constant 3072 : index
    %get3A_2432 = tpu.vector_load %arg8[%get3A_2431] {strides = array<i32>} : memref<3328xf32, #tpu.memory_space<vmem>>, vector<16xf32>,
    %add3A_2433 = arith.addf %add3A_2430, %get3A_2432 : vector<16xf32>
    %get3A_2434 = arith.constant 3200 : index
    %get3A_2435 = tpu.vector_load %arg8[%get3A_2434] {strides = array<i32>} : memref<3328xf32, #tpu.memory_space<vmem>>, vector<16xf32>,
    %add3A_2436 = arith.addf %add3A_2433, %get3A_2435 : vector<16xf32>
    %swap3A_2437 = arith.constant 0 : index
    %swap3A_2438 = tpu.vector_load %arg9[%swap3A_2437] {strides = array<i32>} : memref<128xf32, #tpu.memory_space<vmem>>, vector<16xf32>,
    tpu.vector_store %arg9[%swap3A_2437], %add3A_2436 {strides = array<i32>} : memref<128xf32, #tpu.memory_space<vmem>>, vector<16xf32>,
    %get3A_2439 = arith.constant 16 : index
    %get3A_2440 = tpu.vector_load %arg9[%get3A_2439] {strides = array<i32>} : memref<128xf32, #tpu.memory_space<vmem>>, vector<16xf32>,
    %get3A_2441 = arith.constant 2064 : index
    %get3A_2442 = tpu.vector_load %arg8[%get3A_2441] {strides = array<i32>} : memref<3328xf32, #tpu.memory_space<vmem>>, vector<16xf32>,
    %add3A_2443 = arith.addf %get3A_2440, %get3A_2442 : vector<16xf32>
    %get3A_2444 = arith.constant 2192 : index
    %get3A_2445 = tpu.vector_load %arg8[%get3A_2444] {strides = array<i32>} : memref<3328xf32, #tpu.memory_space<vmem>>, vector<16xf32>,
    %add3A_2446 = arith.addf %add3A_2443, %get3A_2445 : vector<16xf32>
    %get3A_2447 = arith.constant 2320 : index
    %get3A_2448 = tpu.vector_load %arg8[%get3A_2447] {strides = array<i32>} : memref<3328xf32, #tpu.memory_space<vmem>>, vector<16xf32>,
    %add3A_2449 = arith.addf %add3A_2446, %get3A_2448 : vector<16xf32>
    %get3A_2450 = arith.constant 2448 : index
    %get3A_2451 = tpu.vector_load %arg8[%get3A_2450] {strides = array<i32>} : memref<3328xf32, #tpu.memory_space<vmem>>, vector<16xf32>,
    %add3A_2452 = arith.addf %add3A_2449, %get3A_2451 : vector<16xf32>
    %get3A_2453 = arith.constant 2576 : index
    %get3A_2454 = tpu.vector_load %arg8[%get3A_2453] {strides = array<i32>} : memref<3328xf32, #tpu.memory_space<vmem>>, vector<16xf32>,
    %add3A_2455 = arith.addf %add3A_2452, %get3A_2454 : vector<16xf32>
    %get3A_2456 = arith.constant 2704 : index
    %get3A_2457 = tpu.vector_load %arg8[%get3A_2456] {strides = array<i32>} : memref<3328xf32, #tpu.memory_space<vmem>>, vector<16xf32>,
    %add3A_2458 = arith.addf %add3A_2455, %get3A_2457 : vector<16xf32>
    %get3A_2459 = arith.constant 2832 : index
    %get3A_2460 = tpu.vector_load %arg8[%get3A_2459] {strides = array<i32>} : memref<3328xf32, #tpu.memory_space<vmem>>, vector<16xf32>,
    %add3A_2461 = arith.addf %add3A_2458, %get3A_2460 : vector<16xf32>
    %get3A_2462 = arith.constant 2960 : index
    %get3A_2463 = tpu.vector_load %arg8[%get3A_2462] {strides = array<i32>} : memref<3328xf32, #tpu.memory_space<vmem>>, vector<16xf32>,
    %add3A_2464 = arith.addf %add3A_2461, %get3A_2463 : vector<16xf32>
    %get3A_2465 = arith.constant 3088 : index
    %get3A_2466 = tpu.vector_load %arg8[%get3A_2465] {strides = array<i32>} : memref<3328xf32, #tpu.memory_space<vmem>>, vector<16xf32>,
    %add3A_2467 = arith.addf %add3A_2464, %get3A_2466 : vector<16xf32>
    %get3A_2468 = arith.constant 3216 : index
    %get3A_2469 = tpu.vector_load %arg8[%get3A_2468] {strides = array<i32>} : memref<3328xf32, #tpu.memory_space<vmem>>, vector<16xf32>,
    %add3A_2470 = arith.addf %add3A_2467, %get3A_2469 : vector<16xf32>
    %swap3A_2471 = arith.constant 16 : index
    %swap3A_2472 = tpu.vector_load %arg9[%swap3A_2471] {strides = array<i32>} : memref<128xf32, #tpu.memory_space<vmem>>, vector<16xf32>,
    tpu.vector_store %arg9[%swap3A_2471], %add3A_2470 {strides = array<i32>} : memref<128xf32, #tpu.memory_space<vmem>>, vector<16xf32>,
    %get3A_2473 = arith.constant 32 : index
    %get3A_2474 = tpu.vector_load %arg9[%get3A_2473] {strides = array<i32>} : memref<128xf32, #tpu.memory_space<vmem>>, vector<16xf32>,
    %get3A_2475 = arith.constant 2080 : index
    %get3A_2476 = tpu.vector_load %arg8[%get3A_2475] {strides = array<i32>} : memref<3328xf32, #tpu.memory_space<vmem>>, vector<16xf32>,
    %add3A_2477 = arith.addf %get3A_2474, %get3A_2476 : vector<16xf32>
    %get3A_2478 = arith.constant 2208 : index
    %get3A_2479 = tpu.vector_load %arg8[%get3A_2478] {strides = array<i32>} : memref<3328xf32, #tpu.memory_space<vmem>>, vector<16xf32>,
    %add3A_2480 = arith.addf %add3A_2477, %get3A_2479 : vector<16xf32>
    %get3A_2481 = arith.constant 2336 : index
    %get3A_2482 = tpu.vector_load %arg8[%get3A_2481] {strides = array<i32>} : memref<3328xf32, #tpu.memory_space<vmem>>, vector<16xf32>,
    %add3A_2483 = arith.addf %add3A_2480, %get3A_2482 : vector<16xf32>
    %get3A_2484 = arith.constant 2464 : index
    %get3A_2485 = tpu.vector_load %arg8[%get3A_2484] {strides = array<i32>} : memref<3328xf32, #tpu.memory_space<vmem>>, vector<16xf32>,
    %add3A_2486 = arith.addf %add3A_2483, %get3A_2485 : vector<16xf32>
    %get3A_2487 = arith.constant 2592 : index
    %get3A_2488 = tpu.vector_load %arg8[%get3A_2487] {strides = array<i32>} : memref<3328xf32, #tpu.memory_space<vmem>>, vector<16xf32>,
    %add3A_2489 = arith.addf %add3A_2486, %get3A_2488 : vector<16xf32>
    %get3A_2490 = arith.constant 2720 : index
    %get3A_2491 = tpu.vector_load %arg8[%get3A_2490] {strides = array<i32>} : memref<3328xf32, #tpu.memory_space<vmem>>, vector<16xf32>,
    %add3A_2492 = arith.addf %add3A_2489, %get3A_2491 : vector<16xf32>
    %get3A_2493 = arith.constant 2848 : index
    %get3A_2494 = tpu.vector_load %arg8[%get3A_2493] {strides = array<i32>} : memref<3328xf32, #tpu.memory_space<vmem>>, vector<16xf32>,
    %add3A_2495 = arith.addf %add3A_2492, %get3A_2494 : vector<16xf32>
    %get3A_2496 = arith.constant 2976 : index
    %get3A_2497 = tpu.vector_load %arg8[%get3A_2496] {strides = array<i32>} : memref<3328xf32, #tpu.memory_space<vmem>>, vector<16xf32>,
    %add3A_2498 = arith.addf %add3A_2495, %get3A_2497 : vector<16xf32>
    %get3A_2499 = arith.constant 3104 : index
    %get3A_2500 = tpu.vector_load %arg8[%get3A_2499] {strides = array<i32>} : memref<3328xf32, #tpu.memory_space<vmem>>, vector<16xf32>,
    %add3A_2501 = arith.addf %add3A_2498, %get3A_2500 : vector<16xf32>
    %get3A_2502 = arith.constant 3232 : index
    %get3A_2503 = tpu.vector_load %arg8[%get3A_2502] {strides = array<i32>} : memref<3328xf32, #tpu.memory_space<vmem>>, vector<16xf32>,
    %add3A_2504 = arith.addf %add3A_2501, %get3A_2503 : vector<16xf32>
    %swap3A_2505 = arith.constant 32 : index
    %swap3A_2506 = tpu.vector_load %arg9[%swap3A_2505] {strides = array<i32>} : memref<128xf32, #tpu.memory_space<vmem>>, vector<16xf32>,
    tpu.vector_store %arg9[%swap3A_2505], %add3A_2504 {strides = array<i32>} : memref<128xf32, #tpu.memory_space<vmem>>, vector<16xf32>,
    %get3A_2507 = arith.constant 48 : index
    %get3A_2508 = tpu.vector_load %arg9[%get3A_2507] {strides = array<i32>} : memref<128xf32, #tpu.memory_space<vmem>>, vector<16xf32>,
    %get3A_2509 = arith.constant 2096 : index
    %get3A_2510 = tpu.vector_load %arg8[%get3A_2509] {strides = array<i32>} : memref<3328xf32, #tpu.memory_space<vmem>>, vector<16xf32>,
    %add3A_2511 = arith.addf %get3A_2508, %get3A_2510 : vector<16xf32>
    %get3A_2512 = arith.constant 2224 : index
    %get3A_2513 = tpu.vector_load %arg8[%get3A_2512] {strides = array<i32>} : memref<3328xf32, #tpu.memory_space<vmem>>, vector<16xf32>,
    %add3A_2514 = arith.addf %add3A_2511, %get3A_2513 : vector<16xf32>
    %get3A_2515 = arith.constant 2352 : index
    %get3A_2516 = tpu.vector_load %arg8[%get3A_2515] {strides = array<i32>} : memref<3328xf32, #tpu.memory_space<vmem>>, vector<16xf32>,
    %add3A_2517 = arith.addf %add3A_2514, %get3A_2516 : vector<16xf32>
    %get3A_2518 = arith.constant 2480 : index
    %get3A_2519 = tpu.vector_load %arg8[%get3A_2518] {strides = array<i32>} : memref<3328xf32, #tpu.memory_space<vmem>>, vector<16xf32>,
    %add3A_2520 = arith.addf %add3A_2517, %get3A_2519 : vector<16xf32>
    %get3A_2521 = arith.constant 2608 : index
    %get3A_2522 = tpu.vector_load %arg8[%get3A_2521] {strides = array<i32>} : memref<3328xf32, #tpu.memory_space<vmem>>, vector<16xf32>,
    %add3A_2523 = arith.addf %add3A_2520, %get3A_2522 : vector<16xf32>
    %get3A_2524 = arith.constant 2736 : index
    %get3A_2525 = tpu.vector_load %arg8[%get3A_2524] {strides = array<i32>} : memref<3328xf32, #tpu.memory_space<vmem>>, vector<16xf32>,
    %add3A_2526 = arith.addf %add3A_2523, %get3A_2525 : vector<16xf32>
    %get3A_2527 = arith.constant 2864 : index
    %get3A_2528 = tpu.vector_load %arg8[%get3A_2527] {strides = array<i32>} : memref<3328xf32, #tpu.memory_space<vmem>>, vector<16xf32>,
    %add3A_2529 = arith.addf %add3A_2526, %get3A_2528 : vector<16xf32>
    %get3A_2530 = arith.constant 2992 : index
    %get3A_2531 = tpu.vector_load %arg8[%get3A_2530] {strides = array<i32>} : memref<3328xf32, #tpu.memory_space<vmem>>, vector<16xf32>,
    %add3A_2532 = arith.addf %add3A_2529, %get3A_2531 : vector<16xf32>
    %get3A_2533 = arith.constant 3120 : index
    %get3A_2534 = tpu.vector_load %arg8[%get3A_2533] {strides = array<i32>} : memref<3328xf32, #tpu.memory_space<vmem>>, vector<16xf32>,
    %add3A_2535 = arith.addf %add3A_2532, %get3A_2534 : vector<16xf32>
    %get3A_2536 = arith.constant 3248 : index
    %get3A_2537 = tpu.vector_load %arg8[%get3A_2536] {strides = array<i32>} : memref<3328xf32, #tpu.memory_space<vmem>>, vector<16xf32>,
    %add3A_2538 = arith.addf %add3A_2535, %get3A_2537 : vector<16xf32>
    %swap3A_2539 = arith.constant 48 : index
    %swap3A_2540 = tpu.vector_load %arg9[%swap3A_2539] {strides = array<i32>} : memref<128xf32, #tpu.memory_space<vmem>>, vector<16xf32>,
    tpu.vector_store %arg9[%swap3A_2539], %add3A_2538 {strides = array<i32>} : memref<128xf32, #tpu.memory_space<vmem>>, vector<16xf32>,
    %get3A_2541 = arith.constant 64 : index
    %get3A_2542 = tpu.vector_load %arg9[%get3A_2541] {strides = array<i32>} : memref<128xf32, #tpu.memory_space<vmem>>, vector<16xf32>,
    %get3A_2543 = arith.constant 2112 : index
    %get3A_2544 = tpu.vector_load %arg8[%get3A_2543] {strides = array<i32>} : memref<3328xf32, #tpu.memory_space<vmem>>, vector<16xf32>,
    %add3A_2545 = arith.addf %get3A_2542, %get3A_2544 : vector<16xf32>
    %get3A_2546 = arith.constant 2240 : index
    %get3A_2547 = tpu.vector_load %arg8[%get3A_2546] {strides = array<i32>} : memref<3328xf32, #tpu.memory_space<vmem>>, vector<16xf32>,
    %add3A_2548 = arith.addf %add3A_2545, %get3A_2547 : vector<16xf32>
    %get3A_2549 = arith.constant 2368 : index
    %get3A_2550 = tpu.vector_load %arg8[%get3A_2549] {strides = array<i32>} : memref<3328xf32, #tpu.memory_space<vmem>>, vector<16xf32>,
    %add3A_2551 = arith.addf %add3A_2548, %get3A_2550 : vector<16xf32>
    %get3A_2552 = arith.constant 2496 : index
    %get3A_2553 = tpu.vector_load %arg8[%get3A_2552] {strides = array<i32>} : memref<3328xf32, #tpu.memory_space<vmem>>, vector<16xf32>,
    %add3A_2554 = arith.addf %add3A_2551, %get3A_2553 : vector<16xf32>
    %get3A_2555 = arith.constant 2624 : index
    %get3A_2556 = tpu.vector_load %arg8[%get3A_2555] {strides = array<i32>} : memref<3328xf32, #tpu.memory_space<vmem>>, vector<16xf32>,
    %add3A_2557 = arith.addf %add3A_2554, %get3A_2556 : vector<16xf32>
    %get3A_2558 = arith.constant 2752 : index
    %get3A_2559 = tpu.vector_load %arg8[%get3A_2558] {strides = array<i32>} : memref<3328xf32, #tpu.memory_space<vmem>>, vector<16xf32>,
    %add3A_2560 = arith.addf %add3A_2557, %get3A_2559 : vector<16xf32>
    %get3A_2561 = arith.constant 2880 : index
    %get3A_2562 = tpu.vector_load %arg8[%get3A_2561] {strides = array<i32>} : memref<3328xf32, #tpu.memory_space<vmem>>, vector<16xf32>,
    %add3A_2563 = arith.addf %add3A_2560, %get3A_2562 : vector<16xf32>
    %get3A_2564 = arith.constant 3008 : index
    %get3A_2565 = tpu.vector_load %arg8[%get3A_2564] {strides = array<i32>} : memref<3328xf32, #tpu.memory_space<vmem>>, vector<16xf32>,
    %add3A_2566 = arith.addf %add3A_2563, %get3A_2565 : vector<16xf32>
    %get3A_2567 = arith.constant 3136 : index
    %get3A_2568 = tpu.vector_load %arg8[%get3A_2567] {strides = array<i32>} : memref<3328xf32, #tpu.memory_space<vmem>>, vector<16xf32>,
    %add3A_2569 = arith.addf %add3A_2566, %get3A_2568 : vector<16xf32>
    %get3A_2570 = arith.constant 3264 : index
    %get3A_2571 = tpu.vector_load %arg8[%get3A_2570] {strides = array<i32>} : memref<3328xf32, #tpu.memory_space<vmem>>, vector<16xf32>,
    %add3A_2572 = arith.addf %add3A_2569, %get3A_2571 : vector<16xf32>
    %swap3A_2573 = arith.constant 64 : index
    %swap3A_2574 = tpu.vector_load %arg9[%swap3A_2573] {strides = array<i32>} : memref<128xf32, #tpu.memory_space<vmem>>, vector<16xf32>,
    tpu.vector_store %arg9[%swap3A_2573], %add3A_2572 {strides = array<i32>} : memref<128xf32, #tpu.memory_space<vmem>>, vector<16xf32>,
    %get3A_2575 = arith.constant 80 : index
    %get3A_2576 = tpu.vector_load %arg9[%get3A_2575] {strides = array<i32>} : memref<128xf32, #tpu.memory_space<vmem>>, vector<16xf32>,
    %get3A_2577 = arith.constant 2128 : index
    %get3A_2578 = tpu.vector_load %arg8[%get3A_2577] {strides = array<i32>} : memref<3328xf32, #tpu.memory_space<vmem>>, vector<16xf32>,
    %add3A_2579 = arith.addf %get3A_2576, %get3A_2578 : vector<16xf32>
    %get3A_2580 = arith.constant 2256 : index
    %get3A_2581 = tpu.vector_load %arg8[%get3A_2580] {strides = array<i32>} : memref<3328xf32, #tpu.memory_space<vmem>>, vector<16xf32>,
    %add3A_2582 = arith.addf %add3A_2579, %get3A_2581 : vector<16xf32>
    %get3A_2583 = arith.constant 2384 : index
    %get3A_2584 = tpu.vector_load %arg8[%get3A_2583] {strides = array<i32>} : memref<3328xf32, #tpu.memory_space<vmem>>, vector<16xf32>,
    %add3A_2585 = arith.addf %add3A_2582, %get3A_2584 : vector<16xf32>
    %get3A_2586 = arith.constant 2512 : index
    %get3A_2587 = tpu.vector_load %arg8[%get3A_2586] {strides = array<i32>} : memref<3328xf32, #tpu.memory_space<vmem>>, vector<16xf32>,
    %add3A_2588 = arith.addf %add3A_2585, %get3A_2587 : vector<16xf32>
    %get3A_2589 = arith.constant 2640 : index
    %get3A_2590 = tpu.vector_load %arg8[%get3A_2589] {strides = array<i32>} : memref<3328xf32, #tpu.memory_space<vmem>>, vector<16xf32>,
    %add3A_2591 = arith.addf %add3A_2588, %get3A_2590 : vector<16xf32>
    %get3A_2592 = arith.constant 2768 : index
    %get3A_2593 = tpu.vector_load %arg8[%get3A_2592] {strides = array<i32>} : memref<3328xf32, #tpu.memory_space<vmem>>, vector<16xf32>,
    %add3A_2594 = arith.addf %add3A_2591, %get3A_2593 : vector<16xf32>
    %get3A_2595 = arith.constant 2896 : index
    %get3A_2596 = tpu.vector_load %arg8[%get3A_2595] {strides = array<i32>} : memref<3328xf32, #tpu.memory_space<vmem>>, vector<16xf32>,
    %add3A_2597 = arith.addf %add3A_2594, %get3A_2596 : vector<16xf32>
    %get3A_2598 = arith.constant 3024 : index
    %get3A_2599 = tpu.vector_load %arg8[%get3A_2598] {strides = array<i32>} : memref<3328xf32, #tpu.memory_space<vmem>>, vector<16xf32>,
    %add3A_2600 = arith.addf %add3A_2597, %get3A_2599 : vector<16xf32>
    %get3A_2601 = arith.constant 3152 : index
    %get3A_2602 = tpu.vector_load %arg8[%get3A_2601] {strides = array<i32>} : memref<3328xf32, #tpu.memory_space<vmem>>, vector<16xf32>,
    %add3A_2603 = arith.addf %add3A_2600, %get3A_2602 : vector<16xf32>
    %get3A_2604 = arith.constant 3280 : index
    %get3A_2605 = tpu.vector_load %arg8[%get3A_2604] {strides = array<i32>} : memref<3328xf32, #tpu.memory_space<vmem>>, vector<16xf32>,
    %add3A_2606 = arith.addf %add3A_2603, %get3A_2605 : vector<16xf32>
    %swap3A_2607 = arith.constant 80 : index
    %swap3A_2608 = tpu.vector_load %arg9[%swap3A_2607] {strides = array<i32>} : memref<128xf32, #tpu.memory_space<vmem>>, vector<16xf32>,
    tpu.vector_store %arg9[%swap3A_2607], %add3A_2606 {strides = array<i32>} : memref<128xf32, #tpu.memory_space<vmem>>, vector<16xf32>,
    %get3A_2609 = arith.constant 96 : index
    %get3A_2610 = tpu.vector_load %arg9[%get3A_2609] {strides = array<i32>} : memref<128xf32, #tpu.memory_space<vmem>>, vector<16xf32>,
    %get3A_2611 = arith.constant 2144 : index
    %get3A_2612 = tpu.vector_load %arg8[%get3A_2611] {strides = array<i32>} : memref<3328xf32, #tpu.memory_space<vmem>>, vector<16xf32>,
    %add3A_2613 = arith.addf %get3A_2610, %get3A_2612 : vector<16xf32>
    %get3A_2614 = arith.constant 2272 : index
    %get3A_2615 = tpu.vector_load %arg8[%get3A_2614] {strides = array<i32>} : memref<3328xf32, #tpu.memory_space<vmem>>, vector<16xf32>,
    %add3A_2616 = arith.addf %add3A_2613, %get3A_2615 : vector<16xf32>
    %get3A_2617 = arith.constant 2400 : index
    %get3A_2618 = tpu.vector_load %arg8[%get3A_2617] {strides = array<i32>} : memref<3328xf32, #tpu.memory_space<vmem>>, vector<16xf32>,
    %add3A_2619 = arith.addf %add3A_2616, %get3A_2618 : vector<16xf32>
    %get3A_2620 = arith.constant 2528 : index
    %get3A_2621 = tpu.vector_load %arg8[%get3A_2620] {strides = array<i32>} : memref<3328xf32, #tpu.memory_space<vmem>>, vector<16xf32>,
    %add3A_2622 = arith.addf %add3A_2619, %get3A_2621 : vector<16xf32>
    %get3A_2623 = arith.constant 2656 : index
    %get3A_2624 = tpu.vector_load %arg8[%get3A_2623] {strides = array<i32>} : memref<3328xf32, #tpu.memory_space<vmem>>, vector<16xf32>,
    %add3A_2625 = arith.addf %add3A_2622, %get3A_2624 : vector<16xf32>
    %get3A_2626 = arith.constant 2784 : index
    %get3A_2627 = tpu.vector_load %arg8[%get3A_2626] {strides = array<i32>} : memref<3328xf32, #tpu.memory_space<vmem>>, vector<16xf32>,
    %add3A_2628 = arith.addf %add3A_2625, %get3A_2627 : vector<16xf32>
    %get3A_2629 = arith.constant 2912 : index
    %get3A_2630 = tpu.vector_load %arg8[%get3A_2629] {strides = array<i32>} : memref<3328xf32, #tpu.memory_space<vmem>>, vector<16xf32>,
    %add3A_2631 = arith.addf %add3A_2628, %get3A_2630 : vector<16xf32>
    %get3A_2632 = arith.constant 3040 : index
    %get3A_2633 = tpu.vector_load %arg8[%get3A_2632] {strides = array<i32>} : memref<3328xf32, #tpu.memory_space<vmem>>, vector<16xf32>,
    %add3A_2634 = arith.addf %add3A_2631, %get3A_2633 : vector<16xf32>
    %get3A_2635 = arith.constant 3168 : index
    %get3A_2636 = tpu.vector_load %arg8[%get3A_2635] {strides = array<i32>} : memref<3328xf32, #tpu.memory_space<vmem>>, vector<16xf32>,
    %add3A_2637 = arith.addf %add3A_2634, %get3A_2636 : vector<16xf32>
    %get3A_2638 = arith.constant 3296 : index
    %get3A_2639 = tpu.vector_load %arg8[%get3A_2638] {strides = array<i32>} : memref<3328xf32, #tpu.memory_space<vmem>>, vector<16xf32>,
    %add3A_2640 = arith.addf %add3A_2637, %get3A_2639 : vector<16xf32>
    %swap3A_2641 = arith.constant 96 : index
    %swap3A_2642 = tpu.vector_load %arg9[%swap3A_2641] {strides = array<i32>} : memref<128xf32, #tpu.memory_space<vmem>>, vector<16xf32>,
    tpu.vector_store %arg9[%swap3A_2641], %add3A_2640 {strides = array<i32>} : memref<128xf32, #tpu.memory_space<vmem>>, vector<16xf32>,
    %get3A_2643 = arith.constant 112 : index
    %get3A_2644 = tpu.vector_load %arg9[%get3A_2643] {strides = array<i32>} : memref<128xf32, #tpu.memory_space<vmem>>, vector<16xf32>,
    %get3A_2645 = arith.constant 2160 : index
    %get3A_2646 = tpu.vector_load %arg8[%get3A_2645] {strides = array<i32>} : memref<3328xf32, #tpu.memory_space<vmem>>, vector<16xf32>,
    %add3A_2647 = arith.addf %get3A_2644, %get3A_2646 : vector<16xf32>
    %get3A_2648 = arith.constant 2288 : index
    %get3A_2649 = tpu.vector_load %arg8[%get3A_2648] {strides = array<i32>} : memref<3328xf32, #tpu.memory_space<vmem>>, vector<16xf32>,
    %add3A_2650 = arith.addf %add3A_2647, %get3A_2649 : vector<16xf32>
    %get3A_2651 = arith.constant 2416 : index
    %get3A_2652 = tpu.vector_load %arg8[%get3A_2651] {strides = array<i32>} : memref<3328xf32, #tpu.memory_space<vmem>>, vector<16xf32>,
    %add3A_2653 = arith.addf %add3A_2650, %get3A_2652 : vector<16xf32>
    %get3A_2654 = arith.constant 2544 : index
    %get3A_2655 = tpu.vector_load %arg8[%get3A_2654] {strides = array<i32>} : memref<3328xf32, #tpu.memory_space<vmem>>, vector<16xf32>,
    %add3A_2656 = arith.addf %add3A_2653, %get3A_2655 : vector<16xf32>
    %get3A_2657 = arith.constant 2672 : index
    %get3A_2658 = tpu.vector_load %arg8[%get3A_2657] {strides = array<i32>} : memref<3328xf32, #tpu.memory_space<vmem>>, vector<16xf32>,
    %add3A_2659 = arith.addf %add3A_2656, %get3A_2658 : vector<16xf32>
    %get3A_2660 = arith.constant 2800 : index
    %get3A_2661 = tpu.vector_load %arg8[%get3A_2660] {strides = array<i32>} : memref<3328xf32, #tpu.memory_space<vmem>>, vector<16xf32>,
    %add3A_2662 = arith.addf %add3A_2659, %get3A_2661 : vector<16xf32>
    %get3A_2663 = arith.constant 2928 : index
    %get3A_2664 = tpu.vector_load %arg8[%get3A_2663] {strides = array<i32>} : memref<3328xf32, #tpu.memory_space<vmem>>, vector<16xf32>,
    %add3A_2665 = arith.addf %add3A_2662, %get3A_2664 : vector<16xf32>
    %get3A_2666 = arith.constant 3056 : index
    %get3A_2667 = tpu.vector_load %arg8[%get3A_2666] {strides = array<i32>} : memref<3328xf32, #tpu.memory_space<vmem>>, vector<16xf32>,
    %add3A_2668 = arith.addf %add3A_2665, %get3A_2667 : vector<16xf32>
    %get3A_2669 = arith.constant 3184 : index
    %get3A_2670 = tpu.vector_load %arg8[%get3A_2669] {strides = array<i32>} : memref<3328xf32, #tpu.memory_space<vmem>>, vector<16xf32>,
    %add3A_2671 = arith.addf %add3A_2668, %get3A_2670 : vector<16xf32>
    %get3A_2672 = arith.constant 3312 : index
    %get3A_2673 = tpu.vector_load %arg8[%get3A_2672] {strides = array<i32>} : memref<3328xf32, #tpu.memory_space<vmem>>, vector<16xf32>,
    %add3A_2674 = arith.addf %add3A_2671, %get3A_2673 : vector<16xf32>
    %swap3A_2675 = arith.constant 112 : index
    %swap3A_2676 = tpu.vector_load %arg9[%swap3A_2675] {strides = array<i32>} : memref<128xf32, #tpu.memory_space<vmem>>, vector<16xf32>,
    tpu.vector_store %arg9[%swap3A_2675], %add3A_2674 {strides = array<i32>} : memref<128xf32, #tpu.memory_space<vmem>>, vector<16xf32>,
    "tpu.region"() ({
      %run_scoped3A = tpu.sem_alloc : memref<!tpu.dma_semaphore, #tpu.memory_space<semaphore_mem>>
      %dma_start3A_2677 = tpu.memref_slice %arg5[%mul3A_2] : memref<4096xf32, #tpu.memory_space<hbm>> -> memref<128xf32, #tpu.memory_space<hbm>>
      %dma_start3A_2678 = tpu.memref_slice %arg5[%mul3A_2] : memref<4096xf32, #tpu.memory_space<hbm>> -> memref<128xf32, #tpu.memory_space<hbm>>
      tpu.enqueue_dma source(%arg9 : memref<128xf32, #tpu.memory_space<vmem>>) target(%dma_start3A_2678 : memref<128xf32, #tpu.memory_space<hbm>>) target_semaphore(%run_scoped3A : memref<!tpu.dma_semaphore, #tpu.memory_space<semaphore_mem>>)
      %dma_wait3A_2679 = tpu.memref_slice %arg5[%mul3A_2] : memref<4096xf32, #tpu.memory_space<hbm>> -> memref<128xf32, #tpu.memory_space<hbm>>
      %dma_wait3A_2680 = tpu.memref_slice %arg5[%mul3A_2] : memref<4096xf32, #tpu.memory_space<hbm>> -> memref<128xf32, #tpu.memory_space<hbm>>
      tpu.wait_dma2 semaphore(%run_scoped3A : memref<!tpu.dma_semaphore, #tpu.memory_space<semaphore_mem>>) src(%arg9 : memref<128xf32, #tpu.memory_space<vmem>>) dst(%dma_wait3A_2680 : memref<128xf32, #tpu.memory_space<hbm>>)
      tpu.yield
    }) : () -> ()
    return
  }
}

</mosaic_0001>

<sc_bundles>
// kernel: kernel.3.cloned.1.call-start
scs
__scs_entry_jumppad:
0x0: {  	(pc) =	sbr.rel $0x88, $3  }
0x1: {  	(tag) =	ssettag $0x0;
	lr =	simm.s32 $0x1  }
0x2: {  	[smem:$0x3F9E] =	sst lr;
	_ =	strace $0xD0000000  }
0x3: {  	_ = 	snop  }
0x4: {  	_ = 	snop  }
0x5: {  	_ = 	snop  }
0x6: {  	_ = 	snop  }
0x7: {  	_ = 	snop  }
__scs_overlays_trampoline_lowered:
0x8: {  	[smem:$0x3FAD] =	sst s0  }
0x9: {  	[smem:$0x3FAE] =	sst s1  }
0xa: {  	[smem:$0x3FAF] =	sst s2  }
0xb: {  	[smem:$0x3FB0] =	sst s3  }
0xc: {  	[smem:$0x3FB1] =	sst s4  }
0xd: {  	[smem:$0x3FB2] =	sst s5  }
0xe: {  	[smem:$0x3FB3] =	sst s6  }
0xf: {  	[smem:$0x3FB4] =	sst s7  }
0x10: {  	[smem:$0x3FB5] =	sst s8  }
0x11: {  	[smem:$0x3FB6] =	sst s9;
	s0 =	simm.s32 @!p0 $0x0  }
0x12: {  	s1 =	sld [smem:$0x3F9C];
	s0 =	simm.s32 @p0 $0x1  }
0x13: {  	[smem:$0x3FB7] =	sst s0;
	s0 =	simm.s32 @!p1 $0x0  }
0x14: {  	s2 =	sld [smem:$0x3F9B];
	s0 =	simm.s32 @p1 $0x1  }
0x15: {  	[smem:$0x3FB8] =	sst s0;
	s0 =	simm.s32 @!p2 $0x0  }
0x16: {  	s3 =	sld [smem:$0x3FDB];
	s0 =	simm.s32 @p2 $0x1  }
0x17: {  	s4 =	simm.s32 $0x1BF5;
	[smem:$0x3FBA] =	sst s0  }
0x18: {  	s0 =	sld [smem:$0x3F9D];
	_ =	swait.ge [sflag:s4], $0x0  }
0x19: {  	s7 =	sld [smem:$0x3F9E]  }
0x1a: {  	s8 =	sadd.s32 $0xFFFFE003, lr  }
0x1b: {  	s9 =	sadd.s32 $0xFFFFFEF7, lr;
	s5 =	simm.s32 $0xFFFFFFFF;
	p2 =	slt.u32 s8, $0xFFFFF086  }
0x1c: {  	p1 =	slt.u32 s9, $0xF7A;
	s5 =	simm.s32 @!p2 $0x0  }
0x1d: {  	s5 =	simm.s32 @p1 $0x1;
	p0 =	seq.s32 s7, s2  }
0x1e: {  	s7 =	smul.u32 @!p0 $0xF7A, s2;
	p2 =	seq.s32 @!p0 s5, $0x0  }
0x1f: {  	s9 =	smul.u32 $0xF7A, s1;
	s8 =	simm.s32 @!p0 $0x1BF5;
	p2 =	por !p2, p0  }
0x20: {  	[sflag:s8] =	ssyncset.s32 @!p0 $0xFFFFF086;
	s6 =	sadd.s32 @!p0 s3, s7;
	s7 =	simm.s32 @!p0 $0x108  }
0x21: {  	s3 =	sadd.s32 s3, s9;
	s6 =	sadd.s32 @!p0 $0x88, s6;
	s7 =	simm.s32 @p2 $0x1082  }
0x22: {  	[simem:s7], [sflag:s8] =	dma.local @!p0 [hbm:s6], $0xF7A  }
0x23: {  	s9 =	sor.u32 $0xD0000000, s2;
	s6 =	simm.s32 $0x108;
	_ =	swait.ge @!p0 [sflag:s8], $0x0  }
0x24: {  	s3 =	sadd.s32 $0x88, s3;
	s6 =	simm.s32 @!p1 $0x1082;
	[sflag:s4] =	ssyncset.s32 $0xFFFFF086  }
0x25: {  	[simem:s6], [sflag:s4] =	dma.local [hbm:s3], $0xF7A  }
0x26: {  	[smem:$0x3F9E] =	sst s1;
	(tag) =	ssettag s2;
	_ =	strace s9  }
0x27: {  	s1 =	sld [smem:$0x3FAE]  }
0x28: {  	s2 =	sld [smem:$0x3FAF]  }
0x29: {  	s4 =	sld [smem:$0x3FB1]  }
0x2a: {  	p0 =	seq.s32 s5, $0x0;
	s5 =	sld [smem:$0x3FB2]  }
0x2b: {  	s6 =	sld [smem:$0x3FB3]  }
0x2c: {  	s7 =	sld [smem:$0x3FB4]  }
0x2d: {  	s3 =	simm.s32 $0x108;
	s8 =	sld [smem:$0x3FB5]  }
0x2e: {  	s3 =	simm.s32 @!p0 $0x1082;
	s9 =	sld [smem:$0x3FB6]  }
0x2f: {  	lr =	sadd.s32 s0, s3;
	s0 =	sld [smem:$0x3FAD]  }
0x30: {  	s3 =	sld [smem:$0x3FB0]  }
0x31: {  	[smem:$0x3FB9] =	sst s10  }
0x32: {  	s10 =	sld [smem:$0x3FB7];
	_ =	sdelay $0x3  }
0x33: {  	p0 =	seq.s32 s10, $0x1;
	s10 =	sld [smem:$0x3FB9];
	_ =	sdelay $0x3  }
0x34: {  	[smem:$0x3FB9] =	sst s10  }
0x35: {  	s10 =	sld [smem:$0x3FB8];
	_ =	sdelay $0x3  }
0x36: {  	p1 =	seq.s32 s10, $0x1;
	s10 =	sld [smem:$0x3FB9];
	_ =	sdelay $0x3  }
0x37: {  	[smem:$0x3FB9] =	sst s10  }
0x38: {  	s10 =	sld [smem:$0x3FBA]  }
0x39: {  	_ = 	snop;
	(pc) =	sbr.ind lr, $3  }
0x3a: {  	_ = 	snop  }
0x3b: {  	_ = 	snop  }
0x3c: {  	p2 =	seq.s32 s10, $0x1;
	s10 =	sld [smem:$0x3FB9]  }
0x3d: {  	_ =	shalt  }
0x3e: {  	_ =	shalt  }
0x3f: {  	_ =	shalt  }
0x40: {  	_ =	shalt  }
0x41: {  	_ =	shalt  }
0x42: {  	_ =	shalt  }
0x43: {  	_ =	shalt  }
0x44: {  	_ =	shalt  }
0x45: {  	_ =	shalt  }
0x46: {  	_ =	shalt  }
0x47: {  	_ =	shalt  }
0x48: {  	_ =	shalt  }
0x49: {  	_ =	shalt  }
0x4a: {  	_ =	shalt  }
0x4b: {  	_ =	shalt  }
0x4c: {  	_ =	shalt  }
0x4d: {  	_ =	shalt  }
0x4e: {  	_ =	shalt  }
0x4f: {  	_ =	shalt  }
0x50: {  	_ =	shalt  }
0x51: {  	_ =	shalt  }
0x52: {  	_ =	shalt  }
0x53: {  	_ =	shalt  }
0x54: {  	_ =	shalt  }
0x55: {  	_ =	shalt  }
0x56: {  	_ =	shalt  }
0x57: {  	_ =	shalt  }
0x58: {  	_ =	shalt  }
0x59: {  	_ =	shalt  }
0x5a: {  	_ =	shalt  }
0x5b: {  	_ =	shalt  }
0x5c: {  	_ =	shalt  }
0x5d: {  	_ =	shalt  }
0x5e: {  	_ =	shalt  }
0x5f: {  	_ =	shalt  }
0x60: {  	_ =	shalt  }
0x61: {  	_ =	shalt  }
0x62: {  	_ =	shalt  }
0x63: {  	_ =	shalt  }
0x64: {  	_ =	shalt  }
0x65: {  	_ =	shalt  }
0x66: {  	_ =	shalt  }
0x67: {  	_ =	shalt  }
0x68: {  	_ =	shalt  }
0x69: {  	_ =	shalt  }
0x6a: {  	_ =	shalt  }
0x6b: {  	_ =	shalt  }
0x6c: {  	_ =	shalt  }
0x6d: {  	_ =	shalt  }
0x6e: {  	_ =	shalt  }
0x6f: {  	_ =	shalt  }
0x70: {  	_ =	shalt  }
0x71: {  	_ =	shalt  }
0x72: {  	_ =	shalt  }
0x73: {  	_ =	shalt  }
0x74: {  	_ =	shalt  }
0x75: {  	_ =	shalt  }
0x76: {  	_ =	shalt  }
0x77: {  	_ =	shalt  }
0x78: {  	_ =	shalt  }
0x79: {  	_ =	shalt  }
0x7a: {  	_ =	shalt  }
0x7b: {  	_ =	shalt  }
0x7c: {  	_ =	shalt  }
0x7d: {  	_ =	shalt  }
0x7e: {  	_ =	shalt  }
0x7f: {  	_ =	shalt  }
0x80: {  	_ =	shalt  }
0x81: {  	_ =	shalt  }
0x82: {  	_ =	shalt  }
0x83: {  	_ =	shalt  }
0x84: {  	_ =	shalt  }
0x85: {  	_ =	shalt  }
0x86: {  	_ =	shalt  }
0x87: {  	_ =	shalt  }
.Lfunc_end0:
.L_simem_size_0:
called_computation_lowered:
.L_overlay_start_0:
0x88: {  	s2 =	sld [smem:$0x3FD9]  }
0x89: {  	s3 =	sld [smem:$0x3FFE];
	_ =	sdelay $0x1  }
0x8a: {  	s1 =	srdreg.scid  }
0x8b: {  	s0 =	sand.u32 $0x1, s1  }
0x8c: {  	s18 =	sshll.u32 s0, $0xA;
	s2 =	sadd.s32 s3, s2  }
0x8d: {  	s2 =	sadd.s32 s2, s18  }
0x8e: {  	[smem:$0x3FC5] =	sst s2  }
0x8f: {  	_ = 	snop  }
0x90: {  	s2 =	sld [smem:$0x3FC9]  }
0x91: {  	s19 =	sld [smem:$0x3FC8]  }
0x92: {  	s4 =	sld [smem:$0x3FC7]  }
0x93: {  	s5 =	sld [smem:$0x3FD0];
	(tm) =	ssettm $0x1  }
0x94: {  	s6 =	sld [smem:$0x3FFB];
	_ =	sdelay $0x3  }
0x95: {  	_ =	strace s6  }
0x96: {  	s6 =	sld [smem:$0x3FFC];
	_ =	sdelay $0x3  }
0x97: {  	_ =	strace s6  }
0x98: {  	s6 =	sld [smem:$0x3FFD];
	_ =	sdelay $0x3  }
0x99: {  	_ =	strace s6  }
0x9a: {  	_ =	strace $0x8FFFFFFF  }
0x9b: {  	s20 =	sld [smem:$0x3FDB];
	_ =	sdelay $0x1  }
0x9c: {  	s7 =	simm.s32 $_scs_section_size  }
0x9d: {  	s8 =	simm.s32 $_size__tile_overlayer_lowered;
	s9 =	simm.s32 $_tile_overlayer_lowered  }
0x9e: {  	s23 =	simm.s32 $0x1BFF;
	s22 =	sshll.u32 s9, $0x1;
	s6 =	sadd.s32 s7, s20  }
0x9f: {  	s10 =	simm.s32 $0x0;
	s21 =	sshll.u32 s8, $0x1;
	s8 =	sadd.s32 s22, s6  }
0xa0: {  	[timem:s10], [sflag:s23] =	dma.local [hbm:s8], s21  }
0xa1: {  	_ =	swait.ge [sflag:s23], s21  }
0xa2: {  	s7 =	ssub.s32 $0x0, s21;
	[sflag:s23] =	ssyncset.done $0x0  }
0xa3: {  	[sflag:s23] =	ssyncadd.s32 s7;
	_ =	sdelay $0x1  }
0xa4: {  	s24 =	simm.s32 $0x1B8B  }
0xa5: {  	_ =	swait.ge [sflag:s24], $0x1  }
0xa6: {  	[sflag:s24] =	ssyncset.done $0x0  }
0xa7: {  	s25 =	simm.s32 $0x1B8E;
	[sflag:s24] =	ssyncadd.s32 $0xFFFFFFFF  }
0xa8: {  	s26 =	simm.s32 $execute0_lowered;
	[smem:$0x3FD2] =	sst s25  }
0xa9: {  	s7 =	sshll.u32 s26, $0x1;
	_ =	strace $0x80000046;
	[dreg:$0x1] =	wrdreg $0xFFFFFFFF  }
0xaa: {  	s28 =	simm.s32 $_size_execute0_lowered;
	s6 =	sadd.s32 s6, s7;
	[dreg:$0x0] =	wrdreg $0x0  }
0xab: {  	s7 =	sshll.u32 s28, $0x1;
	[dreg:$0x2] =	wrdreg s6  }
0xac: {  	[dreg:$0x3] =	wrdreg s7  }
0xad: {  	[dreg:$0x4] =	wrdreg $0xC0  }
0xae: {  	_ =	task [dreg:s10], $0x5FFFF  }
0xaf: {  	[dreg:$0x1] =	wrdreg $0xFFFFFFFF  }
0xb0: {  	[dreg:$0x0] =	wrdreg $0x60  }
0xb1: {  	[dreg:$0x2] =	wrdreg s2  }
0xb2: {  	[dreg:$0x3] =	wrdreg s19  }
0xb3: {  	[dreg:$0x4] =	wrdreg s4  }
0xb4: {  	[dreg:$0x5] =	wrdreg s5  }
0xb5: {  	[dreg:$0x6] =	wrdreg $0x9  }
0xb6: {  	_ =	task.clear_ibuf [dreg:s10], $0x7FFFF;
	_ =	strace $0x90000046  }
0xb7: {  	s29 =	simm.s32 $0x9;
	_ =	strace $0x80000048  }
0xb8: {  	_ =	swait.ge [sflag:s29], $0x1  }
0xb9: {  	[sflag:s29] =	ssyncadd.s32 $0xFFFFFFFF  }
0xba: {  	_ =	strace $0x90000048  }
0xbb: {  	_ =	sfence  }
0xbc: {  	s30 =	sld [smem:$0x0];
	_ =	sdelay $0x2  }
0xbd: {  	s31 =	sshll.u32 s1, $0xD;
	s1 =	sshrl.u32 s1, $0x2  }
0xbe: {  	s3 =	sand.u32 $0x4000, s31;
	s1 =	sadd.s32 s1, s30  }
0xbf: {  	s0 =	sor.u32 s3, s0;
	s1 =	sshll.u32 s1, $0x11  }
0xc0: {  	s0 =	sor.u32 s1, s0  }
0xc1: {  	s0 =	sadd.s32 $0x8F2B, s0  }
0xc2: {  	[sflag:s0] =	ssyncadd.remote.s32 $0x1  }
0xc3: {  	_ =	sfence.sel $0xFFFF  }
0xc4: {  	[dreg:$0x0] =	wrdreg $0xFFFFFFFF;
	(pc) =	sbr.abs _section_cstart, $3  }
0xc5: {  	[dreg:$0x1] =	wrdreg $0xFFFFFFFF  }
0xc6: {  	_ =	task.clear_ibuf [dreg:s10], $0x2FFFF;
	_ =	strace $0x9FFFFFFF  }
0xc7: {  	(tm) =	ssettm $0x7FFFFFFF  }
tec
execute0_lowered:
.L_overlay_start_1:
0x0: {  	(tag) =	ssettag $0x1  }
0x1: {  	s5 =	rddreg [dreg:$0x0]  }
0x2: {  	s1 =	rddreg [dreg:$0x1]  }
0x3: {  	s3 =	rddreg [dreg:$0x2]  }
0x4: {  	s2 =	srdreg.scid;
	s0 =	stileid.u32  }
0x5: {  	s8 =	rddreg [dreg:$0x3];
	s4 =	simm.s32 $0x0;
	s11 =	simm.s32 $0x400  }
0x6: {  	s12 =	simm.s32 $0xC00;
	s13 =	simm.s32 $0x2A80;
	s14 =	simm.s32 $0x6  }
0x7: {  	s15 =	simm.s32 $0x1;
	s16 =	simm.s32 $0x1000;
	s17 =	simm.s32 $0x1D00  }
0x8: {  	s18 =	simm.s32 $0x2;
	s19 =	simm.s32 $0x1400;
	s20 =	simm.s32 $0x2100  }
0x9: {  	s21 =	simm.s32 $0x500;
	s22 =	simm.s32 $0x1800;
	s23 =	simm.s32 $0x2500  }
0xa: {  	s24 =	simm.s32 $0x3;
	s25 =	simm.s32 $0x4;
	s26 =	simm.s32 $0x5  }
0xb: {  	s6 =	sand.u32 $0x1, s2;
	s7 =	sshll.u32 s0, $0x1;
	s2 =	rddreg [dreg:$0x4]  }
0xc: {  	s28 =	simm.s32 $0x2A00;
	[smem:$0x7FF] =	sst s4;
	s7 =	sor.u32 s6, s7  }
0xd: {  	s6 =	ssub.s32 $0x2, s6;
	_ =	strace $0x80000047;
	s9 =	sshll.u32 s7, $0x7  }
0xe: {  	s10 =	sshrl.u32 s6, $0x1;
	s31 =	sshll.u32 s7, $0x4;
	s5 =	sadd.s32 s5, s9  }
0xf: {  	s30 =	ssub.s32 s6, s10;
	s8 =	sadd.s32 s8, s31;
	s10 =	simm.s32 $0x8000  }
0x10: {  	s6 =	sadd.s32 $0x1000, s5;
	s7 =	sadd.s32 $0x3000, s5;
	s9 =	smax.u32 s30, $0x1  }
.LBB2_1:
0x11: {  	[tilespmem:s4], [sflag:$0x1] =	stream.linear.gather [hbm4b:s5+s4], $0x400, $0x38;
	[tilespmem:$0x2B00] =	vst v63  }
0x12: {  	_ = 	snop  }
0x13: {  	[tilespmem:s11], [sflag:$0x2] =	stream.strided.gather [hbm4b:s6+s11], $0x800, s10, s11, $0x38;
	[tilespmem:$0x2B00] =	vst v63  }
0x14: {  	_ = 	snop  }
0x15: {  	[tilespmem:s12], [sflag:$0x2] =	stream.linear.gather [hbm4b:s7+s4], $0x100, $0x38;
	[tilespmem:$0x2B00] =	vst v63  }
0x16: {  	_ = 	snop  }
0x17: {  	[tilespmem:s13], [sflag:$0x6] =	stream.linear.gather [hbm4b:s3+s4], $0x1, $0x38;
	[tilespmem:$0x2B00] =	vst v63  }
0x18: {  	_ =	swait.ge [sflag:s14], $0x1  }
0x19: {  	[sflag:s14] =	ssyncset.done $0x0  }
0x1a: {  	[sflag:s14] =	ssyncadd.s32 $0xFFFFFFFF  }
0x1b: {  	v0 =	vld.msk [tilespmem:$0x2A80 ss:$0x0], $0xffff;
	_ =	swait.ge [sflag:s15], $0x400  }
0x1c: {  	[sflag:s15] =	ssyncset.done $0x0  }
0x1d: {  	[sflag:s15] =	ssyncadd.s32 $0xFFFFFC00  }
0x1e: {  	v1 =	vld [tilespmem:$0x0]  }
0x1f: {  	v2 =	vld [tilespmem:$0x10]  }
0x20: {  	v3 =	vld [tilespmem:$0x20]  }
0x21: {  	v4 =	vld [tilespmem:$0x30]  }
0x22: {  	v5 =	vld [tilespmem:$0x40]  }
0x23: {  	v6 =	vld [tilespmem:$0x50]  }
0x24: {  	v41 =	vld [tilespmem:$0x60];
	[tilespmem:$0x1000] =	vst v1  }
0x25: {  	v42 =	vld [tilespmem:$0x70];
	[tilespmem:$0x1010] =	vst v2  }
0x26: {  	v43 =	vld [tilespmem:$0x80];
	[tilespmem:$0x1020] =	vst v3  }
0x27: {  	v44 =	vld [tilespmem:$0x90];
	[tilespmem:$0x1030] =	vst v4  }
0x28: {  	v45 =	vld [tilespmem:$0xA0];
	[tilespmem:$0x1040] =	vst v5  }
0x29: {  	v46 =	vld [tilespmem:$0xB0];
	[tilespmem:$0x1050] =	vst v6  }
0x2a: {  	v47 =	vld [tilespmem:$0xC0];
	[tilespmem:$0x1060] =	vst v41  }
0x2b: {  	v49 =	vld [tilespmem:$0xD0];
	[tilespmem:$0x1070] =	vst v42;
	v48 =	vadd.s32 $0x186A0, v43  }
0x2c: {  	v51 =	vld [tilespmem:$0xE0];
	v50 =	vadd.s32 $0x186A0, v44;
	[tilespmem:$0x1080] =	vst v48  }
0x2d: {  	v53 =	vld [tilespmem:$0xF0];
	v52 =	vadd.s32 $0x186A0, v45;
	[tilespmem:$0x1090] =	vst v50  }
0x2e: {  	v55 =	vld [tilespmem:$0x100];
	v54 =	vadd.s32 $0x186A0, v46;
	[tilespmem:$0x10A0] =	vst v52  }
0x2f: {  	v56 =	vld [tilespmem:$0x110];
	v1 =	vadd.s32 $0x186A0, v47;
	[tilespmem:$0x10B0] =	vst v54  }
0x30: {  	v58 =	vld [tilespmem:$0x120];
	v57 =	vadd.s32 $0x186A0, v49;
	[tilespmem:$0x10C0] =	vst v1  }
0x31: {  	v60 =	vld [tilespmem:$0x130];
	v59 =	vadd.s32 $0x186A0, v51;
	[tilespmem:$0x10D0] =	vst v57  }
0x32: {  	v62 =	vld [tilespmem:$0x140];
	v61 =	vadd.s32 $0x186A0, v53;
	[tilespmem:$0x10E0] =	vst v59  }
0x33: {  	v9 =	vld [tilespmem:$0x150];
	v63 =	vadd.s32 $0x30D40, v55;
	[tilespmem:$0x10F0] =	vst v61  }
0x34: {  	v11 =	vld [tilespmem:$0x160];
	v10 =	vadd.s32 $0x30D40, v56;
	[tilespmem:$0x1100] =	vst v63  }
0x35: {  	v13 =	vld [tilespmem:$0x170];
	v12 =	vadd.s32 $0x30D40, v58;
	[tilespmem:$0x1110] =	vst v10  }
0x36: {  	v15 =	vld [tilespmem:$0x180];
	v14 =	vadd.s32 $0x30D40, v60;
	[tilespmem:$0x1120] =	vst v12  }
0x37: {  	v17 =	vld [tilespmem:$0x190];
	v16 =	vadd.s32 $0x30D40, v62;
	[tilespmem:$0x1130] =	vst v14  }
0x38: {  	v19 =	vld [tilespmem:$0x1A0];
	v18 =	vadd.s32 $0x30D40, v9;
	[tilespmem:$0x1140] =	vst v16  }
0x39: {  	v21 =	vld [tilespmem:$0x1B0];
	v20 =	vadd.s32 $0x30D40, v11;
	[tilespmem:$0x1150] =	vst v18  }
0x3a: {  	v23 =	vld [tilespmem:$0x1C0];
	v22 =	vadd.s32 $0x30D40, v13;
	[tilespmem:$0x1160] =	vst v20  }
0x3b: {  	v25 =	vld [tilespmem:$0x1D0];
	v24 =	vadd.s32 $0x493E0, v15;
	[tilespmem:$0x1170] =	vst v22  }
0x3c: {  	v27 =	vld [tilespmem:$0x1E0];
	v26 =	vadd.s32 $0x493E0, v17;
	[tilespmem:$0x1180] =	vst v24  }
0x3d: {  	v29 =	vld [tilespmem:$0x1F0];
	v28 =	vadd.s32 $0x493E0, v19;
	[tilespmem:$0x1190] =	vst v26  }
0x3e: {  	v31 =	vld [tilespmem:$0x200];
	v30 =	vadd.s32 $0x493E0, v21;
	[tilespmem:$0x11A0] =	vst v28  }
0x3f: {  	v33 =	vld [tilespmem:$0x210];
	v32 =	vadd.s32 $0x493E0, v23;
	[tilespmem:$0x11B0] =	vst v30  }
0x40: {  	v35 =	vld [tilespmem:$0x220];
	v34 =	vadd.s32 $0x493E0, v25;
	[tilespmem:$0x11C0] =	vst v32  }
0x41: {  	v37 =	vld [tilespmem:$0x230];
	v36 =	vadd.s32 $0x493E0, v27;
	[tilespmem:$0x11D0] =	vst v34  }
0x42: {  	v39 =	vld [tilespmem:$0x240];
	v38 =	vadd.s32 $0x493E0, v29;
	[tilespmem:$0x11E0] =	vst v36  }
0x43: {  	v40 =	vadd.s32 $0x61A80, v31;
	v41 =	vld [tilespmem:$0x250];
	[tilespmem:$0x11F0] =	vst v38  }
0x44: {  	v42 =	vadd.s32 $0x61A80, v33;
	v43 =	vld [tilespmem:$0x260];
	[tilespmem:$0x1200] =	vst v40  }
0x45: {  	v44 =	vadd.s32 $0x61A80, v35;
	v45 =	vld [tilespmem:$0x270];
	[tilespmem:$0x1210] =	vst v42  }
0x46: {  	v46 =	vadd.s32 $0x61A80, v37;
	v47 =	vld [tilespmem:$0x280];
	[tilespmem:$0x1220] =	vst v44  }
0x47: {  	v49 =	vld [tilespmem:$0x290];
	[tilespmem:$0x1230] =	vst v46;
	v48 =	vadd.s32 $0x61A80, v39  }
0x48: {  	v51 =	vld [tilespmem:$0x2A0];
	[tilespmem:$0x1240] =	vst v48;
	v50 =	vadd.s32 $0x61A80, v41  }
0x49: {  	v53 =	vld [tilespmem:$0x2B0];
	v52 =	vadd.s32 $0x61A80, v43;
	[tilespmem:$0x1250] =	vst v50  }
0x4a: {  	v55 =	vld [tilespmem:$0x2C0];
	v54 =	vadd.s32 $0x61A80, v45;
	[tilespmem:$0x1260] =	vst v52  }
0x4b: {  	v57 =	vld [tilespmem:$0x2D0];
	v56 =	vadd.s32 $0x7A120, v47;
	[tilespmem:$0x1270] =	vst v54  }
0x4c: {  	v59 =	vld [tilespmem:$0x2E0];
	v58 =	vadd.s32 $0x7A120, v49;
	[tilespmem:$0x1280] =	vst v56  }
0x4d: {  	v61 =	vld [tilespmem:$0x2F0];
	v60 =	vadd.s32 $0x7A120, v51;
	[tilespmem:$0x1290] =	vst v58  }
0x4e: {  	v63 =	vld [tilespmem:$0x300];
	v62 =	vadd.s32 $0x7A120, v53;
	[tilespmem:$0x12A0] =	vst v60  }
0x4f: {  	v10 =	vld [tilespmem:$0x310];
	v9 =	vadd.s32 $0x7A120, v55;
	[tilespmem:$0x12B0] =	vst v62  }
0x50: {  	v12 =	vld [tilespmem:$0x320];
	[tilespmem:$0x12C0] =	vst v9;
	v11 =	vadd.s32 $0x7A120, v57  }
0x51: {  	v14 =	vld [tilespmem:$0x330];
	v13 =	vadd.s32 $0x7A120, v59;
	[tilespmem:$0x12D0] =	vst v11  }
0x52: {  	v16 =	vld [tilespmem:$0x340];
	v15 =	vadd.s32 $0x7A120, v61;
	[tilespmem:$0x12E0] =	vst v13  }
0x53: {  	v18 =	vld [tilespmem:$0x350];
	v17 =	vadd.s32 $0x927C0, v63;
	[tilespmem:$0x12F0] =	vst v15  }
0x54: {  	v20 =	vld [tilespmem:$0x360];
	v19 =	vadd.s32 $0x927C0, v10;
	[tilespmem:$0x1300] =	vst v17  }
0x55: {  	v22 =	vld [tilespmem:$0x370];
	v21 =	vadd.s32 $0x927C0, v12;
	[tilespmem:$0x1310] =	vst v19  }
0x56: {  	v24 =	vld [tilespmem:$0x380];
	v23 =	vadd.s32 $0x927C0, v14;
	[tilespmem:$0x1320] =	vst v21  }
0x57: {  	v26 =	vld [tilespmem:$0x390];
	v25 =	vadd.s32 $0x927C0, v16;
	[tilespmem:$0x1330] =	vst v23  }
0x58: {  	v28 =	vld [tilespmem:$0x3A0];
	v27 =	vadd.s32 $0x927C0, v18;
	[tilespmem:$0x1340] =	vst v25  }
0x59: {  	v30 =	vld [tilespmem:$0x3B0];
	v29 =	vadd.s32 $0x927C0, v20;
	[tilespmem:$0x1350] =	vst v27  }
0x5a: {  	v32 =	vld [tilespmem:$0x3C0];
	v31 =	vadd.s32 $0x927C0, v22;
	[tilespmem:$0x1360] =	vst v29  }
0x5b: {  	v34 =	vld [tilespmem:$0x3D0];
	v33 =	vadd.s32 $0xAAE60, v24;
	[tilespmem:$0x1370] =	vst v31  }
0x5c: {  	v36 =	vld [tilespmem:$0x3E0];
	v35 =	vadd.s32 $0xAAE60, v26;
	[tilespmem:$0x1380] =	vst v33  }
0x5d: {  	v38 =	vld [tilespmem:$0x3F0];
	v37 =	vadd.s32 $0xAAE60, v28;
	[tilespmem:$0x1390] =	vst v35  }
0x5e: {  	v39 =	vadd.s32 $0xAAE60, v30;
	[tilespmem:$0x13A0] =	vst v37  }
0x5f: {  	v40 =	vadd.s32 $0xAAE60, v32;
	[tilespmem:$0x13B0] =	vst v39  }
0x60: {  	v41 =	vadd.s32 $0xAAE60, v34;
	[tilespmem:$0x13C0] =	vst v40  }
0x61: {  	v42 =	vadd.s32 $0xAAE60, v36;
	[tilespmem:$0x13D0] =	vst v41  }
0x62: {  	v43 =	vadd.s32 $0xAAE60, v38;
	[tilespmem:$0x13E0] =	vst v42  }
0x63: {  	[tilespmem:$0x13F0] =	vst v43  }
0x64: {  	[tilespmem:s17], [sflag:$0x3] =	stream.indirect.gather [hbm4b:s1+s11], $0x1, s16, s11, $0xb8;
	[tilespmem:$0x2B00] =	vst v63  }
0x65: {  	_ =	swait.ge [sflag:s18], $0x900  }
0x66: {  	[sflag:s18] =	ssyncset.done $0x0  }
0x67: {  	[sflag:s18] =	ssyncadd.s32 $0xFFFFF700  }
0x68: {  	v44 =	vld [tilespmem:$0x400]  }
0x69: {  	v45 =	vld [tilespmem:$0x410]  }
0x6a: {  	v46 =	vld [tilespmem:$0x420]  }
0x6b: {  	v47 =	vld [tilespmem:$0x430]  }
0x6c: {  	v48 =	vld [tilespmem:$0x440]  }
0x6d: {  	v49 =	vld [tilespmem:$0x450];
	v1 =	vadd.s32 $0xC3500, v44  }
0x6e: {  	v51 =	vld [tilespmem:$0x460];
	v50 =	vadd.s32 $0xC3500, v45;
	[tilespmem:$0x1400] =	vst v1  }
0x6f: {  	v53 =	vld [tilespmem:$0x470];
	v52 =	vadd.s32 $0xC3500, v46;
	[tilespmem:$0x1410] =	vst v50  }
0x70: {  	v55 =	vld [tilespmem:$0x480];
	v54 =	vadd.s32 $0xC3500, v47;
	[tilespmem:$0x1420] =	vst v52  }
0x71: {  	v57 =	vld [tilespmem:$0x490];
	v56 =	vadd.s32 $0xC3500, v48;
	[tilespmem:$0x1430] =	vst v54  }
0x72: {  	v59 =	vld [tilespmem:$0x4A0];
	v58 =	vadd.s32 $0xC3500, v49;
	[tilespmem:$0x1440] =	vst v56  }
0x73: {  	v61 =	vld [tilespmem:$0x4B0];
	v60 =	vadd.s32 $0xC3500, v51;
	[tilespmem:$0x1450] =	vst v58  }
0x74: {  	v63 =	vld [tilespmem:$0x4C0];
	v62 =	vadd.s32 $0xC3500, v53;
	[tilespmem:$0x1460] =	vst v60  }
0x75: {  	v9 =	vld [tilespmem:$0x4D0];
	v8 =	vadd.s32 $0xDBBA0, v55;
	[tilespmem:$0x1470] =	vst v62  }
0x76: {  	v11 =	vld [tilespmem:$0x4E0];
	v10 =	vadd.s32 $0xDBBA0, v57;
	[tilespmem:$0x1480] =	vst v8  }
0x77: {  	v13 =	vld [tilespmem:$0x4F0];
	v12 =	vadd.s32 $0xDBBA0, v59;
	[tilespmem:$0x1490] =	vst v10  }
0x78: {  	v14 =	vadd.s32 $0xDBBA0, v61;
	[tilespmem:$0x14A0] =	vst v12  }
0x79: {  	v15 =	vadd.s32 $0xDBBA0, v63;
	[tilespmem:$0x14B0] =	vst v14  }
0x7a: {  	v16 =	vadd.s32 $0xDBBA0, v9;
	[tilespmem:$0x14C0] =	vst v15  }
0x7b: {  	v17 =	vadd.s32 $0xDBBA0, v11;
	[tilespmem:$0x14D0] =	vst v16  }
0x7c: {  	v18 =	vadd.s32 $0xDBBA0, v13;
	[tilespmem:$0x14E0] =	vst v17  }
0x7d: {  	[tilespmem:$0x14F0] =	vst v18  }
0x7e: {  	v1 =	vld [tilespmem:$0x500]  }
0x7f: {  	v19 =	vld [tilespmem:$0x510]  }
0x80: {  	v20 =	vld [tilespmem:$0x520]  }
0x81: {  	v21 =	vld [tilespmem:$0x530]  }
0x82: {  	v22 =	vld [tilespmem:$0x540]  }
0x83: {  	v23 =	vld [tilespmem:$0x550];
	v1 =	vadd.s32 $0xF4240, v1  }
0x84: {  	v25 =	vld [tilespmem:$0x560];
	v24 =	vadd.s32 $0xF4240, v19;
	[tilespmem:$0x1500] =	vst v1  }
0x85: {  	v27 =	vld [tilespmem:$0x570];
	v26 =	vadd.s32 $0xF4240, v20;
	[tilespmem:$0x1510] =	vst v24  }
0x86: {  	v29 =	vld [tilespmem:$0x580];
	v28 =	vadd.s32 $0xF4240, v21;
	[tilespmem:$0x1520] =	vst v26  }
0x87: {  	v31 =	vld [tilespmem:$0x590];
	v30 =	vadd.s32 $0xF4240, v22;
	[tilespmem:$0x1530] =	vst v28  }
0x88: {  	v33 =	vld [tilespmem:$0x5A0];
	v32 =	vadd.s32 $0xF4240, v23;
	[tilespmem:$0x1540] =	vst v30  }
0x89: {  	v35 =	vld [tilespmem:$0x5B0];
	v34 =	vadd.s32 $0xF4240, v25;
	[tilespmem:$0x1550] =	vst v32  }
0x8a: {  	v37 =	vld [tilespmem:$0x5C0];
	v36 =	vadd.s32 $0xF4240, v27;
	[tilespmem:$0x1560] =	vst v34  }
0x8b: {  	v39 =	vld [tilespmem:$0x5D0];
	v38 =	vadd.s32 $0x10C8E0, v29;
	[tilespmem:$0x1570] =	vst v36  }
0x8c: {  	v41 =	vld [tilespmem:$0x5E0];
	v40 =	vadd.s32 $0x10C8E0, v31;
	[tilespmem:$0x1580] =	vst v38  }
0x8d: {  	v43 =	vld [tilespmem:$0x5F0];
	v42 =	vadd.s32 $0x10C8E0, v33;
	[tilespmem:$0x1590] =	vst v40  }
0x8e: {  	v45 =	vld [tilespmem:$0x600];
	v44 =	vadd.s32 $0x10C8E0, v35;
	[tilespmem:$0x15A0] =	vst v42  }
0x8f: {  	v47 =	vld [tilespmem:$0x610];
	v46 =	vadd.s32 $0x10C8E0, v37;
	[tilespmem:$0x15B0] =	vst v44  }
0x90: {  	v49 =	vld [tilespmem:$0x620];
	v48 =	vadd.s32 $0x10C8E0, v39;
	[tilespmem:$0x15C0] =	vst v46  }
0x91: {  	v51 =	vld [tilespmem:$0x630];
	v50 =	vadd.s32 $0x10C8E0, v41;
	[tilespmem:$0x15D0] =	vst v48  }
0x92: {  	v53 =	vld [tilespmem:$0x640];
	v52 =	vadd.s32 $0x10C8E0, v43;
	[tilespmem:$0x15E0] =	vst v50  }
0x93: {  	v55 =	vld [tilespmem:$0x650];
	v54 =	vadd.s32 $0x124F80, v45;
	[tilespmem:$0x15F0] =	vst v52  }
0x94: {  	v57 =	vld [tilespmem:$0x660];
	v56 =	vadd.s32 $0x124F80, v47;
	[tilespmem:$0x1600] =	vst v54  }
0x95: {  	v59 =	vld [tilespmem:$0x670];
	v58 =	vadd.s32 $0x124F80, v49;
	[tilespmem:$0x1610] =	vst v56  }
0x96: {  	v61 =	vld [tilespmem:$0x680];
	v60 =	vadd.s32 $0x124F80, v51;
	[tilespmem:$0x1620] =	vst v58  }
0x97: {  	v63 =	vld [tilespmem:$0x690];
	v62 =	vadd.s32 $0x124F80, v53;
	[tilespmem:$0x1630] =	vst v60  }
0x98: {  	v10 =	vld [tilespmem:$0x6A0];
	v9 =	vadd.s32 $0x124F80, v55;
	[tilespmem:$0x1640] =	vst v62  }
0x99: {  	v12 =	vld [tilespmem:$0x6B0];
	v11 =	vadd.s32 $0x124F80, v57;
	[tilespmem:$0x1650] =	vst v9  }
0x9a: {  	v14 =	vld [tilespmem:$0x6C0];
	v13 =	vadd.s32 $0x124F80, v59;
	[tilespmem:$0x1660] =	vst v11  }
0x9b: {  	v16 =	vld [tilespmem:$0x6D0];
	v15 =	vadd.s32 $0x13D620, v61;
	[tilespmem:$0x1670] =	vst v13  }
0x9c: {  	v18 =	vld [tilespmem:$0x6E0];
	v17 =	vadd.s32 $0x13D620, v63;
	[tilespmem:$0x1680] =	vst v15  }
0x9d: {  	v19 =	vadd.s32 $0x13D620, v10;
	v20 =	vld [tilespmem:$0x6F0];
	[tilespmem:$0x1690] =	vst v17  }
0x9e: {  	v21 =	vadd.s32 $0x13D620, v12;
	v22 =	vld [tilespmem:$0x700];
	[tilespmem:$0x16A0] =	vst v19  }
0x9f: {  	v23 =	vadd.s32 $0x13D620, v14;
	[tilespmem:$0x16B0] =	vst v21;
	v24 =	vld [tilespmem:$0x710]  }
0xa0: {  	v25 =	vadd.s32 $0x13D620, v16;
	[tilespmem:$0x16C0] =	vst v23;
	v26 =	vld [tilespmem:$0x720]  }
0xa1: {  	v27 =	vadd.s32 $0x13D620, v18;
	[tilespmem:$0x16D0] =	vst v25;
	v28 =	vld [tilespmem:$0x730]  }
0xa2: {  	[tilespmem:$0x16E0] =	vst v27;
	v30 =	vld [tilespmem:$0x740];
	v29 =	vadd.s32 $0x13D620, v20  }
0xa3: {  	v32 =	vld [tilespmem:$0x750];
	v31 =	vadd.s32 $0x155CC0, v22;
	[tilespmem:$0x16F0] =	vst v29  }
0xa4: {  	v34 =	vld [tilespmem:$0x760];
	[tilespmem:$0x1700] =	vst v31;
	v33 =	vadd.s32 $0x155CC0, v24  }
0xa5: {  	v36 =	vld [tilespmem:$0x770];
	v35 =	vadd.s32 $0x155CC0, v26;
	[tilespmem:$0x1710] =	vst v33  }
0xa6: {  	v38 =	vld [tilespmem:$0x780];
	v37 =	vadd.s32 $0x155CC0, v28;
	[tilespmem:$0x1720] =	vst v35  }
0xa7: {  	v40 =	vld [tilespmem:$0x790];
	v39 =	vadd.s32 $0x155CC0, v30;
	[tilespmem:$0x1730] =	vst v37  }
0xa8: {  	v42 =	vld [tilespmem:$0x7A0];
	v41 =	vadd.s32 $0x155CC0, v32;
	[tilespmem:$0x1740] =	vst v39  }
0xa9: {  	v44 =	vld [tilespmem:$0x7B0];
	v43 =	vadd.s32 $0x155CC0, v34;
	[tilespmem:$0x1750] =	vst v41  }
0xaa: {  	v46 =	vld [tilespmem:$0x7C0];
	v45 =	vadd.s32 $0x155CC0, v36;
	[tilespmem:$0x1760] =	vst v43  }
0xab: {  	v48 =	vld [tilespmem:$0x7D0];
	v47 =	vadd.s32 $0x16E360, v38;
	[tilespmem:$0x1770] =	vst v45  }
0xac: {  	v50 =	vld [tilespmem:$0x7E0];
	v49 =	vadd.s32 $0x16E360, v40;
	[tilespmem:$0x1780] =	vst v47  }
0xad: {  	v52 =	vld [tilespmem:$0x7F0];
	v51 =	vadd.s32 $0x16E360, v42;
	[tilespmem:$0x1790] =	vst v49  }
0xae: {  	v53 =	vadd.s32 $0x16E360, v44;
	[tilespmem:$0x17A0] =	vst v51  }
0xaf: {  	v54 =	vadd.s32 $0x16E360, v46;
	[tilespmem:$0x17B0] =	vst v53  }
0xb0: {  	v55 =	vadd.s32 $0x16E360, v48;
	[tilespmem:$0x17C0] =	vst v54  }
0xb1: {  	v56 =	vadd.s32 $0x16E360, v50;
	[tilespmem:$0x17D0] =	vst v55  }
0xb2: {  	v57 =	vadd.s32 $0x16E360, v52;
	[tilespmem:$0x17E0] =	vst v56  }
0xb3: {  	[tilespmem:$0x17F0] =	vst v57  }
0xb4: {  	[tilespmem:s20], [sflag:$0x4] =	stream.indirect.gather [hbm4b:s1+s11], $0x1, s19, s11, $0xb8;
	[tilespmem:$0x2B00] =	vst v63  }
0xb5: {  	v58 =	vld [tilespmem:$0x800]  }
0xb6: {  	v59 =	vld [tilespmem:$0x810]  }
0xb7: {  	v60 =	vld [tilespmem:$0x820]  }
0xb8: {  	v61 =	vld [tilespmem:$0x830]  }
0xb9: {  	v62 =	vld [tilespmem:$0x840]  }
0xba: {  	v63 =	vld [tilespmem:$0x850];
	v1 =	vadd.s32 $0x186A00, v58  }
0xbb: {  	v9 =	vld [tilespmem:$0x860];
	v8 =	vadd.s32 $0x186A00, v59;
	[tilespmem:$0x1800] =	vst v1  }
0xbc: {  	v11 =	vld [tilespmem:$0x870];
	v10 =	vadd.s32 $0x186A00, v60;
	[tilespmem:$0x1810] =	vst v8  }
0xbd: {  	v13 =	vld [tilespmem:$0x880];
	v12 =	vadd.s32 $0x186A00, v61;
	[tilespmem:$0x1820] =	vst v10  }
0xbe: {  	v15 =	vld [tilespmem:$0x890];
	v14 =	vadd.s32 $0x186A00, v62;
	[tilespmem:$0x1830] =	vst v12  }
0xbf: {  	v17 =	vld [tilespmem:$0x8A0];
	v16 =	vadd.s32 $0x186A00, v63;
	[tilespmem:$0x1840] =	vst v14  }
0xc0: {  	v19 =	vld [tilespmem:$0x8B0];
	v18 =	vadd.s32 $0x186A00, v9;
	[tilespmem:$0x1850] =	vst v16  }
0xc1: {  	v21 =	vld [tilespmem:$0x8C0];
	v20 =	vadd.s32 $0x186A00, v11;
	[tilespmem:$0x1860] =	vst v18  }
0xc2: {  	v23 =	vld [tilespmem:$0x8D0];
	v22 =	vadd.s32 $0x19F0A0, v13;
	[tilespmem:$0x1870] =	vst v20  }
0xc3: {  	v25 =	vld [tilespmem:$0x8E0];
	v24 =	vadd.s32 $0x19F0A0, v15;
	[tilespmem:$0x1880] =	vst v22  }
0xc4: {  	v27 =	vld [tilespmem:$0x8F0];
	v26 =	vadd.s32 $0x19F0A0, v17;
	[tilespmem:$0x1890] =	vst v24  }
0xc5: {  	v29 =	vld [tilespmem:$0x900];
	v28 =	vadd.s32 $0x19F0A0, v19;
	[tilespmem:$0x18A0] =	vst v26  }
0xc6: {  	v31 =	vld [tilespmem:$0x910];
	v30 =	vadd.s32 $0x19F0A0, v21;
	[tilespmem:$0x18B0] =	vst v28  }
0xc7: {  	v33 =	vld [tilespmem:$0x920];
	v32 =	vadd.s32 $0x19F0A0, v23;
	[tilespmem:$0x18C0] =	vst v30  }
0xc8: {  	v35 =	vld [tilespmem:$0x930];
	v34 =	vadd.s32 $0x19F0A0, v25;
	[tilespmem:$0x18D0] =	vst v32  }
0xc9: {  	v37 =	vld [tilespmem:$0x940];
	v36 =	vadd.s32 $0x19F0A0, v27;
	[tilespmem:$0x18E0] =	vst v34  }
0xca: {  	v39 =	vld [tilespmem:$0x950];
	v38 =	vadd.s32 $0x1B7740, v29;
	[tilespmem:$0x18F0] =	vst v36  }
0xcb: {  	v41 =	vld [tilespmem:$0x960];
	v40 =	vadd.s32 $0x1B7740, v31;
	[tilespmem:$0x1900] =	vst v38  }
0xcc: {  	v43 =	vld [tilespmem:$0x970];
	v42 =	vadd.s32 $0x1B7740, v33;
	[tilespmem:$0x1910] =	vst v40  }
0xcd: {  	v45 =	vld [tilespmem:$0x980];
	v44 =	vadd.s32 $0x1B7740, v35;
	[tilespmem:$0x1920] =	vst v42  }
0xce: {  	v47 =	vld [tilespmem:$0x990];
	v46 =	vadd.s32 $0x1B7740, v37;
	[tilespmem:$0x1930] =	vst v44  }
0xcf: {  	v49 =	vld [tilespmem:$0x9A0];
	v48 =	vadd.s32 $0x1B7740, v39;
	[tilespmem:$0x1940] =	vst v46  }
0xd0: {  	v51 =	vld [tilespmem:$0x9B0];
	v50 =	vadd.s32 $0x1B7740, v41;
	[tilespmem:$0x1950] =	vst v48  }
0xd1: {  	v53 =	vld [tilespmem:$0x9C0];
	v52 =	vadd.s32 $0x1B7740, v43;
	[tilespmem:$0x1960] =	vst v50  }
0xd2: {  	v55 =	vld [tilespmem:$0x9D0];
	v54 =	vadd.s32 $0x1CFDE0, v45;
	[tilespmem:$0x1970] =	vst v52  }
0xd3: {  	v57 =	vld [tilespmem:$0x9E0];
	v56 =	vadd.s32 $0x1CFDE0, v47;
	[tilespmem:$0x1980] =	vst v54  }
0xd4: {  	v58 =	vadd.s32 $0x1CFDE0, v49;
	v59 =	vld [tilespmem:$0x9F0];
	[tilespmem:$0x1990] =	vst v56  }
0xd5: {  	v60 =	vadd.s32 $0x1CFDE0, v51;
	v61 =	vld [tilespmem:$0xA00];
	[tilespmem:$0x19A0] =	vst v58  }
0xd6: {  	v62 =	vadd.s32 $0x1CFDE0, v53;
	v63 =	vld [tilespmem:$0xA10];
	[tilespmem:$0x19B0] =	vst v60  }
0xd7: {  	v9 =	vld [tilespmem:$0xA20];
	[tilespmem:$0x19C0] =	vst v62;
	v8 =	vadd.s32 $0x1CFDE0, v55  }
0xd8: {  	v11 =	vld [tilespmem:$0xA30];
	v10 =	vadd.s32 $0x1CFDE0, v57;
	[tilespmem:$0x19D0] =	vst v8  }
0xd9: {  	v13 =	vld [tilespmem:$0xA40];
	[tilespmem:$0x19E0] =	vst v10;
	v12 =	vadd.s32 $0x1CFDE0, v59  }
0xda: {  	v15 =	vld [tilespmem:$0xA50];
	v14 =	vadd.s32 $0x1E8480, v61;
	[tilespmem:$0x19F0] =	vst v12  }
0xdb: {  	v17 =	vld [tilespmem:$0xA60];
	v16 =	vadd.s32 $0x1E8480, v63;
	[tilespmem:$0x1A00] =	vst v14  }
0xdc: {  	v19 =	vld [tilespmem:$0xA70];
	v18 =	vadd.s32 $0x1E8480, v9;
	[tilespmem:$0x1A10] =	vst v16  }
0xdd: {  	v21 =	vld [tilespmem:$0xA80];
	v20 =	vadd.s32 $0x1E8480, v11;
	[tilespmem:$0x1A20] =	vst v18  }
0xde: {  	v23 =	vld [tilespmem:$0xA90];
	v22 =	vadd.s32 $0x1E8480, v13;
	[tilespmem:$0x1A30] =	vst v20  }
0xdf: {  	v25 =	vld [tilespmem:$0xAA0];
	v24 =	vadd.s32 $0x1E8480, v15;
	[tilespmem:$0x1A40] =	vst v22  }
0xe0: {  	v27 =	vld [tilespmem:$0xAB0];
	v26 =	vadd.s32 $0x1E8480, v17;
	[tilespmem:$0x1A50] =	vst v24  }
0xe1: {  	v29 =	vld [tilespmem:$0xAC0];
	v28 =	vadd.s32 $0x1E8480, v19;
	[tilespmem:$0x1A60] =	vst v26  }
0xe2: {  	v31 =	vld [tilespmem:$0xAD0];
	v30 =	vadd.s32 $0x200B20, v21;
	[tilespmem:$0x1A70] =	vst v28  }
0xe3: {  	v33 =	vld [tilespmem:$0xAE0];
	v32 =	vadd.s32 $0x200B20, v23;
	[tilespmem:$0x1A80] =	vst v30  }
0xe4: {  	v35 =	vld [tilespmem:$0xAF0];
	v34 =	vadd.s32 $0x200B20, v25;
	[tilespmem:$0x1A90] =	vst v32  }
0xe5: {  	v37 =	vld [tilespmem:$0xB00];
	v36 =	vadd.s32 $0x200B20, v27;
	[tilespmem:$0x1AA0] =	vst v34  }
0xe6: {  	v39 =	vld [tilespmem:$0xB10];
	v38 =	vadd.s32 $0x200B20, v29;
	[tilespmem:$0x1AB0] =	vst v36  }
0xe7: {  	v41 =	vld [tilespmem:$0xB20];
	v40 =	vadd.s32 $0x200B20, v31;
	[tilespmem:$0x1AC0] =	vst v38  }
0xe8: {  	v43 =	vld [tilespmem:$0xB30];
	v42 =	vadd.s32 $0x200B20, v33;
	[tilespmem:$0x1AD0] =	vst v40  }
0xe9: {  	v45 =	vld [tilespmem:$0xB40];
	v44 =	vadd.s32 $0x200B20, v35;
	[tilespmem:$0x1AE0] =	vst v42  }
0xea: {  	v47 =	vld [tilespmem:$0xB50];
	v46 =	vadd.s32 $0x2191C0, v37;
	[tilespmem:$0x1AF0] =	vst v44  }
0xeb: {  	v49 =	vld [tilespmem:$0xB60];
	v48 =	vadd.s32 $0x2191C0, v39;
	[tilespmem:$0x1B00] =	vst v46  }
0xec: {  	v51 =	vld [tilespmem:$0xB70];
	v50 =	vadd.s32 $0x2191C0, v41;
	[tilespmem:$0x1B10] =	vst v48  }
0xed: {  	v53 =	vld [tilespmem:$0xB80];
	v52 =	vadd.s32 $0x2191C0, v43;
	[tilespmem:$0x1B20] =	vst v50  }
0xee: {  	v55 =	vld [tilespmem:$0xB90];
	v54 =	vadd.s32 $0x2191C0, v45;
	[tilespmem:$0x1B30] =	vst v52  }
0xef: {  	v57 =	vld [tilespmem:$0xBA0];
	v56 =	vadd.s32 $0x2191C0, v47;
	[tilespmem:$0x1B40] =	vst v54  }
0xf0: {  	v58 =	vadd.s32 $0x2191C0, v49;
	v59 =	vld [tilespmem:$0xBB0];
	[tilespmem:$0x1B50] =	vst v56  }
0xf1: {  	v60 =	vadd.s32 $0x2191C0, v51;
	v61 =	vld [tilespmem:$0xBC0];
	[tilespmem:$0x1B60] =	vst v58  }
0xf2: {  	v62 =	vadd.s32 $0x231860, v53;
	v63 =	vld [tilespmem:$0xBD0];
	[tilespmem:$0x1B70] =	vst v60  }
0xf3: {  	v9 =	vld [tilespmem:$0xBE0];
	[tilespmem:$0x1B80] =	vst v62;
	v8 =	vadd.s32 $0x231860, v55  }
0xf4: {  	v11 =	vld [tilespmem:$0xBF0];
	v10 =	vadd.s32 $0x231860, v57;
	[tilespmem:$0x1B90] =	vst v8  }
0xf5: {  	v13 =	vld [tilespmem:$0xC00];
	[tilespmem:$0x1BA0] =	vst v10;
	v12 =	vadd.s32 $0x231860, v59  }
0xf6: {  	v15 =	vld [tilespmem:$0xC10];
	v14 =	vadd.s32 $0x231860, v61;
	[tilespmem:$0x1BB0] =	vst v12  }
0xf7: {  	v17 =	vld [tilespmem:$0xC20];
	v16 =	vadd.s32 $0x231860, v63;
	[tilespmem:$0x1BC0] =	vst v14  }
0xf8: {  	v19 =	vld [tilespmem:$0xC30];
	v18 =	vadd.s32 $0x231860, v9;
	[tilespmem:$0x1BD0] =	vst v16  }
0xf9: {  	v21 =	vld [tilespmem:$0xC40];
	v20 =	vadd.s32 $0x231860, v11;
	[tilespmem:$0x1BE0] =	vst v18  }
0xfa: {  	v23 =	vld [tilespmem:$0xC50];
	v22 =	vadd.s32 $0x249F00, v13;
	[tilespmem:$0x1BF0] =	vst v20  }
0xfb: {  	v25 =	vld [tilespmem:$0xC60];
	v24 =	vadd.s32 $0x249F00, v15;
	[tilespmem:$0x1C00] =	vst v22  }
0xfc: {  	v27 =	vld [tilespmem:$0xC70];
	v26 =	vadd.s32 $0x249F00, v17;
	[tilespmem:$0x1C10] =	vst v24  }
0xfd: {  	v29 =	vld [tilespmem:$0xC80];
	v28 =	vadd.s32 $0x249F00, v19;
	[tilespmem:$0x1C20] =	vst v26  }
0xfe: {  	v31 =	vld [tilespmem:$0xC90];
	v30 =	vadd.s32 $0x249F00, v21;
	[tilespmem:$0x1C30] =	vst v28  }
0xff: {  	v33 =	vld [tilespmem:$0xCA0];
	v32 =	vadd.s32 $0x249F00, v23;
	[tilespmem:$0x1C40] =	vst v30  }
0x100: {  	v35 =	vld [tilespmem:$0xCB0];
	v34 =	vadd.s32 $0x249F00, v25;
	[tilespmem:$0x1C50] =	vst v32  }
0x101: {  	v37 =	vld [tilespmem:$0xCC0];
	v36 =	vadd.s32 $0x249F00, v27;
	[tilespmem:$0x1C60] =	vst v34  }
0x102: {  	v39 =	vld [tilespmem:$0xCD0];
	v38 =	vadd.s32 $0x2625A0, v29;
	[tilespmem:$0x1C70] =	vst v36  }
0x103: {  	v41 =	vld [tilespmem:$0xCE0];
	v40 =	vadd.s32 $0x2625A0, v31;
	[tilespmem:$0x1C80] =	vst v38  }
0x104: {  	v43 =	vld [tilespmem:$0xCF0];
	v42 =	vadd.s32 $0x2625A0, v33;
	[tilespmem:$0x1C90] =	vst v40  }
0x105: {  	v44 =	vadd.s32 $0x2625A0, v35;
	[tilespmem:$0x1CA0] =	vst v42  }
0x106: {  	v45 =	vadd.s32 $0x2625A0, v37;
	[tilespmem:$0x1CB0] =	vst v44  }
0x107: {  	v46 =	vadd.s32 $0x2625A0, v39;
	[tilespmem:$0x1CC0] =	vst v45  }
0x108: {  	v47 =	vadd.s32 $0x2625A0, v41;
	[tilespmem:$0x1CD0] =	vst v46  }
0x109: {  	v48 =	vadd.s32 $0x2625A0, v43;
	[tilespmem:$0x1CE0] =	vst v47  }
0x10a: {  	[tilespmem:$0x1CF0] =	vst v48  }
0x10b: {  	[tilespmem:s23], [sflag:$0x5] =	stream.indirect.gather [hbm4b:s1+s21], $0x1, s22, s21, $0xb8;
	[tilespmem:$0x2B00] =	vst v63  }
0x10c: {  	_ =	swait.ge [sflag:s24], $0x400  }
0x10d: {  	[sflag:s24] =	ssyncset.done $0x0  }
0x10e: {  	[sflag:s24] =	ssyncadd.s32 $0xFFFFFC00  }
0x10f: {  	v49 =	vld [tilespmem:$0x1D00]  }
0x110: {  	v50 =	vld [tilespmem:$0x1D80]  }
0x111: {  	v51 =	vld [tilespmem:$0x1E00]  }
0x112: {  	v52 =	vld [tilespmem:$0x1E80]  }
0x113: {  	v53 =	vld [tilespmem:$0x1F00]  }
0x114: {  	v54 =	vld [tilespmem:$0x1F80]  }
0x115: {  	v7 =	vld [tilespmem:$0x2000]  }
0x116: {  	v8 =	vld [tilespmem:$0x2080]  }
0x117: {  	v9 =	vld [tilespmem:$0x1D10]  }
0x118: {  	v10 =	vld [tilespmem:$0x1D90]  }
0x119: {  	v11 =	vld [tilespmem:$0x1E10]  }
0x11a: {  	v12 =	vld [tilespmem:$0x1E90]  }
0x11b: {  	v13 =	vld [tilespmem:$0x1F10]  }
0x11c: {  	v14 =	vld [tilespmem:$0x1F90]  }
0x11d: {  	v15 =	vld [tilespmem:$0x2010]  }
0x11e: {  	v16 =	vld [tilespmem:$0x2090]  }
0x11f: {  	v17 =	vld [tilespmem:$0x1D20]  }
0x120: {  	v18 =	vld [tilespmem:$0x1DA0]  }
0x121: {  	v19 =	vld [tilespmem:$0x1E20]  }
0x122: {  	v20 =	vld [tilespmem:$0x1EA0]  }
0x123: {  	v21 =	vld [tilespmem:$0x1F20]  }
0x124: {  	v22 =	vld [tilespmem:$0x1FA0]  }
0x125: {  	v23 =	vld [tilespmem:$0x2020]  }
0x126: {  	v24 =	vld [tilespmem:$0x20A0]  }
0x127: {  	v25 =	vld [tilespmem:$0x1D30]  }
0x128: {  	v26 =	vld [tilespmem:$0x1DB0]  }
0x129: {  	v27 =	vld [tilespmem:$0x1E30]  }
0x12a: {  	v28 =	vld [tilespmem:$0x1EB0]  }
0x12b: {  	v29 =	vld [tilespmem:$0x1F30]  }
0x12c: {  	v30 =	vld [tilespmem:$0x1FB0]  }
0x12d: {  	v31 =	vld [tilespmem:$0x2030]  }
0x12e: {  	v32 =	vld [tilespmem:$0x20B0]  }
0x12f: {  	v33 =	vld [tilespmem:$0x1D40]  }
0x130: {  	v34 =	vld [tilespmem:$0x1DC0]  }
0x131: {  	v35 =	vld [tilespmem:$0x1E40]  }
0x132: {  	v36 =	vld [tilespmem:$0x1EC0]  }
0x133: {  	v37 =	vld [tilespmem:$0x1F40];
	v1 =	vadd.f32 v49, v0;
	v9 =	vadd.f32 v9, v0  }
0x134: {  	v56 =	vld [tilespmem:$0x1FC0];
	v55 =	vadd.f32 v17, v0;
	v57 =	vadd.f32 v25, v0  }
0x135: {  	v60 =	vld [tilespmem:$0x1D50];
	v40 =	vadd.f32 v33, v0;
	v1 =	vadd.f32 v50, v1  }
0x136: {  	v58 =	vld [tilespmem:$0x2040];
	v9 =	vadd.f32 v10, v9;
	v2 =	vadd.f32 v18, v55  }
0x137: {  	v59 =	vld [tilespmem:$0x20C0];
	v10 =	vadd.f32 v26, v57;
	v18 =	vadd.f32 v34, v40  }
0x138: {  	v61 =	vld [tilespmem:$0x1DD0];
	v1 =	vadd.f32 v51, v1;
	v9 =	vadd.f32 v11, v9  }
0x139: {  	v62 =	vld [tilespmem:$0x1E50];
	v2 =	vadd.f32 v19, v2;
	v10 =	vadd.f32 v27, v10  }
0x13a: {  	v63 =	vld [tilespmem:$0x1ED0];
	v11 =	vadd.f32 v60, v0;
	v45 =	vadd.f32 v35, v18  }
0x13b: {  	v38 =	vld [tilespmem:$0x1D70];
	v1 =	vadd.f32 v52, v1;
	v10 =	vadd.f32 v28, v10  }
0x13c: {  	v39 =	vld [tilespmem:$0x1DE0];
	v9 =	vadd.f32 v12, v9;
	v2 =	vadd.f32 v20, v2  }
0x13d: {  	v41 =	vld [tilespmem:$0x1DF0];
	v4 =	vadd.f32 v61, v11;
	v10 =	vadd.f32 v29, v10  }
0x13e: {  	v42 =	vld [tilespmem:$0x1E60];
	v1 =	vadd.f32 v53, v1;
	v9 =	vadd.f32 v13, v9  }
0x13f: {  	v2 =	vadd.f32 v21, v2;
	v10 =	vadd.f32 v30, v10;
	v30 =	vld [tilespmem:$0x1D60]  }
0x140: {  	v26 =	vld [tilespmem:$0x1F50];
	v4 =	vadd.f32 v62, v4;
	v1 =	vadd.f32 v54, v1  }
0x141: {  	v43 =	vld [tilespmem:$0x1E70];
	v9 =	vadd.f32 v14, v9;
	v2 =	vadd.f32 v22, v2  }
0x142: {  	v44 =	vld [tilespmem:$0x1EE0];
	v4 =	vadd.f32 v63, v4;
	v1 =	vadd.f32 v7, v1  }
0x143: {  	v46 =	vld [tilespmem:$0x1EF0];
	v9 =	vadd.f32 v15, v9;
	v2 =	vadd.f32 v23, v2  }
0x144: {  	v47 =	vld [tilespmem:$0x1F60];
	v10 =	vadd.f32 v31, v10;
	v15 =	vadd.f32 v30, v0  }
0x145: {  	v48 =	vld [tilespmem:$0x1F70];
	v4 =	vadd.f32 v26, v4;
	v0 =	vadd.f32 v38, v0  }
0x146: {  	v49 =	vld [tilespmem:$0x1FE0];
	v1 =	vadd.f32 v8, v1;
	v15 =	vadd.f32 v39, v15  }
0x147: {  	v27 =	vld [tilespmem:$0x1FD0];
	v9 =	vadd.f32 v16, v9;
	v0 =	vadd.f32 v41, v0  }
0x148: {  	v50 =	vld [tilespmem:$0x1FF0];
	v2 =	vadd.f32 v24, v2;
	v15 =	vadd.f32 v42, v15  }
0x149: {  	v28 =	vld [tilespmem:$0x2050];
	v8 =	vadd.f32 v36, v45;
	v0 =	vadd.f32 v43, v0  }
0x14a: {  	v51 =	vld [tilespmem:$0x2060];
	v10 =	vadd.f32 v32, v10;
	v11 =	vadd.f32 v44, v15  }
0x14b: {  	v29 =	vld [tilespmem:$0x20D0];
	v8 =	vadd.f32 v37, v8;
	v0 =	vadd.f32 v46, v0  }
0x14c: {  	v52 =	vld [tilespmem:$0x2070];
	v4 =	vadd.f32 v27, v4;
	v11 =	vadd.f32 v47, v11  }
0x14d: {  	v53 =	vld [tilespmem:$0x20E0];
	v8 =	vadd.f32 v56, v8;
	v0 =	vadd.f32 v48, v0  }
0x14e: {  	v54 =	vld [tilespmem:$0x20F0];
	[tilespmem:$0x2A00] =	vst v1;
	v4 =	vadd.f32 v28, v4;
	v5 =	vadd.f32 v49, v11  }
0x14f: {  	[tilespmem:$0x2A10] =	vst v9;
	v8 =	vadd.f32 v58, v8;
	v0 =	vadd.f32 v50, v0  }
0x150: {  	[tilespmem:$0x2A20] =	vst v2;
	v4 =	vadd.f32 v29, v4;
	v5 =	vadd.f32 v51, v5  }
0x151: {  	[tilespmem:$0x2A30] =	vst v10;
	v3 =	vadd.f32 v59, v8;
	v0 =	vadd.f32 v52, v0  }
0x152: {  	[tilespmem:$0x2A50] =	vst v4;
	v5 =	vadd.f32 v53, v5  }
0x153: {  	[tilespmem:$0x2A40] =	vst v3;
	v0 =	vadd.f32 v54, v0  }
0x154: {  	[tilespmem:$0x2A60] =	vst v5  }
0x155: {  	[tilespmem:$0x2A70] =	vst v0  }
0x156: {  	_ =	swait.ge [sflag:s25], $0x400  }
0x157: {  	[sflag:s25] =	ssyncset.done $0x0  }
0x158: {  	[sflag:s25] =	ssyncadd.s32 $0xFFFFFC00  }
0x159: {  	v55 =	vld [tilespmem:$0x2100]  }
0x15a: {  	v56 =	vld [tilespmem:$0x2180]  }
0x15b: {  	v8 =	vld [tilespmem:$0x2200]  }
0x15c: {  	v11 =	vld [tilespmem:$0x2280]  }
0x15d: {  	v12 =	vld [tilespmem:$0x2300]  }
0x15e: {  	v13 =	vld [tilespmem:$0x2380]  }
0x15f: {  	v14 =	vld [tilespmem:$0x2400]  }
0x160: {  	v15 =	vld [tilespmem:$0x2480]  }
0x161: {  	v57 =	vld [tilespmem:$0x2110]  }
0x162: {  	v58 =	vld [tilespmem:$0x2190]  }
0x163: {  	v59 =	vld [tilespmem:$0x2210]  }
0x164: {  	v19 =	vld [tilespmem:$0x2290]  }
0x165: {  	v20 =	vld [tilespmem:$0x2310]  }
0x166: {  	v21 =	vld [tilespmem:$0x2390]  }
0x167: {  	v22 =	vld [tilespmem:$0x2410]  }
0x168: {  	v23 =	vld [tilespmem:$0x2490]  }
0x169: {  	v60 =	vld [tilespmem:$0x2120]  }
0x16a: {  	v61 =	vld [tilespmem:$0x21A0]  }
0x16b: {  	v62 =	vld [tilespmem:$0x2220]  }
0x16c: {  	v63 =	vld [tilespmem:$0x22A0]  }
0x16d: {  	v28 =	vld [tilespmem:$0x2320]  }
0x16e: {  	v45 =	vld [tilespmem:$0x23A0]  }
0x16f: {  	v46 =	vld [tilespmem:$0x2420]  }
0x170: {  	v47 =	vld [tilespmem:$0x24A0]  }
0x171: {  	v48 =	vld [tilespmem:$0x2130]  }
0x172: {  	v49 =	vld [tilespmem:$0x21B0]  }
0x173: {  	v50 =	vld [tilespmem:$0x2230]  }
0x174: {  	v51 =	vld [tilespmem:$0x22B0]  }
0x175: {  	v52 =	vld [tilespmem:$0x2330]  }
0x176: {  	v53 =	vld [tilespmem:$0x23B0]  }
0x177: {  	v38 =	vld [tilespmem:$0x2430]  }
0x178: {  	v39 =	vld [tilespmem:$0x24B0]  }
0x179: {  	v40 =	vld [tilespmem:$0x2140]  }
0x17a: {  	v35 =	vld [tilespmem:$0x2160]  }
0x17b: {  	v36 =	vld [tilespmem:$0x2170]  }
0x17c: {  	v41 =	vld [tilespmem:$0x21C0]  }
0x17d: {  	v42 =	vld [tilespmem:$0x2240];
	v1 =	vadd.f32 v55, v1;
	v9 =	vadd.f32 v57, v9  }
0x17e: {  	v37 =	vld [tilespmem:$0x21E0];
	v2 =	vadd.f32 v60, v2;
	v10 =	vadd.f32 v48, v10  }
0x17f: {  	v54 =	vld [tilespmem:$0x22C0];
	v3 =	vadd.f32 v40, v3;
	v5 =	vadd.f32 v35, v5  }
0x180: {  	v32 =	vld [tilespmem:$0x23D0];
	v0 =	vadd.f32 v36, v0;
	v1 =	vadd.f32 v56, v1  }
0x181: {  	v40 =	vld [tilespmem:$0x2260];
	v9 =	vadd.f32 v58, v9;
	v2 =	vadd.f32 v61, v2  }
0x182: {  	v33 =	vld [tilespmem:$0x2450];
	v10 =	vadd.f32 v49, v10;
	v3 =	vadd.f32 v41, v3  }
0x183: {  	v34 =	vld [tilespmem:$0x24D0];
	v5 =	vadd.f32 v37, v5;
	v1 =	vadd.f32 v8, v1  }
0x184: {  	v44 =	vld [tilespmem:$0x22E0];
	v9 =	vadd.f32 v59, v9;
	v10 =	vadd.f32 v50, v10  }
0x185: {  	v43 =	vld [tilespmem:$0x2270];
	v2 =	vadd.f32 v62, v2;
	v3 =	vadd.f32 v42, v3  }
0x186: {  	v55 =	vld [tilespmem:$0x2340];
	v5 =	vadd.f32 v40, v5;
	v10 =	vadd.f32 v51, v10  }
0x187: {  	v57 =	vld [tilespmem:$0x2440];
	v1 =	vadd.f32 v11, v1;
	v9 =	vadd.f32 v19, v9  }
0x188: {  	v59 =	vld [tilespmem:$0x2150];
	v2 =	vadd.f32 v63, v2;
	v10 =	vadd.f32 v52, v10  }
0x189: {  	v60 =	vld [tilespmem:$0x21D0];
	v3 =	vadd.f32 v54, v3;
	v5 =	vadd.f32 v44, v5  }
0x18a: {  	v56 =	vld [tilespmem:$0x23C0];
	v1 =	vadd.f32 v12, v1;
	v10 =	vadd.f32 v53, v10  }
0x18b: {  	v61 =	vld [tilespmem:$0x2250];
	v9 =	vadd.f32 v20, v9;
	v2 =	vadd.f32 v28, v2  }
0x18c: {  	v3 =	vadd.f32 v55, v3;
	v10 =	vadd.f32 v38, v10;
	v38 =	vld [tilespmem:$0x21F0]  }
0x18d: {  	v48 =	vld [tilespmem:$0x23E0];
	v4 =	vadd.f32 v59, v4;
	v1 =	vadd.f32 v13, v1  }
0x18e: {  	v62 =	vld [tilespmem:$0x22D0];
	v9 =	vadd.f32 v21, v9;
	v2 =	vadd.f32 v45, v2  }
0x18f: {  	v63 =	vld [tilespmem:$0x2350];
	v3 =	vadd.f32 v56, v3;
	v4 =	vadd.f32 v60, v4  }
0x190: {  	v45 =	vld [tilespmem:$0x22F0];
	v1 =	vadd.f32 v14, v1;
	v2 =	vadd.f32 v46, v2  }
0x191: {  	v46 =	vld [tilespmem:$0x2360];
	v4 =	vadd.f32 v61, v4;
	v0 =	vadd.f32 v38, v0  }
0x192: {  	v9 =	vadd.f32 v22, v9;
	v2 =	vadd.f32 v47, v2;
	v47 =	vld [tilespmem:$0x2370]  }
0x193: {  	v58 =	vld [tilespmem:$0x24C0];
	v4 =	vadd.f32 v62, v4;
	v0 =	vadd.f32 v43, v0  }
0x194: {  	v49 =	vld [tilespmem:$0x23F0];
	v3 =	vadd.f32 v57, v3;
	v1 =	vadd.f32 v15, v1  }
0x195: {  	v50 =	vld [tilespmem:$0x2460];
	v4 =	vadd.f32 v63, v4;
	v0 =	vadd.f32 v45, v0  }
0x196: {  	v51 =	vld [tilespmem:$0x2470];
	v9 =	vadd.f32 v23, v9;
	v5 =	vadd.f32 v46, v5  }
0x197: {  	v52 =	vld [tilespmem:$0x24E0];
	v4 =	vadd.f32 v32, v4;
	v0 =	vadd.f32 v47, v0  }
0x198: {  	v53 =	vld [tilespmem:$0x24F0];
	v10 =	vadd.f32 v39, v10;
	[tilespmem:$0x2A00] =	vst v1;
	v5 =	vadd.f32 v48, v5  }
0x199: {  	[tilespmem:$0x2A10] =	vst v9;
	v4 =	vadd.f32 v33, v4;
	v0 =	vadd.f32 v49, v0  }
0x19a: {  	v3 =	vadd.f32 v58, v3;
	[tilespmem:$0x2A20] =	vst v2;
	v5 =	vadd.f32 v50, v5  }
0x19b: {  	[tilespmem:$0x2A30] =	vst v10;
	v4 =	vadd.f32 v34, v4;
	v0 =	vadd.f32 v51, v0  }
0x19c: {  	[tilespmem:$0x2A40] =	vst v3;
	v5 =	vadd.f32 v52, v5  }
0x19d: {  	[tilespmem:$0x2A50] =	vst v4;
	v0 =	vadd.f32 v53, v0  }
0x19e: {  	[tilespmem:$0x2A60] =	vst v5  }
0x19f: {  	[tilespmem:$0x2A70] =	vst v0  }
0x1a0: {  	_ =	swait.ge [sflag:s26], $0x500  }
0x1a1: {  	[sflag:s26] =	ssyncset.done $0x0  }
0x1a2: {  	[sflag:s26] =	ssyncadd.s32 $0xFFFFFB00  }
0x1a3: {  	v54 =	vld [tilespmem:$0x2500]  }
0x1a4: {  	v7 =	vld [tilespmem:$0x2580]  }
0x1a5: {  	v8 =	vld [tilespmem:$0x2600]  }
0x1a6: {  	v11 =	vld [tilespmem:$0x2680]  }
0x1a7: {  	v12 =	vld [tilespmem:$0x2700]  }
0x1a8: {  	v13 =	vld [tilespmem:$0x2780]  }
0x1a9: {  	v14 =	vld [tilespmem:$0x2800]  }
0x1aa: {  	v15 =	vld [tilespmem:$0x2880]  }
0x1ab: {  	v16 =	vld [tilespmem:$0x2900]  }
0x1ac: {  	v17 =	vld [tilespmem:$0x2980]  }
0x1ad: {  	v55 =	vld [tilespmem:$0x2510]  }
0x1ae: {  	v19 =	vld [tilespmem:$0x2590]  }
0x1af: {  	v20 =	vld [tilespmem:$0x2610]  }
0x1b0: {  	v21 =	vld [tilespmem:$0x2690]  }
0x1b1: {  	v22 =	vld [tilespmem:$0x2710]  }
0x1b2: {  	v23 =	vld [tilespmem:$0x2790]  }
0x1b3: {  	v24 =	vld [tilespmem:$0x2810]  }
0x1b4: {  	v25 =	vld [tilespmem:$0x2890]  }
0x1b5: {  	v26 =	vld [tilespmem:$0x2910]  }
0x1b6: {  	v27 =	vld [tilespmem:$0x2990]  }
0x1b7: {  	v56 =	vld [tilespmem:$0x2520]  }
0x1b8: {  	v57 =	vld [tilespmem:$0x25A0]  }
0x1b9: {  	v58 =	vld [tilespmem:$0x2620]  }
0x1ba: {  	v59 =	vld [tilespmem:$0x26A0]  }
0x1bb: {  	v32 =	vld [tilespmem:$0x2720]  }
0x1bc: {  	v33 =	vld [tilespmem:$0x27A0]  }
0x1bd: {  	v34 =	vld [tilespmem:$0x2820]  }
0x1be: {  	v35 =	vld [tilespmem:$0x28A0]  }
0x1bf: {  	v36 =	vld [tilespmem:$0x2920]  }
0x1c0: {  	v37 =	vld [tilespmem:$0x29A0]  }
0x1c1: {  	v60 =	vld [tilespmem:$0x2530]  }
0x1c2: {  	v61 =	vld [tilespmem:$0x25B0]  }
0x1c3: {  	v62 =	vld [tilespmem:$0x2630]  }
0x1c4: {  	v63 =	vld [tilespmem:$0x26B0]  }
0x1c5: {  	v52 =	vld [tilespmem:$0x2730]  }
0x1c6: {  	v43 =	vld [tilespmem:$0x27B0]  }
0x1c7: {  	v44 =	vld [tilespmem:$0x2830]  }
0x1c8: {  	v45 =	vld [tilespmem:$0x28B0]  }
0x1c9: {  	v46 =	vld [tilespmem:$0x2930]  }
0x1ca: {  	v47 =	vld [tilespmem:$0x29B0]  }
0x1cb: {  	v48 =	vld [tilespmem:$0x2540]  }
0x1cc: {  	v39 =	vld [tilespmem:$0x2560]  }
0x1cd: {  	v40 =	vld [tilespmem:$0x2570]  }
0x1ce: {  	v49 =	vld [tilespmem:$0x25C0]  }
0x1cf: {  	v41 =	vld [tilespmem:$0x25E0];
	v1 =	vadd.f32 v54, v1;
	v9 =	vadd.f32 v55, v9  }
0x1d0: {  	v42 =	vld [tilespmem:$0x25F0];
	v2 =	vadd.f32 v56, v2;
	v10 =	vadd.f32 v60, v10  }
0x1d1: {  	v50 =	vld [tilespmem:$0x2640];
	v3 =	vadd.f32 v48, v3;
	v5 =	vadd.f32 v39, v5  }
0x1d2: {  	v53 =	vld [tilespmem:$0x26C0];
	v0 =	vadd.f32 v40, v0;
	v1 =	vadd.f32 v7, v1  }
0x1d3: {  	v38 =	vld [tilespmem:$0x29D0];
	v9 =	vadd.f32 v19, v9;
	v2 =	vadd.f32 v57, v2  }
0x1d4: {  	v51 =	vld [tilespmem:$0x2860];
	v10 =	vadd.f32 v61, v10;
	v3 =	vadd.f32 v49, v3  }
0x1d5: {  	v54 =	vld [tilespmem:$0x2740];
	v5 =	vadd.f32 v41, v5;
	v0 =	vadd.f32 v42, v0  }
0x1d6: {  	v55 =	vld [tilespmem:$0x27C0];
	v1 =	vadd.f32 v8, v1;
	v9 =	vadd.f32 v20, v9  }
0x1d7: {  	v56 =	vld [tilespmem:$0x2840];
	v2 =	vadd.f32 v58, v2;
	v10 =	vadd.f32 v62, v10  }
0x1d8: {  	v58 =	vld [tilespmem:$0x2550];
	v3 =	vadd.f32 v50, v3;
	v1 =	vadd.f32 v11, v1  }
0x1d9: {  	v60 =	vld [tilespmem:$0x2650];
	v9 =	vadd.f32 v21, v9;
	v2 =	vadd.f32 v59, v2  }
0x1da: {  	v48 =	vld [tilespmem:$0x2770];
	v10 =	vadd.f32 v63, v10;
	v3 =	vadd.f32 v53, v3  }
0x1db: {  	v59 =	vld [tilespmem:$0x25D0];
	v1 =	vadd.f32 v12, v1;
	v9 =	vadd.f32 v22, v9  }
0x1dc: {  	v57 =	vld [tilespmem:$0x28C0];
	v2 =	vadd.f32 v32, v2;
	v10 =	vadd.f32 v52, v10  }
0x1dd: {  	v61 =	vld [tilespmem:$0x26D0];
	v3 =	vadd.f32 v54, v3;
	v4 =	vadd.f32 v58, v4  }
0x1de: {  	v49 =	vld [tilespmem:$0x27E0];
	v1 =	vadd.f32 v13, v1;
	v9 =	vadd.f32 v23, v9  }
0x1df: {  	v20 =	vld [tilespmem:$0x2940];
	v2 =	vadd.f32 v33, v2;
	v10 =	vadd.f32 v43, v10  }
0x1e0: {  	v62 =	vld [tilespmem:$0x2750];
	v3 =	vadd.f32 v55, v3;
	v4 =	vadd.f32 v59, v4  }
0x1e1: {  	v50 =	vld [tilespmem:$0x27F0];
	v1 =	vadd.f32 v14, v1;
	v10 =	vadd.f32 v44, v10  }
0x1e2: {  	v43 =	vld [tilespmem:$0x2660];
	v9 =	vadd.f32 v24, v9;
	v2 =	vadd.f32 v34, v2  }
0x1e3: {  	v11 =	vld [tilespmem:$0x29C0];
	v3 =	vadd.f32 v56, v3;
	v10 =	vadd.f32 v45, v10  }
0x1e4: {  	v44 =	vld [tilespmem:$0x2670];
	v4 =	vadd.f32 v60, v4;
	v1 =	vadd.f32 v15, v1  }
0x1e5: {  	v9 =	vadd.f32 v25, v9;
	v45 =	vld [tilespmem:$0x26E0];
	v10 =	vadd.f32 v46, v10  }
0x1e6: {  	v2 =	vadd.f32 v35, v2;
	v3 =	vadd.f32 v57, v3;
	v46 =	vld [tilespmem:$0x26F0]  }
0x1e7: {  	v5 =	vadd.f32 v43, v5;
	v10 =	vadd.f32 v47, v10;
	v47 =	vld [tilespmem:$0x2760]  }
0x1e8: {  	v63 =	vld [tilespmem:$0x27D0];
	v4 =	vadd.f32 v61, v4;
	v1 =	vadd.f32 v16, v1  }
0x1e9: {  	v53 =	vld [tilespmem:$0x28E0];
	v9 =	vadd.f32 v26, v9;
	v0 =	vadd.f32 v44, v0  }
0x1ea: {  	v32 =	vld [tilespmem:$0x2850];
	v2 =	vadd.f32 v36, v2;
	v5 =	vadd.f32 v45, v5  }
0x1eb: {  	v52 =	vld [tilespmem:$0x2870];
	v4 =	vadd.f32 v62, v4;
	v0 =	vadd.f32 v46, v0  }
0x1ec: {  	v33 =	vld [tilespmem:$0x28D0];
	v58 =	vadd.f32 v20, v3;
	v5 =	vadd.f32 v47, v5  }
0x1ed: {  	v54 =	vld [tilespmem:$0x28F0];
	v4 =	vadd.f32 v63, v4;
	v0 =	vadd.f32 v48, v0  }
0x1ee: {  	v34 =	vld [tilespmem:$0x2950];
	v1 =	vadd.f32 v17, v1;
	v5 =	vadd.f32 v49, v5  }
0x1ef: {  	v55 =	vld [tilespmem:$0x2960];
	v4 =	vadd.f32 v32, v4;
	v0 =	vadd.f32 v50, v0  }
0x1f0: {  	v56 =	vld [tilespmem:$0x2970];
	v9 =	vadd.f32 v27, v9;
	v5 =	vadd.f32 v51, v5  }
0x1f1: {  	v57 =	vld [tilespmem:$0x29E0];
	v4 =	vadd.f32 v33, v4;
	v0 =	vadd.f32 v52, v0  }
0x1f2: {  	v60 =	vld [tilespmem:$0x29F0];
	v2 =	vadd.f32 v37, v2;
	[tilespmem:$0x2A00] =	vst v1;
	v59 =	vadd.f32 v53, v5  }
0x1f3: {  	[tilespmem:$0x2A10] =	vst v9;
	v4 =	vadd.f32 v34, v4;
	v0 =	vadd.f32 v54, v0  }
0x1f4: {  	[tilespmem:$0x2A20] =	vst v2;
	v1 =	vadd.f32 v11, v58;
	v61 =	vadd.f32 v55, v59  }
0x1f5: {  	[tilespmem:$0x2A30] =	vst v10;
	v62 =	vadd.f32 v38, v4;
	v0 =	vadd.f32 v56, v0  }
0x1f6: {  	[tilespmem:$0x2A40] =	vst v1;
	v63 =	vadd.f32 v57, v61  }
0x1f7: {  	[tilespmem:$0x2A50] =	vst v62;
	v0 =	vadd.f32 v60, v0  }
0x1f8: {  	p0 =	sne.s32 s9, $0x1;
	[tilespmem:$0x2A60] =	vst v63  }
.Ltmp0:
0x1f9: {  	[tilespmem:$0x2A70] =	vst v0;
	(pc) =	sbr.rel @p0 .LBB2_1-.Ltmp0, $4  }
0x1fa: {  	[hbm4b:s8+s4] =	stream.linear.scatter [tilespmem:s28], [sflag:$0x6], $0x80, $0x38;
	[tilespmem:$0x2B00] =	vst v63  }
0x1fb: {  	_ =	swait.ge [sflag:s14], $0x80  }
0x1fc: {  	[sflag:s14] =	ssyncset.done $0x0  }
0x1fd: {  	s9 =	sadd.s32 $0xFFFFFFFF, s9;
	[sflag:s14] =	ssyncadd.s32 $0xFFFFFF80  }
0x1fe: {  	_ =	sfence.sel $0x180000  }
0x1ff: {  	[bflag:$0x0] =	sbarrier.arrive $0xFFFF  }
0x200: {  	p0 =	sne.s32 s0, $0x0;
	_ =	strace $0x90000047  }
0x201: {  	s0 =	sadd.s32 @!p0 $0x100000, s2;
	[bflag:$0x2] =	sbarrier.arrive $0xFFFF  }
0x202: {  	[sflag:s0] =	ssyncadd.tile.s32 @!p0 $0x1;
	_ =	shalt  }
.Lfunc_end2:
_tile_overlayer_lowered:
.L_overlay_start_2:
0x203: {  	(tag) =	ssettag $0x2  }
0x204: {  	s0 =	rddreg [dreg:$0x0];
	s2 =	stileid.u32  }
0x205: {  	s1 =	rddreg [dreg:$0x1];
	p0 =	sne.s32 s2, $0x0  }
0x206: {  	s3 =	rddreg [dreg:$0x2];
	[bflag:$0x3] =	sbarrier.arrive $0xFFFF;
	s2 =	simm.s32 @!p0 $0x1C06  }
0x207: {  	[timem:s3], [sflag:s2] =	dma.local @!p0 [hbm:s0], s1  }
0x208: {  	s0 =	simm.s32 @!p0 $0x6  }
0x209: {  	_ =	swait.ge @!p0 [sflag:s0], s1  }
0x20a: {  	s1 =	ssub.s32 @!p0 $0x0, s1;
	[sflag:s0] =	ssyncset.done @!p0 $0x0  }
0x20b: {  	[sflag:s0] =	ssyncadd.s32 @!p0 s1  }
0x20c: {  	[bflag:$0x3] =	sbarrier.arrive $0xFFFF  }
0x20d: {  	_ =	shalt  }

</sc_bundles>
